<compile_context>
chip_gen: v7x
topology: tpu7x:2x2x1
jax: 0.10.2.dev20260603
libtpu: 0.0.44.dev20260713+nightly
codegen_flags: <defaults>
</compile_context>

<pallas_src>
import functools

import jax
import jax.numpy as jnp
from jax import lax
from jax.experimental import pallas as pl
from jax.experimental.pallas import tpu as pltpu
from jax.experimental.pallas import tpu_sc as plsc

_L, _K, _C = 2, 2048, 1024
_B, _T = 64, 4096
_BK = 512
_NC, _NS, _LANES = 2, 16, 16
_RPT = 4
_UNROLL = 4



def _lane_reduce(v, op):
    idx = lax.iota(jnp.int32, _LANES)
    for s in (8, 4, 2, 1):
        v = op(v, v.at[idx ^ s].get(mode="promise_in_bounds"))
    return v


def _row_stats(buf, r, with_sq):
    def body(i, carry):
        ms, ss = carry
        new_ms, new_ss = [], []
        for u in range(_UNROLL):
            v = buf[r, pl.ds((i * _UNROLL + u) * _LANES, _LANES)]
            new_ms.append(jnp.maximum(ms[u], v))
            if with_sq:
                new_ss.append(ss[u] + v * v)
        return tuple(new_ms), (tuple(new_ss) if with_sq else ss)

    neg = jnp.full((_LANES,), -jnp.inf, jnp.float32)
    zero = jnp.zeros((_LANES,), jnp.float32)
    m0 = (neg,) * _UNROLL
    s0 = (zero,) * _UNROLL if with_sq else ()
    m, s = lax.fori_loop(0, _T // (_UNROLL * _LANES), body, (m0, s0))
    mv = jnp.maximum(jnp.maximum(m[0], m[1]), jnp.maximum(m[2], m[3]))
    rmax = _lane_reduce(mv, jnp.maximum)
    if with_sq:
        rsq = _lane_reduce((s[0] + s[1]) + (s[2] + s[3]), jnp.add)
        return rmax, rsq
    return rmax, None


def _sc_rowstats_body(p_hbm, oh_hbm, tf_hbm, stats_out, buf0, buf1,
                      outa, sem0, sem1):
    s = lax.axis_index("s")
    lane = lax.iota(jnp.int32, _LANES)
    base = s * _RPT

    cp_p = pltpu.async_copy(p_hbm.at[pl.ds(base, _RPT)], buf0, sem0)
    cp_oh = pltpu.async_copy(oh_hbm.at[pl.ds(base, _RPT)], buf1, sem1)

    v = jnp.zeros((_LANES,), jnp.float32)
    cp_p.wait()
    for r in range(_RPT):
        rmax, rsq = _row_stats(buf0, r, True)
        v = jnp.where(lane == r, rmax, v)
        v = jnp.where(lane == 12 + r, rsq, v)
    cp_tf = pltpu.async_copy(tf_hbm.at[pl.ds(base, _RPT)], buf0, sem0)
    cp_oh.wait()
    for r in range(_RPT):
        rmax, _ = _row_stats(buf1, r, False)
        v = jnp.where(lane == 4 + r, rmax, v)
    cp_tf.wait()
    for r in range(_RPT):
        rmax, _ = _row_stats(buf0, r, False)
        v = jnp.where(lane == 8 + r, rmax, v)
    outa[...] = v
    pltpu.sync_copy(outa, stats_out.at[s])


_sc_rowstats = functools.partial(
    pl.kernel,
    out_type=jax.ShapeDtypeStruct((_NS, _LANES), jnp.float32),
    mesh=plsc.VectorSubcoreMesh(core_axis_name="c", subcore_axis_name="s",
                                num_cores=1),
    scratch_types=[
        pltpu.VMEM((_RPT, _T), jnp.float32),
        pltpu.VMEM((_RPT, _T), jnp.float32),
        pltpu.VMEM((_LANES,), jnp.float32),
        pltpu.SemaphoreType.DMA,
        pltpu.SemaphoreType.DMA,
    ],
)(_sc_rowstats_body)



def _mpp_kernel(anchors_ref, variances_ref, sn_ref, sa_ref, out_ref, acc_ref):
    kb = pl.program_id(0)

    @pl.when(kb == 0)
    def _init():
        acc_ref[0] = 0.0

    part = jnp.float32(0.0)
    for l in range(_L):
        x = sn_ref[l]
        y = sa_ref[l]
        mu = anchors_ref[l:l + 1]
        inv_var = 1.0 / variances_ref[l:l + 1]
        dx = x - mu
        dy = y - mu
        d_pos = jnp.sqrt(jnp.sum(dx * dx * inv_var, axis=1, keepdims=True))
        d_neg = jnp.sqrt(jnp.sum(dy * dy * inv_var, axis=1, keepdims=True))
        part = part + jnp.sum(jnp.maximum(d_pos - d_neg + 1.0, 0.0))
    acc_ref[0] += part

    @pl.when(kb == _K // _BK - 1)
    def _finish():
        out_ref[0] = acc_ref[0] / _K


def _epilogue_kernel(stats_ref, mpp_ref, *out_ref):
    an = stats_ref[:, 0:_RPT]
    ohm = stats_ref[:, _RPT:2 * _RPT]
    tfm = stats_ref[:, 2 * _RPT:3 * _RPT] * 2.5
    ssq = stats_ref[:, 3 * _RPT:4 * _RPT]

    omax = jnp.max(ohm)
    omin = jnp.min(ohm)
    oh = jnp.where(omax > 1.0, (ohm - omin) / (omax - omin), ohm)
    tmax = jnp.max(tfm)
    tmin = jnp.min(tfm)
    tf = jnp.where(tmax > 1.0, (tfm - tmin) / (tmax - tmin), tfm)

    hp = jnp.maximum(oh, tf)
    hp_loss = jnp.mean((hp - an) ** 2)
    normal_loss = jnp.mean(jnp.sqrt(ssq))
    mpp_loss = mpp_ref[0]
    total_loss = normal_loss + mpp_loss
    nc_ref, nl_ref, mp_ref, tl_ref = out_ref
    nc_ref[0] = 0.9 * total_loss + hp_loss
    nl_ref[0] = normal_loss
    mp_ref[0] = mpp_loss
    tl_ref[0] = total_loss



def kernel(pre_normal_scores, oh_att, tf_att, anchors, variances,
           select_normals, select_abnormals):
    mpp = pl.pallas_call(
        _mpp_kernel,
        grid=(_K // _BK,),
        in_specs=[
            pl.BlockSpec((_L, _C), lambda kb: (0, 0)),
            pl.BlockSpec((_L, _C), lambda kb: (0, 0)),
            pl.BlockSpec((_L, _BK, _C), lambda kb: (0, kb, 0)),
            pl.BlockSpec((_L, _BK, _C), lambda kb: (0, kb, 0)),
        ],
        out_specs=pl.BlockSpec(memory_space=pltpu.SMEM),
        out_shape=jax.ShapeDtypeStruct((1,), jnp.float32),
        scratch_shapes=[pltpu.SMEM((1,), jnp.float32)],
    )(anchors, variances, select_normals, select_abnormals)

    stats = _sc_rowstats(pre_normal_scores, oh_att, tf_att)

    scalar = jax.ShapeDtypeStruct((1,), jnp.float32)
    out = pl.pallas_call(
        _epilogue_kernel,
        in_specs=[
            pl.BlockSpec((_NS, _LANES), lambda: (0, 0)),
            pl.BlockSpec(memory_space=pltpu.SMEM),
        ],
        out_specs=[pl.BlockSpec(memory_space=pltpu.SMEM)] * 4,
        out_shape=[scalar, scalar, scalar, scalar],
    )(stats, mpp)

    return tuple(o.reshape(()) for o in out)

# --- scband reference (transcript-rebuilt; emitter-appended) ---
"""Pipeline reference for scband-loss-computer-35820027248809 (READ-ONLY COPY).

The authoritative reference and input builder live on the scoring server;
editing this copy changes nothing except your own understanding.
"""

import jax, jax.numpy as jnp
import numpy as np

W_NORMAL = 1.0
W_MPP = 1.0
HPLOSS_W = 1.0


def setup_inputs(seed: int = 0) -> dict:
    key = jax.random.key(seed)
    ks = jax.random.split(key, 7)
    B, T = 64, 4096
    L, K, C = 2, 2048, 1024
    return {
        "pre_normal_scores": jax.random.uniform(ks[0], (B, T), dtype=jnp.float32),
        "oh_att": jax.random.uniform(ks[1], (B, T), dtype=jnp.float32),
        "tf_att": jax.random.uniform(ks[2], (B, T), dtype=jnp.float32),
        "anchors": jax.random.normal(ks[3], (L, C), dtype=jnp.float32),
        "variances": jax.random.uniform(ks[4], (L, C), dtype=jnp.float32),
        "select_normals": jax.random.normal(ks[5], (L, K, C), dtype=jnp.float32),
        "select_abnormals": jax.random.normal(ks[6], (L, K, C), dtype=jnp.float32),
    }


def _mahalanobis(x, mu, var):
    return jnp.sqrt(jnp.sum((x - mu) ** 2 / var, axis=-1))


def _normal_loss(scores):
    # torch.norm(scores, dim=1, p=2).mean()
    return jnp.mean(jnp.sqrt(jnp.sum(scores ** 2, axis=1)))


def _mpp_loss(anchors, variances, select_normals, select_abnormals):
    # TripletMarginWithDistanceLoss(distance=mahalanobis, margin=1) per BN layer, summed
    total = jnp.float32(0.0)
    L = anchors.shape[0]
    for i in range(L):
        a = anchors[i][None, :]
        var = variances[i][None, :]
        d_pos = _mahalanobis(select_normals[i], a, var)
        d_neg = _mahalanobis(select_abnormals[i], a, var)
        total = total + jnp.mean(jnp.maximum(d_pos - d_neg + 1.0, 0.0))
    return total


def _forward(pre_normal_scores, oh_att, tf_att, anchors, variances, select_normals, select_abnormals):
    t = pre_normal_scores.shape[1]
    k = t // 16 + 1
    normal_loss = _normal_loss(pre_normal_scores)
    anormaly = jnp.max(jax.lax.top_k(pre_normal_scores, k)[0], axis=-1)
    oh = jnp.max(jax.lax.top_k(oh_att, k)[0], axis=-1)
    oh = jnp.where(jnp.max(oh) > 1, (oh - jnp.min(oh)) / (jnp.max(oh) - jnp.min(oh)), oh)
    tf = jnp.max(jax.lax.top_k(tf_att * 2.5, k)[0], axis=-1)
    tf = jnp.where(jnp.max(tf) > 1, (tf - jnp.min(tf)) / (jnp.max(tf) - jnp.min(tf)), tf)
    hp = jnp.maximum(oh, tf)
    hp_loss = jnp.mean((hp - anormaly) ** 2)
    mpp_loss = _mpp_loss(anchors, variances, select_normals, select_abnormals)
    total_loss = W_NORMAL * normal_loss + W_MPP * mpp_loss
    new_cost = 0.9 * total_loss + HPLOSS_W * hp_loss
    return new_cost, normal_loss, mpp_loss, total_loss


def reference(pre_normal_scores, oh_att, tf_att, anchors, variances, select_normals, select_abnormals):
    return _forward(pre_normal_scores, oh_att, tf_att, anchors, variances, select_normals, select_abnormals)

if __name__ == "__main__":
    import jax
    _d = setup_inputs()
    print(jax.jit(kernel)(*tuple(_d.values())))

</pallas_src>

<mosaic_0001>
#map = affine_map<(d0, d1) -> (0, 0)>
module attributes {stable_mosaic.version = 14 : i64} {
  func.func @_sc_rowstats_body(%arg0: i32, %arg1: i32, %arg2: memref<64x4096xf32, #tpu.memory_space<hbm>>, %arg3: memref<64x4096xf32, #tpu.memory_space<hbm>>, %arg4: memref<64x4096xf32, #tpu.memory_space<hbm>>, %arg5: memref<16x16xf32, #tpu.memory_space<hbm>>, %arg6: memref<4x4096xf32, #tpu.memory_space<vmem>>, %arg7: memref<4x4096xf32, #tpu.memory_space<vmem>>, %arg8: memref<16xf32, #tpu.memory_space<vmem>>, %arg9: memref<!tpu.dma_semaphore, #tpu.memory_space<semaphore_mem>>, %arg10: memref<!tpu.dma_semaphore, #tpu.memory_space<semaphore_mem>>) attributes {dimension_semantics = [#tpu.dimension_semantics<core_parallel>, #tpu.dimension_semantics<subcore_parallel>], iteration_bounds = array<i64: 1, 16>, scalar_prefetch = 0 : i64, scratch_operands = 5 : i64, tpu.core_type = #tpu.core_type<sc_vector_subcore>, window_params = [{transform_indices = #map}, {transform_indices = #map}, {transform_indices = #map}, {transform_indices = #map}]} {
    %iota3A = tpu.iota {dimensions = array<i32: 0>} : vector<16xi32>
    %mul3A = arith.constant 4 : i32
    %mul3A_0 = arith.muli %arg1, %mul3A : i32
    %dma_start3A = arith.constant 0 : i32
    %dma_start3A_1 = tpu.memref_slice %arg2[%mul3A_0, %dma_start3A] : memref<64x4096xf32, #tpu.memory_space<hbm>> -> memref<4x4096xf32, #tpu.memory_space<hbm>>
    %dma_start3A_2 = arith.constant 0 : i32
    %dma_start3A_3 = tpu.memref_slice %arg2[%mul3A_0, %dma_start3A_2] : memref<64x4096xf32, #tpu.memory_space<hbm>> -> memref<4x4096xf32, #tpu.memory_space<hbm>>
    tpu.enqueue_dma source(%dma_start3A_3 : memref<4x4096xf32, #tpu.memory_space<hbm>>) target(%arg6 : memref<4x4096xf32, #tpu.memory_space<vmem>>) target_semaphore(%arg9 : memref<!tpu.dma_semaphore, #tpu.memory_space<semaphore_mem>>)
    %dma_start3A_4 = arith.constant 0 : i32
    %dma_start3A_5 = tpu.memref_slice %arg3[%mul3A_0, %dma_start3A_4] : memref<64x4096xf32, #tpu.memory_space<hbm>> -> memref<4x4096xf32, #tpu.memory_space<hbm>>
    %dma_start3A_6 = arith.constant 0 : i32
    %dma_start3A_7 = tpu.memref_slice %arg3[%mul3A_0, %dma_start3A_6] : memref<64x4096xf32, #tpu.memory_space<hbm>> -> memref<4x4096xf32, #tpu.memory_space<hbm>>
    tpu.enqueue_dma source(%dma_start3A_7 : memref<4x4096xf32, #tpu.memory_space<hbm>>) target(%arg7 : memref<4x4096xf32, #tpu.memory_space<vmem>>) target_semaphore(%arg10 : memref<!tpu.dma_semaphore, #tpu.memory_space<semaphore_mem>>)
    %broadcast_in_dim3A = arith.constant 0.000000e+00 : f32
    %broadcast_in_dim3A_8 = vector.broadcast %broadcast_in_dim3A : f32 to vector<16xf32>
    %dma_wait3A = arith.constant 0 : i32
    %dma_wait3A_9 = tpu.memref_slice %arg2[%mul3A_0, %dma_wait3A] : memref<64x4096xf32, #tpu.memory_space<hbm>> -> memref<4x4096xf32, #tpu.memory_space<hbm>>
    %dma_wait3A_10 = arith.constant 0 : i32
    %dma_wait3A_11 = tpu.memref_slice %arg2[%mul3A_0, %dma_wait3A_10] : memref<64x4096xf32, #tpu.memory_space<hbm>> -> memref<4x4096xf32, #tpu.memory_space<hbm>>
    tpu.wait_dma2 semaphore(%arg9 : memref<!tpu.dma_semaphore, #tpu.memory_space<semaphore_mem>>) src(%dma_wait3A_11 : memref<4x4096xf32, #tpu.memory_space<hbm>>) dst(%arg6 : memref<4x4096xf32, #tpu.memory_space<vmem>>)
    %broadcast_in_dim3A_12 = arith.constant 0xFF800000 : f32
    %broadcast_in_dim3A_13 = vector.broadcast %broadcast_in_dim3A_12 : f32 to vector<16xf32>
    %broadcast_in_dim3A_14 = arith.constant 0.000000e+00 : f32
    %broadcast_in_dim3A_15 = vector.broadcast %broadcast_in_dim3A_14 : f32 to vector<16xf32>
    %scan3A = arith.constant 0 : i32
    %scan3A_16 = arith.constant 64 : i32
    %scan3A_17 = arith.addi %scan3A, %scan3A_16 : i32
    %scan3A_18 = arith.constant 1 : i32
    %scan3A_19:8 = scf.for %scan3A_1163 = %scan3A to %scan3A_17 step %scan3A_18 iter_args(%scan3A_1164 = %broadcast_in_dim3A_13, %scan3A_1165 = %broadcast_in_dim3A_13, %scan3A_1166 = %broadcast_in_dim3A_13, %scan3A_1167 = %broadcast_in_dim3A_13, %scan3A_1168 = %broadcast_in_dim3A_15, %scan3A_1169 = %broadcast_in_dim3A_15, %scan3A_1170 = %broadcast_in_dim3A_15, %scan3A_1171 = %broadcast_in_dim3A_15) -> (vector<16xf32>, vector<16xf32>, vector<16xf32>, vector<16xf32>, vector<16xf32>, vector<16xf32>, vector<16xf32>, vector<16xf32>)  : i32 {
      %mul3A_1172 = arith.constant 4 : i32
      %mul3A_1173 = arith.muli %scan3A_1163, %mul3A_1172 : i32
      %add3A_1174 = arith.constant 0 : i32
      %add3A_1175 = arith.addi %mul3A_1173, %add3A_1174 : i32
      %mul3A_1176 = arith.constant 16 : i32
      %mul3A_1177 = arith.muli %add3A_1175, %mul3A_1176 : i32
      %get3A = arith.constant 0 : i32
      %get3A_1178 = arith.index_cast %get3A : i32 to index
      %get3A_1179 = arith.index_cast %mul3A_1177 : i32 to index
      %get3A_1180 = tpu.vector_load %arg6[%get3A_1178, %get3A_1179] {strides = array<i32>} : memref<4x4096xf32, #tpu.memory_space<vmem>>, vector<1x16xf32>,
      %get3A_1181 = vector.shape_cast %get3A_1180 : vector<1x16xf32> to vector<16xf32>
      %max3A_1182 = arith.maximumf %scan3A_1164, %get3A_1181 : vector<16xf32>
      %mul3A_1183 = arith.mulf %get3A_1181, %get3A_1181 : vector<16xf32>
      %add3A_1184 = arith.addf %scan3A_1168, %mul3A_1183 : vector<16xf32>
      %mul3A_1185 = arith.constant 4 : i32
      %mul3A_1186 = arith.muli %scan3A_1163, %mul3A_1185 : i32
      %add3A_1187 = arith.constant 1 : i32
      %add3A_1188 = arith.addi %mul3A_1186, %add3A_1187 : i32
      %mul3A_1189 = arith.constant 16 : i32
      %mul3A_1190 = arith.muli %add3A_1188, %mul3A_1189 : i32
      %get3A_1191 = arith.constant 0 : i32
      %get3A_1192 = arith.index_cast %get3A_1191 : i32 to index
      %get3A_1193 = arith.index_cast %mul3A_1190 : i32 to index
      %get3A_1194 = tpu.vector_load %arg6[%get3A_1192, %get3A_1193] {strides = array<i32>} : memref<4x4096xf32, #tpu.memory_space<vmem>>, vector<1x16xf32>,
      %get3A_1195 = vector.shape_cast %get3A_1194 : vector<1x16xf32> to vector<16xf32>
      %max3A_1196 = arith.maximumf %scan3A_1165, %get3A_1195 : vector<16xf32>
      %mul3A_1197 = arith.mulf %get3A_1195, %get3A_1195 : vector<16xf32>
      %add3A_1198 = arith.addf %scan3A_1169, %mul3A_1197 : vector<16xf32>
      %mul3A_1199 = arith.constant 4 : i32
      %mul3A_1200 = arith.muli %scan3A_1163, %mul3A_1199 : i32
      %add3A_1201 = arith.constant 2 : i32
      %add3A_1202 = arith.addi %mul3A_1200, %add3A_1201 : i32
      %mul3A_1203 = arith.constant 16 : i32
      %mul3A_1204 = arith.muli %add3A_1202, %mul3A_1203 : i32
      %get3A_1205 = arith.constant 0 : i32
      %get3A_1206 = arith.index_cast %get3A_1205 : i32 to index
      %get3A_1207 = arith.index_cast %mul3A_1204 : i32 to index
      %get3A_1208 = tpu.vector_load %arg6[%get3A_1206, %get3A_1207] {strides = array<i32>} : memref<4x4096xf32, #tpu.memory_space<vmem>>, vector<1x16xf32>,
      %get3A_1209 = vector.shape_cast %get3A_1208 : vector<1x16xf32> to vector<16xf32>
      %max3A_1210 = arith.maximumf %scan3A_1166, %get3A_1209 : vector<16xf32>
      %mul3A_1211 = arith.mulf %get3A_1209, %get3A_1209 : vector<16xf32>
      %add3A_1212 = arith.addf %scan3A_1170, %mul3A_1211 : vector<16xf32>
      %mul3A_1213 = arith.constant 4 : i32
      %mul3A_1214 = arith.muli %scan3A_1163, %mul3A_1213 : i32
      %add3A_1215 = arith.constant 3 : i32
      %add3A_1216 = arith.addi %mul3A_1214, %add3A_1215 : i32
      %mul3A_1217 = arith.constant 16 : i32
      %mul3A_1218 = arith.muli %add3A_1216, %mul3A_1217 : i32
      %get3A_1219 = arith.constant 0 : i32
      %get3A_1220 = arith.index_cast %get3A_1219 : i32 to index
      %get3A_1221 = arith.index_cast %mul3A_1218 : i32 to index
      %get3A_1222 = tpu.vector_load %arg6[%get3A_1220, %get3A_1221] {strides = array<i32>} : memref<4x4096xf32, #tpu.memory_space<vmem>>, vector<1x16xf32>,
      %get3A_1223 = vector.shape_cast %get3A_1222 : vector<1x16xf32> to vector<16xf32>
      %max3A_1224 = arith.maximumf %scan3A_1167, %get3A_1223 : vector<16xf32>
      %mul3A_1225 = arith.mulf %get3A_1223, %get3A_1223 : vector<16xf32>
      %add3A_1226 = arith.addf %scan3A_1171, %mul3A_1225 : vector<16xf32>
      scf.yield %max3A_1182, %max3A_1196, %max3A_1210, %max3A_1224, %add3A_1184, %add3A_1198, %add3A_1212, %add3A_1226 : vector<16xf32>, vector<16xf32>, vector<16xf32>, vector<16xf32>, vector<16xf32>, vector<16xf32>, vector<16xf32>, vector<16xf32>
    }
    %scan3A_20 = arith.constant 64 : i32
    %max3A = arith.maximumf %scan3A_19#0, %scan3A_19#1 : vector<16xf32>
    %max3A_21 = arith.maximumf %scan3A_19#2, %scan3A_19#3 : vector<16xf32>
    %max3A_22 = arith.maximumf %max3A, %max3A_21 : vector<16xf32>
    %iota3A_23 = tpu.iota {dimensions = array<i32: 0>} : vector<16xi32>
    %xor3A = arith.constant 8 : i32
    %xor3A_24 = vector.broadcast %xor3A : i32 to vector<16xi32>
    %xor3A_25 = arith.xori %iota3A_23, %xor3A_24 : vector<16xi32>
    %lt3A = arith.constant 0 : i32
    %lt3A_26 = vector.broadcast %lt3A : i32 to vector<16xi32>
    %lt3A_27 = arith.cmpi slt, %xor3A_25, %lt3A_26 : vector<16xi32>
    %add3A = arith.constant 16 : i32
    %add3A_28 = vector.broadcast %add3A : i32 to vector<16xi32>
    %add3A_29 = arith.addi %xor3A_25, %add3A_28 : vector<16xi32>
    %select_n3A = arith.select %lt3A_27, %add3A_29, %xor3A_25 : vector<16xi1>, vector<16xi32>
    %broadcast_in_dim3A_30 = vector.shape_cast %select_n3A : vector<16xi32> to vector<16x1xi32>
    %gather3A = vector.shape_cast %broadcast_in_dim3A_30 : vector<16x1xi32> to vector<16xi32>
    %gather3A_31 = tpu.dynamic_gather %max3A_22[%gather3A] in [0] : vector<16xf32>, vector<16xi32> -> vector<16xf32>
    %max3A_32 = arith.maximumf %max3A_22, %gather3A_31 : vector<16xf32>
    %xor3A_33 = arith.constant 4 : i32
    %xor3A_34 = vector.broadcast %xor3A_33 : i32 to vector<16xi32>
    %xor3A_35 = arith.xori %iota3A_23, %xor3A_34 : vector<16xi32>
    %lt3A_36 = arith.constant 0 : i32
    %lt3A_37 = vector.broadcast %lt3A_36 : i32 to vector<16xi32>
    %lt3A_38 = arith.cmpi slt, %xor3A_35, %lt3A_37 : vector<16xi32>
    %add3A_39 = arith.constant 16 : i32
    %add3A_40 = vector.broadcast %add3A_39 : i32 to vector<16xi32>
    %add3A_41 = arith.addi %xor3A_35, %add3A_40 : vector<16xi32>
    %select_n3A_42 = arith.select %lt3A_38, %add3A_41, %xor3A_35 : vector<16xi1>, vector<16xi32>
    %broadcast_in_dim3A_43 = vector.shape_cast %select_n3A_42 : vector<16xi32> to vector<16x1xi32>
    %gather3A_44 = vector.shape_cast %broadcast_in_dim3A_43 : vector<16x1xi32> to vector<16xi32>
    %gather3A_45 = tpu.dynamic_gather %max3A_32[%gather3A_44] in [0] : vector<16xf32>, vector<16xi32> -> vector<16xf32>
    %max3A_46 = arith.maximumf %max3A_32, %gather3A_45 : vector<16xf32>
    %xor3A_47 = arith.constant 2 : i32
    %xor3A_48 = vector.broadcast %xor3A_47 : i32 to vector<16xi32>
    %xor3A_49 = arith.xori %iota3A_23, %xor3A_48 : vector<16xi32>
    %lt3A_50 = arith.constant 0 : i32
    %lt3A_51 = vector.broadcast %lt3A_50 : i32 to vector<16xi32>
    %lt3A_52 = arith.cmpi slt, %xor3A_49, %lt3A_51 : vector<16xi32>
    %add3A_53 = arith.constant 16 : i32
    %add3A_54 = vector.broadcast %add3A_53 : i32 to vector<16xi32>
    %add3A_55 = arith.addi %xor3A_49, %add3A_54 : vector<16xi32>
    %select_n3A_56 = arith.select %lt3A_52, %add3A_55, %xor3A_49 : vector<16xi1>, vector<16xi32>
    %broadcast_in_dim3A_57 = vector.shape_cast %select_n3A_56 : vector<16xi32> to vector<16x1xi32>
    %gather3A_58 = vector.shape_cast %broadcast_in_dim3A_57 : vector<16x1xi32> to vector<16xi32>
    %gather3A_59 = tpu.dynamic_gather %max3A_46[%gather3A_58] in [0] : vector<16xf32>, vector<16xi32> -> vector<16xf32>
    %max3A_60 = arith.maximumf %max3A_46, %gather3A_59 : vector<16xf32>
    %xor3A_61 = arith.constant 1 : i32
    %xor3A_62 = vector.broadcast %xor3A_61 : i32 to vector<16xi32>
    %xor3A_63 = arith.xori %iota3A_23, %xor3A_62 : vector<16xi32>
    %lt3A_64 = arith.constant 0 : i32
    %lt3A_65 = vector.broadcast %lt3A_64 : i32 to vector<16xi32>
    %lt3A_66 = arith.cmpi slt, %xor3A_63, %lt3A_65 : vector<16xi32>
    %add3A_67 = arith.constant 16 : i32
    %add3A_68 = vector.broadcast %add3A_67 : i32 to vector<16xi32>
    %add3A_69 = arith.addi %xor3A_63, %add3A_68 : vector<16xi32>
    %select_n3A_70 = arith.select %lt3A_66, %add3A_69, %xor3A_63 : vector<16xi1>, vector<16xi32>
    %broadcast_in_dim3A_71 = vector.shape_cast %select_n3A_70 : vector<16xi32> to vector<16x1xi32>
    %gather3A_72 = vector.shape_cast %broadcast_in_dim3A_71 : vector<16x1xi32> to vector<16xi32>
    %gather3A_73 = tpu.dynamic_gather %max3A_60[%gather3A_72] in [0] : vector<16xf32>, vector<16xi32> -> vector<16xf32>
    %max3A_74 = arith.maximumf %max3A_60, %gather3A_73 : vector<16xf32>
    %add3A_75 = arith.addf %scan3A_19#4, %scan3A_19#5 : vector<16xf32>
    %add3A_76 = arith.addf %scan3A_19#6, %scan3A_19#7 : vector<16xf32>
    %add3A_77 = arith.addf %add3A_75, %add3A_76 : vector<16xf32>
    %iota3A_78 = tpu.iota {dimensions = array<i32: 0>} : vector<16xi32>
    %xor3A_79 = arith.constant 8 : i32
    %xor3A_80 = vector.broadcast %xor3A_79 : i32 to vector<16xi32>
    %xor3A_81 = arith.xori %iota3A_78, %xor3A_80 : vector<16xi32>
    %lt3A_82 = arith.constant 0 : i32
    %lt3A_83 = vector.broadcast %lt3A_82 : i32 to vector<16xi32>
    %lt3A_84 = arith.cmpi slt, %xor3A_81, %lt3A_83 : vector<16xi32>
    %add3A_85 = arith.constant 16 : i32
    %add3A_86 = vector.broadcast %add3A_85 : i32 to vector<16xi32>
    %add3A_87 = arith.addi %xor3A_81, %add3A_86 : vector<16xi32>
    %select_n3A_88 = arith.select %lt3A_84, %add3A_87, %xor3A_81 : vector<16xi1>, vector<16xi32>
    %broadcast_in_dim3A_89 = vector.shape_cast %select_n3A_88 : vector<16xi32> to vector<16x1xi32>
    %gather3A_90 = vector.shape_cast %broadcast_in_dim3A_89 : vector<16x1xi32> to vector<16xi32>
    %gather3A_91 = tpu.dynamic_gather %add3A_77[%gather3A_90] in [0] : vector<16xf32>, vector<16xi32> -> vector<16xf32>
    %add3A_92 = arith.addf %add3A_77, %gather3A_91 : vector<16xf32>
    %xor3A_93 = arith.constant 4 : i32
    %xor3A_94 = vector.broadcast %xor3A_93 : i32 to vector<16xi32>
    %xor3A_95 = arith.xori %iota3A_78, %xor3A_94 : vector<16xi32>
    %lt3A_96 = arith.constant 0 : i32
    %lt3A_97 = vector.broadcast %lt3A_96 : i32 to vector<16xi32>
    %lt3A_98 = arith.cmpi slt, %xor3A_95, %lt3A_97 : vector<16xi32>
    %add3A_99 = arith.constant 16 : i32
    %add3A_100 = vector.broadcast %add3A_99 : i32 to vector<16xi32>
    %add3A_101 = arith.addi %xor3A_95, %add3A_100 : vector<16xi32>
    %select_n3A_102 = arith.select %lt3A_98, %add3A_101, %xor3A_95 : vector<16xi1>, vector<16xi32>
    %broadcast_in_dim3A_103 = vector.shape_cast %select_n3A_102 : vector<16xi32> to vector<16x1xi32>
    %gather3A_104 = vector.shape_cast %broadcast_in_dim3A_103 : vector<16x1xi32> to vector<16xi32>
    %gather3A_105 = tpu.dynamic_gather %add3A_92[%gather3A_104] in [0] : vector<16xf32>, vector<16xi32> -> vector<16xf32>
    %add3A_106 = arith.addf %add3A_92, %gather3A_105 : vector<16xf32>
    %xor3A_107 = arith.constant 2 : i32
    %xor3A_108 = vector.broadcast %xor3A_107 : i32 to vector<16xi32>
    %xor3A_109 = arith.xori %iota3A_78, %xor3A_108 : vector<16xi32>
    %lt3A_110 = arith.constant 0 : i32
    %lt3A_111 = vector.broadcast %lt3A_110 : i32 to vector<16xi32>
    %lt3A_112 = arith.cmpi slt, %xor3A_109, %lt3A_111 : vector<16xi32>
    %add3A_113 = arith.constant 16 : i32
    %add3A_114 = vector.broadcast %add3A_113 : i32 to vector<16xi32>
    %add3A_115 = arith.addi %xor3A_109, %add3A_114 : vector<16xi32>
    %select_n3A_116 = arith.select %lt3A_112, %add3A_115, %xor3A_109 : vector<16xi1>, vector<16xi32>
    %broadcast_in_dim3A_117 = vector.shape_cast %select_n3A_116 : vector<16xi32> to vector<16x1xi32>
    %gather3A_118 = vector.shape_cast %broadcast_in_dim3A_117 : vector<16x1xi32> to vector<16xi32>
    %gather3A_119 = tpu.dynamic_gather %add3A_106[%gather3A_118] in [0] : vector<16xf32>, vector<16xi32> -> vector<16xf32>
    %add3A_120 = arith.addf %add3A_106, %gather3A_119 : vector<16xf32>
    %xor3A_121 = arith.constant 1 : i32
    %xor3A_122 = vector.broadcast %xor3A_121 : i32 to vector<16xi32>
    %xor3A_123 = arith.xori %iota3A_78, %xor3A_122 : vector<16xi32>
    %lt3A_124 = arith.constant 0 : i32
    %lt3A_125 = vector.broadcast %lt3A_124 : i32 to vector<16xi32>
    %lt3A_126 = arith.cmpi slt, %xor3A_123, %lt3A_125 : vector<16xi32>
    %add3A_127 = arith.constant 16 : i32
    %add3A_128 = vector.broadcast %add3A_127 : i32 to vector<16xi32>
    %add3A_129 = arith.addi %xor3A_123, %add3A_128 : vector<16xi32>
    %select_n3A_130 = arith.select %lt3A_126, %add3A_129, %xor3A_123 : vector<16xi1>, vector<16xi32>
    %broadcast_in_dim3A_131 = vector.shape_cast %select_n3A_130 : vector<16xi32> to vector<16x1xi32>
    %gather3A_132 = vector.shape_cast %broadcast_in_dim3A_131 : vector<16x1xi32> to vector<16xi32>
    %gather3A_133 = tpu.dynamic_gather %add3A_120[%gather3A_132] in [0] : vector<16xf32>, vector<16xi32> -> vector<16xf32>
    %add3A_134 = arith.addf %add3A_120, %gather3A_133 : vector<16xf32>
    %eq3A = arith.constant 0 : i32
    %eq3A_135 = vector.broadcast %eq3A : i32 to vector<16xi32>
    %eq3A_136 = arith.cmpi eq, %iota3A, %eq3A_135 : vector<16xi32>
    %select_n3A_137 = arith.select %eq3A_136, %max3A_74, %broadcast_in_dim3A_8 : vector<16xi1>, vector<16xf32>
    %eq3A_138 = arith.constant 12 : i32
    %eq3A_139 = vector.broadcast %eq3A_138 : i32 to vector<16xi32>
    %eq3A_140 = arith.cmpi eq, %iota3A, %eq3A_139 : vector<16xi32>
    %select_n3A_141 = arith.select %eq3A_140, %add3A_134, %select_n3A_137 : vector<16xi1>, vector<16xf32>
    %broadcast_in_dim3A_142 = arith.constant 0xFF800000 : f32
    %broadcast_in_dim3A_143 = vector.broadcast %broadcast_in_dim3A_142 : f32 to vector<16xf32>
    %broadcast_in_dim3A_144 = arith.constant 0.000000e+00 : f32
    %broadcast_in_dim3A_145 = vector.broadcast %broadcast_in_dim3A_144 : f32 to vector<16xf32>
    %scan3A_146 = arith.constant 0 : i32
    %scan3A_147 = arith.constant 64 : i32
    %scan3A_148 = arith.addi %scan3A_146, %scan3A_147 : i32
    %scan3A_149 = arith.constant 1 : i32
    %scan3A_150:8 = scf.for %scan3A_1163 = %scan3A_146 to %scan3A_148 step %scan3A_149 iter_args(%scan3A_1164 = %broadcast_in_dim3A_143, %scan3A_1165 = %broadcast_in_dim3A_143, %scan3A_1166 = %broadcast_in_dim3A_143, %scan3A_1167 = %broadcast_in_dim3A_143, %scan3A_1168 = %broadcast_in_dim3A_145, %scan3A_1169 = %broadcast_in_dim3A_145, %scan3A_1170 = %broadcast_in_dim3A_145, %scan3A_1171 = %broadcast_in_dim3A_145) -> (vector<16xf32>, vector<16xf32>, vector<16xf32>, vector<16xf32>, vector<16xf32>, vector<16xf32>, vector<16xf32>, vector<16xf32>)  : i32 {
      %mul3A_1172 = arith.constant 4 : i32
      %mul3A_1173 = arith.muli %scan3A_1163, %mul3A_1172 : i32
      %add3A_1174 = arith.constant 0 : i32
      %add3A_1175 = arith.addi %mul3A_1173, %add3A_1174 : i32
      %mul3A_1176 = arith.constant 16 : i32
      %mul3A_1177 = arith.muli %add3A_1175, %mul3A_1176 : i32
      %get3A = arith.constant 1 : i32
      %get3A_1178 = arith.index_cast %get3A : i32 to index
      %get3A_1179 = arith.index_cast %mul3A_1177 : i32 to index
      %get3A_1180 = tpu.vector_load %arg6[%get3A_1178, %get3A_1179] {strides = array<i32>} : memref<4x4096xf32, #tpu.memory_space<vmem>>, vector<1x16xf32>,
      %get3A_1181 = vector.shape_cast %get3A_1180 : vector<1x16xf32> to vector<16xf32>
      %max3A_1182 = arith.maximumf %scan3A_1164, %get3A_1181 : vector<16xf32>
      %mul3A_1183 = arith.mulf %get3A_1181, %get3A_1181 : vector<16xf32>
      %add3A_1184 = arith.addf %scan3A_1168, %mul3A_1183 : vector<16xf32>
      %mul3A_1185 = arith.constant 4 : i32
      %mul3A_1186 = arith.muli %scan3A_1163, %mul3A_1185 : i32
      %add3A_1187 = arith.constant 1 : i32
      %add3A_1188 = arith.addi %mul3A_1186, %add3A_1187 : i32
      %mul3A_1189 = arith.constant 16 : i32
      %mul3A_1190 = arith.muli %add3A_1188, %mul3A_1189 : i32
      %get3A_1191 = arith.constant 1 : i32
      %get3A_1192 = arith.index_cast %get3A_1191 : i32 to index
      %get3A_1193 = arith.index_cast %mul3A_1190 : i32 to index
      %get3A_1194 = tpu.vector_load %arg6[%get3A_1192, %get3A_1193] {strides = array<i32>} : memref<4x4096xf32, #tpu.memory_space<vmem>>, vector<1x16xf32>,
      %get3A_1195 = vector.shape_cast %get3A_1194 : vector<1x16xf32> to vector<16xf32>
      %max3A_1196 = arith.maximumf %scan3A_1165, %get3A_1195 : vector<16xf32>
      %mul3A_1197 = arith.mulf %get3A_1195, %get3A_1195 : vector<16xf32>
      %add3A_1198 = arith.addf %scan3A_1169, %mul3A_1197 : vector<16xf32>
      %mul3A_1199 = arith.constant 4 : i32
      %mul3A_1200 = arith.muli %scan3A_1163, %mul3A_1199 : i32
      %add3A_1201 = arith.constant 2 : i32
      %add3A_1202 = arith.addi %mul3A_1200, %add3A_1201 : i32
      %mul3A_1203 = arith.constant 16 : i32
      %mul3A_1204 = arith.muli %add3A_1202, %mul3A_1203 : i32
      %get3A_1205 = arith.constant 1 : i32
      %get3A_1206 = arith.index_cast %get3A_1205 : i32 to index
      %get3A_1207 = arith.index_cast %mul3A_1204 : i32 to index
      %get3A_1208 = tpu.vector_load %arg6[%get3A_1206, %get3A_1207] {strides = array<i32>} : memref<4x4096xf32, #tpu.memory_space<vmem>>, vector<1x16xf32>,
      %get3A_1209 = vector.shape_cast %get3A_1208 : vector<1x16xf32> to vector<16xf32>
      %max3A_1210 = arith.maximumf %scan3A_1166, %get3A_1209 : vector<16xf32>
      %mul3A_1211 = arith.mulf %get3A_1209, %get3A_1209 : vector<16xf32>
      %add3A_1212 = arith.addf %scan3A_1170, %mul3A_1211 : vector<16xf32>
      %mul3A_1213 = arith.constant 4 : i32
      %mul3A_1214 = arith.muli %scan3A_1163, %mul3A_1213 : i32
      %add3A_1215 = arith.constant 3 : i32
      %add3A_1216 = arith.addi %mul3A_1214, %add3A_1215 : i32
      %mul3A_1217 = arith.constant 16 : i32
      %mul3A_1218 = arith.muli %add3A_1216, %mul3A_1217 : i32
      %get3A_1219 = arith.constant 1 : i32
      %get3A_1220 = arith.index_cast %get3A_1219 : i32 to index
      %get3A_1221 = arith.index_cast %mul3A_1218 : i32 to index
      %get3A_1222 = tpu.vector_load %arg6[%get3A_1220, %get3A_1221] {strides = array<i32>} : memref<4x4096xf32, #tpu.memory_space<vmem>>, vector<1x16xf32>,
      %get3A_1223 = vector.shape_cast %get3A_1222 : vector<1x16xf32> to vector<16xf32>
      %max3A_1224 = arith.maximumf %scan3A_1167, %get3A_1223 : vector<16xf32>
      %mul3A_1225 = arith.mulf %get3A_1223, %get3A_1223 : vector<16xf32>
      %add3A_1226 = arith.addf %scan3A_1171, %mul3A_1225 : vector<16xf32>
      scf.yield %max3A_1182, %max3A_1196, %max3A_1210, %max3A_1224, %add3A_1184, %add3A_1198, %add3A_1212, %add3A_1226 : vector<16xf32>, vector<16xf32>, vector<16xf32>, vector<16xf32>, vector<16xf32>, vector<16xf32>, vector<16xf32>, vector<16xf32>
    }
    %scan3A_151 = arith.constant 64 : i32
    %max3A_152 = arith.maximumf %scan3A_150#0, %scan3A_150#1 : vector<16xf32>
    %max3A_153 = arith.maximumf %scan3A_150#2, %scan3A_150#3 : vector<16xf32>
    %max3A_154 = arith.maximumf %max3A_152, %max3A_153 : vector<16xf32>
    %iota3A_155 = tpu.iota {dimensions = array<i32: 0>} : vector<16xi32>
    %xor3A_156 = arith.constant 8 : i32
    %xor3A_157 = vector.broadcast %xor3A_156 : i32 to vector<16xi32>
    %xor3A_158 = arith.xori %iota3A_155, %xor3A_157 : vector<16xi32>
    %lt3A_159 = arith.constant 0 : i32
    %lt3A_160 = vector.broadcast %lt3A_159 : i32 to vector<16xi32>
    %lt3A_161 = arith.cmpi slt, %xor3A_158, %lt3A_160 : vector<16xi32>
    %add3A_162 = arith.constant 16 : i32
    %add3A_163 = vector.broadcast %add3A_162 : i32 to vector<16xi32>
    %add3A_164 = arith.addi %xor3A_158, %add3A_163 : vector<16xi32>
    %select_n3A_165 = arith.select %lt3A_161, %add3A_164, %xor3A_158 : vector<16xi1>, vector<16xi32>
    %broadcast_in_dim3A_166 = vector.shape_cast %select_n3A_165 : vector<16xi32> to vector<16x1xi32>
    %gather3A_167 = vector.shape_cast %broadcast_in_dim3A_166 : vector<16x1xi32> to vector<16xi32>
    %gather3A_168 = tpu.dynamic_gather %max3A_154[%gather3A_167] in [0] : vector<16xf32>, vector<16xi32> -> vector<16xf32>
    %max3A_169 = arith.maximumf %max3A_154, %gather3A_168 : vector<16xf32>
    %xor3A_170 = arith.constant 4 : i32
    %xor3A_171 = vector.broadcast %xor3A_170 : i32 to vector<16xi32>
    %xor3A_172 = arith.xori %iota3A_155, %xor3A_171 : vector<16xi32>
    %lt3A_173 = arith.constant 0 : i32
    %lt3A_174 = vector.broadcast %lt3A_173 : i32 to vector<16xi32>
    %lt3A_175 = arith.cmpi slt, %xor3A_172, %lt3A_174 : vector<16xi32>
    %add3A_176 = arith.constant 16 : i32
    %add3A_177 = vector.broadcast %add3A_176 : i32 to vector<16xi32>
    %add3A_178 = arith.addi %xor3A_172, %add3A_177 : vector<16xi32>
    %select_n3A_179 = arith.select %lt3A_175, %add3A_178, %xor3A_172 : vector<16xi1>, vector<16xi32>
    %broadcast_in_dim3A_180 = vector.shape_cast %select_n3A_179 : vector<16xi32> to vector<16x1xi32>
    %gather3A_181 = vector.shape_cast %broadcast_in_dim3A_180 : vector<16x1xi32> to vector<16xi32>
    %gather3A_182 = tpu.dynamic_gather %max3A_169[%gather3A_181] in [0] : vector<16xf32>, vector<16xi32> -> vector<16xf32>
    %max3A_183 = arith.maximumf %max3A_169, %gather3A_182 : vector<16xf32>
    %xor3A_184 = arith.constant 2 : i32
    %xor3A_185 = vector.broadcast %xor3A_184 : i32 to vector<16xi32>
    %xor3A_186 = arith.xori %iota3A_155, %xor3A_185 : vector<16xi32>
    %lt3A_187 = arith.constant 0 : i32
    %lt3A_188 = vector.broadcast %lt3A_187 : i32 to vector<16xi32>
    %lt3A_189 = arith.cmpi slt, %xor3A_186, %lt3A_188 : vector<16xi32>
    %add3A_190 = arith.constant 16 : i32
    %add3A_191 = vector.broadcast %add3A_190 : i32 to vector<16xi32>
    %add3A_192 = arith.addi %xor3A_186, %add3A_191 : vector<16xi32>
    %select_n3A_193 = arith.select %lt3A_189, %add3A_192, %xor3A_186 : vector<16xi1>, vector<16xi32>
    %broadcast_in_dim3A_194 = vector.shape_cast %select_n3A_193 : vector<16xi32> to vector<16x1xi32>
    %gather3A_195 = vector.shape_cast %broadcast_in_dim3A_194 : vector<16x1xi32> to vector<16xi32>
    %gather3A_196 = tpu.dynamic_gather %max3A_183[%gather3A_195] in [0] : vector<16xf32>, vector<16xi32> -> vector<16xf32>
    %max3A_197 = arith.maximumf %max3A_183, %gather3A_196 : vector<16xf32>
    %xor3A_198 = arith.constant 1 : i32
    %xor3A_199 = vector.broadcast %xor3A_198 : i32 to vector<16xi32>
    %xor3A_200 = arith.xori %iota3A_155, %xor3A_199 : vector<16xi32>
    %lt3A_201 = arith.constant 0 : i32
    %lt3A_202 = vector.broadcast %lt3A_201 : i32 to vector<16xi32>
    %lt3A_203 = arith.cmpi slt, %xor3A_200, %lt3A_202 : vector<16xi32>
    %add3A_204 = arith.constant 16 : i32
    %add3A_205 = vector.broadcast %add3A_204 : i32 to vector<16xi32>
    %add3A_206 = arith.addi %xor3A_200, %add3A_205 : vector<16xi32>
    %select_n3A_207 = arith.select %lt3A_203, %add3A_206, %xor3A_200 : vector<16xi1>, vector<16xi32>
    %broadcast_in_dim3A_208 = vector.shape_cast %select_n3A_207 : vector<16xi32> to vector<16x1xi32>
    %gather3A_209 = vector.shape_cast %broadcast_in_dim3A_208 : vector<16x1xi32> to vector<16xi32>
    %gather3A_210 = tpu.dynamic_gather %max3A_197[%gather3A_209] in [0] : vector<16xf32>, vector<16xi32> -> vector<16xf32>
    %max3A_211 = arith.maximumf %max3A_197, %gather3A_210 : vector<16xf32>
    %add3A_212 = arith.addf %scan3A_150#4, %scan3A_150#5 : vector<16xf32>
    %add3A_213 = arith.addf %scan3A_150#6, %scan3A_150#7 : vector<16xf32>
    %add3A_214 = arith.addf %add3A_212, %add3A_213 : vector<16xf32>
    %iota3A_215 = tpu.iota {dimensions = array<i32: 0>} : vector<16xi32>
    %xor3A_216 = arith.constant 8 : i32
    %xor3A_217 = vector.broadcast %xor3A_216 : i32 to vector<16xi32>
    %xor3A_218 = arith.xori %iota3A_215, %xor3A_217 : vector<16xi32>
    %lt3A_219 = arith.constant 0 : i32
    %lt3A_220 = vector.broadcast %lt3A_219 : i32 to vector<16xi32>
    %lt3A_221 = arith.cmpi slt, %xor3A_218, %lt3A_220 : vector<16xi32>
    %add3A_222 = arith.constant 16 : i32
    %add3A_223 = vector.broadcast %add3A_222 : i32 to vector<16xi32>
    %add3A_224 = arith.addi %xor3A_218, %add3A_223 : vector<16xi32>
    %select_n3A_225 = arith.select %lt3A_221, %add3A_224, %xor3A_218 : vector<16xi1>, vector<16xi32>
    %broadcast_in_dim3A_226 = vector.shape_cast %select_n3A_225 : vector<16xi32> to vector<16x1xi32>
    %gather3A_227 = vector.shape_cast %broadcast_in_dim3A_226 : vector<16x1xi32> to vector<16xi32>
    %gather3A_228 = tpu.dynamic_gather %add3A_214[%gather3A_227] in [0] : vector<16xf32>, vector<16xi32> -> vector<16xf32>
    %add3A_229 = arith.addf %add3A_214, %gather3A_228 : vector<16xf32>
    %xor3A_230 = arith.constant 4 : i32
    %xor3A_231 = vector.broadcast %xor3A_230 : i32 to vector<16xi32>
    %xor3A_232 = arith.xori %iota3A_215, %xor3A_231 : vector<16xi32>
    %lt3A_233 = arith.constant 0 : i32
    %lt3A_234 = vector.broadcast %lt3A_233 : i32 to vector<16xi32>
    %lt3A_235 = arith.cmpi slt, %xor3A_232, %lt3A_234 : vector<16xi32>
    %add3A_236 = arith.constant 16 : i32
    %add3A_237 = vector.broadcast %add3A_236 : i32 to vector<16xi32>
    %add3A_238 = arith.addi %xor3A_232, %add3A_237 : vector<16xi32>
    %select_n3A_239 = arith.select %lt3A_235, %add3A_238, %xor3A_232 : vector<16xi1>, vector<16xi32>
    %broadcast_in_dim3A_240 = vector.shape_cast %select_n3A_239 : vector<16xi32> to vector<16x1xi32>
    %gather3A_241 = vector.shape_cast %broadcast_in_dim3A_240 : vector<16x1xi32> to vector<16xi32>
    %gather3A_242 = tpu.dynamic_gather %add3A_229[%gather3A_241] in [0] : vector<16xf32>, vector<16xi32> -> vector<16xf32>
    %add3A_243 = arith.addf %add3A_229, %gather3A_242 : vector<16xf32>
    %xor3A_244 = arith.constant 2 : i32
    %xor3A_245 = vector.broadcast %xor3A_244 : i32 to vector<16xi32>
    %xor3A_246 = arith.xori %iota3A_215, %xor3A_245 : vector<16xi32>
    %lt3A_247 = arith.constant 0 : i32
    %lt3A_248 = vector.broadcast %lt3A_247 : i32 to vector<16xi32>
    %lt3A_249 = arith.cmpi slt, %xor3A_246, %lt3A_248 : vector<16xi32>
    %add3A_250 = arith.constant 16 : i32
    %add3A_251 = vector.broadcast %add3A_250 : i32 to vector<16xi32>
    %add3A_252 = arith.addi %xor3A_246, %add3A_251 : vector<16xi32>
    %select_n3A_253 = arith.select %lt3A_249, %add3A_252, %xor3A_246 : vector<16xi1>, vector<16xi32>
    %broadcast_in_dim3A_254 = vector.shape_cast %select_n3A_253 : vector<16xi32> to vector<16x1xi32>
    %gather3A_255 = vector.shape_cast %broadcast_in_dim3A_254 : vector<16x1xi32> to vector<16xi32>
    %gather3A_256 = tpu.dynamic_gather %add3A_243[%gather3A_255] in [0] : vector<16xf32>, vector<16xi32> -> vector<16xf32>
    %add3A_257 = arith.addf %add3A_243, %gather3A_256 : vector<16xf32>
    %xor3A_258 = arith.constant 1 : i32
    %xor3A_259 = vector.broadcast %xor3A_258 : i32 to vector<16xi32>
    %xor3A_260 = arith.xori %iota3A_215, %xor3A_259 : vector<16xi32>
    %lt3A_261 = arith.constant 0 : i32
    %lt3A_262 = vector.broadcast %lt3A_261 : i32 to vector<16xi32>
    %lt3A_263 = arith.cmpi slt, %xor3A_260, %lt3A_262 : vector<16xi32>
    %add3A_264 = arith.constant 16 : i32
    %add3A_265 = vector.broadcast %add3A_264 : i32 to vector<16xi32>
    %add3A_266 = arith.addi %xor3A_260, %add3A_265 : vector<16xi32>
    %select_n3A_267 = arith.select %lt3A_263, %add3A_266, %xor3A_260 : vector<16xi1>, vector<16xi32>
    %broadcast_in_dim3A_268 = vector.shape_cast %select_n3A_267 : vector<16xi32> to vector<16x1xi32>
    %gather3A_269 = vector.shape_cast %broadcast_in_dim3A_268 : vector<16x1xi32> to vector<16xi32>
    %gather3A_270 = tpu.dynamic_gather %add3A_257[%gather3A_269] in [0] : vector<16xf32>, vector<16xi32> -> vector<16xf32>
    %add3A_271 = arith.addf %add3A_257, %gather3A_270 : vector<16xf32>
    %eq3A_272 = arith.constant 1 : i32
    %eq3A_273 = vector.broadcast %eq3A_272 : i32 to vector<16xi32>
    %eq3A_274 = arith.cmpi eq, %iota3A, %eq3A_273 : vector<16xi32>
    %select_n3A_275 = arith.select %eq3A_274, %max3A_211, %select_n3A_141 : vector<16xi1>, vector<16xf32>
    %eq3A_276 = arith.constant 13 : i32
    %eq3A_277 = vector.broadcast %eq3A_276 : i32 to vector<16xi32>
    %eq3A_278 = arith.cmpi eq, %iota3A, %eq3A_277 : vector<16xi32>
    %select_n3A_279 = arith.select %eq3A_278, %add3A_271, %select_n3A_275 : vector<16xi1>, vector<16xf32>
    %broadcast_in_dim3A_280 = arith.constant 0xFF800000 : f32
    %broadcast_in_dim3A_281 = vector.broadcast %broadcast_in_dim3A_280 : f32 to vector<16xf32>
    %broadcast_in_dim3A_282 = arith.constant 0.000000e+00 : f32
    %broadcast_in_dim3A_283 = vector.broadcast %broadcast_in_dim3A_282 : f32 to vector<16xf32>
    %scan3A_284 = arith.constant 0 : i32
    %scan3A_285 = arith.constant 64 : i32
    %scan3A_286 = arith.addi %scan3A_284, %scan3A_285 : i32
    %scan3A_287 = arith.constant 1 : i32
    %scan3A_288:8 = scf.for %scan3A_1163 = %scan3A_284 to %scan3A_286 step %scan3A_287 iter_args(%scan3A_1164 = %broadcast_in_dim3A_281, %scan3A_1165 = %broadcast_in_dim3A_281, %scan3A_1166 = %broadcast_in_dim3A_281, %scan3A_1167 = %broadcast_in_dim3A_281, %scan3A_1168 = %broadcast_in_dim3A_283, %scan3A_1169 = %broadcast_in_dim3A_283, %scan3A_1170 = %broadcast_in_dim3A_283, %scan3A_1171 = %broadcast_in_dim3A_283) -> (vector<16xf32>, vector<16xf32>, vector<16xf32>, vector<16xf32>, vector<16xf32>, vector<16xf32>, vector<16xf32>, vector<16xf32>)  : i32 {
      %mul3A_1172 = arith.constant 4 : i32
      %mul3A_1173 = arith.muli %scan3A_1163, %mul3A_1172 : i32
      %add3A_1174 = arith.constant 0 : i32
      %add3A_1175 = arith.addi %mul3A_1173, %add3A_1174 : i32
      %mul3A_1176 = arith.constant 16 : i32
      %mul3A_1177 = arith.muli %add3A_1175, %mul3A_1176 : i32
      %get3A = arith.constant 2 : i32
      %get3A_1178 = arith.index_cast %get3A : i32 to index
      %get3A_1179 = arith.index_cast %mul3A_1177 : i32 to index
      %get3A_1180 = tpu.vector_load %arg6[%get3A_1178, %get3A_1179] {strides = array<i32>} : memref<4x4096xf32, #tpu.memory_space<vmem>>, vector<1x16xf32>,
      %get3A_1181 = vector.shape_cast %get3A_1180 : vector<1x16xf32> to vector<16xf32>
      %max3A_1182 = arith.maximumf %scan3A_1164, %get3A_1181 : vector<16xf32>
      %mul3A_1183 = arith.mulf %get3A_1181, %get3A_1181 : vector<16xf32>
      %add3A_1184 = arith.addf %scan3A_1168, %mul3A_1183 : vector<16xf32>
      %mul3A_1185 = arith.constant 4 : i32
      %mul3A_1186 = arith.muli %scan3A_1163, %mul3A_1185 : i32
      %add3A_1187 = arith.constant 1 : i32
      %add3A_1188 = arith.addi %mul3A_1186, %add3A_1187 : i32
      %mul3A_1189 = arith.constant 16 : i32
      %mul3A_1190 = arith.muli %add3A_1188, %mul3A_1189 : i32
      %get3A_1191 = arith.constant 2 : i32
      %get3A_1192 = arith.index_cast %get3A_1191 : i32 to index
      %get3A_1193 = arith.index_cast %mul3A_1190 : i32 to index
      %get3A_1194 = tpu.vector_load %arg6[%get3A_1192, %get3A_1193] {strides = array<i32>} : memref<4x4096xf32, #tpu.memory_space<vmem>>, vector<1x16xf32>,
      %get3A_1195 = vector.shape_cast %get3A_1194 : vector<1x16xf32> to vector<16xf32>
      %max3A_1196 = arith.maximumf %scan3A_1165, %get3A_1195 : vector<16xf32>
      %mul3A_1197 = arith.mulf %get3A_1195, %get3A_1195 : vector<16xf32>
      %add3A_1198 = arith.addf %scan3A_1169, %mul3A_1197 : vector<16xf32>
      %mul3A_1199 = arith.constant 4 : i32
      %mul3A_1200 = arith.muli %scan3A_1163, %mul3A_1199 : i32
      %add3A_1201 = arith.constant 2 : i32
      %add3A_1202 = arith.addi %mul3A_1200, %add3A_1201 : i32
      %mul3A_1203 = arith.constant 16 : i32
      %mul3A_1204 = arith.muli %add3A_1202, %mul3A_1203 : i32
      %get3A_1205 = arith.constant 2 : i32
      %get3A_1206 = arith.index_cast %get3A_1205 : i32 to index
      %get3A_1207 = arith.index_cast %mul3A_1204 : i32 to index
      %get3A_1208 = tpu.vector_load %arg6[%get3A_1206, %get3A_1207] {strides = array<i32>} : memref<4x4096xf32, #tpu.memory_space<vmem>>, vector<1x16xf32>,
      %get3A_1209 = vector.shape_cast %get3A_1208 : vector<1x16xf32> to vector<16xf32>
      %max3A_1210 = arith.maximumf %scan3A_1166, %get3A_1209 : vector<16xf32>
      %mul3A_1211 = arith.mulf %get3A_1209, %get3A_1209 : vector<16xf32>
      %add3A_1212 = arith.addf %scan3A_1170, %mul3A_1211 : vector<16xf32>
      %mul3A_1213 = arith.constant 4 : i32
      %mul3A_1214 = arith.muli %scan3A_1163, %mul3A_1213 : i32
      %add3A_1215 = arith.constant 3 : i32
      %add3A_1216 = arith.addi %mul3A_1214, %add3A_1215 : i32
      %mul3A_1217 = arith.constant 16 : i32
      %mul3A_1218 = arith.muli %add3A_1216, %mul3A_1217 : i32
      %get3A_1219 = arith.constant 2 : i32
      %get3A_1220 = arith.index_cast %get3A_1219 : i32 to index
      %get3A_1221 = arith.index_cast %mul3A_1218 : i32 to index
      %get3A_1222 = tpu.vector_load %arg6[%get3A_1220, %get3A_1221] {strides = array<i32>} : memref<4x4096xf32, #tpu.memory_space<vmem>>, vector<1x16xf32>,
      %get3A_1223 = vector.shape_cast %get3A_1222 : vector<1x16xf32> to vector<16xf32>
      %max3A_1224 = arith.maximumf %scan3A_1167, %get3A_1223 : vector<16xf32>
      %mul3A_1225 = arith.mulf %get3A_1223, %get3A_1223 : vector<16xf32>
      %add3A_1226 = arith.addf %scan3A_1171, %mul3A_1225 : vector<16xf32>
      scf.yield %max3A_1182, %max3A_1196, %max3A_1210, %max3A_1224, %add3A_1184, %add3A_1198, %add3A_1212, %add3A_1226 : vector<16xf32>, vector<16xf32>, vector<16xf32>, vector<16xf32>, vector<16xf32>, vector<16xf32>, vector<16xf32>, vector<16xf32>
    }
    %scan3A_289 = arith.constant 64 : i32
    %max3A_290 = arith.maximumf %scan3A_288#0, %scan3A_288#1 : vector<16xf32>
    %max3A_291 = arith.maximumf %scan3A_288#2, %scan3A_288#3 : vector<16xf32>
    %max3A_292 = arith.maximumf %max3A_290, %max3A_291 : vector<16xf32>
    %iota3A_293 = tpu.iota {dimensions = array<i32: 0>} : vector<16xi32>
    %xor3A_294 = arith.constant 8 : i32
    %xor3A_295 = vector.broadcast %xor3A_294 : i32 to vector<16xi32>
    %xor3A_296 = arith.xori %iota3A_293, %xor3A_295 : vector<16xi32>
    %lt3A_297 = arith.constant 0 : i32
    %lt3A_298 = vector.broadcast %lt3A_297 : i32 to vector<16xi32>
    %lt3A_299 = arith.cmpi slt, %xor3A_296, %lt3A_298 : vector<16xi32>
    %add3A_300 = arith.constant 16 : i32
    %add3A_301 = vector.broadcast %add3A_300 : i32 to vector<16xi32>
    %add3A_302 = arith.addi %xor3A_296, %add3A_301 : vector<16xi32>
    %select_n3A_303 = arith.select %lt3A_299, %add3A_302, %xor3A_296 : vector<16xi1>, vector<16xi32>
    %broadcast_in_dim3A_304 = vector.shape_cast %select_n3A_303 : vector<16xi32> to vector<16x1xi32>
    %gather3A_305 = vector.shape_cast %broadcast_in_dim3A_304 : vector<16x1xi32> to vector<16xi32>
    %gather3A_306 = tpu.dynamic_gather %max3A_292[%gather3A_305] in [0] : vector<16xf32>, vector<16xi32> -> vector<16xf32>
    %max3A_307 = arith.maximumf %max3A_292, %gather3A_306 : vector<16xf32>
    %xor3A_308 = arith.constant 4 : i32
    %xor3A_309 = vector.broadcast %xor3A_308 : i32 to vector<16xi32>
    %xor3A_310 = arith.xori %iota3A_293, %xor3A_309 : vector<16xi32>
    %lt3A_311 = arith.constant 0 : i32
    %lt3A_312 = vector.broadcast %lt3A_311 : i32 to vector<16xi32>
    %lt3A_313 = arith.cmpi slt, %xor3A_310, %lt3A_312 : vector<16xi32>
    %add3A_314 = arith.constant 16 : i32
    %add3A_315 = vector.broadcast %add3A_314 : i32 to vector<16xi32>
    %add3A_316 = arith.addi %xor3A_310, %add3A_315 : vector<16xi32>
    %select_n3A_317 = arith.select %lt3A_313, %add3A_316, %xor3A_310 : vector<16xi1>, vector<16xi32>
    %broadcast_in_dim3A_318 = vector.shape_cast %select_n3A_317 : vector<16xi32> to vector<16x1xi32>
    %gather3A_319 = vector.shape_cast %broadcast_in_dim3A_318 : vector<16x1xi32> to vector<16xi32>
    %gather3A_320 = tpu.dynamic_gather %max3A_307[%gather3A_319] in [0] : vector<16xf32>, vector<16xi32> -> vector<16xf32>
    %max3A_321 = arith.maximumf %max3A_307, %gather3A_320 : vector<16xf32>
    %xor3A_322 = arith.constant 2 : i32
    %xor3A_323 = vector.broadcast %xor3A_322 : i32 to vector<16xi32>
    %xor3A_324 = arith.xori %iota3A_293, %xor3A_323 : vector<16xi32>
    %lt3A_325 = arith.constant 0 : i32
    %lt3A_326 = vector.broadcast %lt3A_325 : i32 to vector<16xi32>
    %lt3A_327 = arith.cmpi slt, %xor3A_324, %lt3A_326 : vector<16xi32>
    %add3A_328 = arith.constant 16 : i32
    %add3A_329 = vector.broadcast %add3A_328 : i32 to vector<16xi32>
    %add3A_330 = arith.addi %xor3A_324, %add3A_329 : vector<16xi32>
    %select_n3A_331 = arith.select %lt3A_327, %add3A_330, %xor3A_324 : vector<16xi1>, vector<16xi32>
    %broadcast_in_dim3A_332 = vector.shape_cast %select_n3A_331 : vector<16xi32> to vector<16x1xi32>
    %gather3A_333 = vector.shape_cast %broadcast_in_dim3A_332 : vector<16x1xi32> to vector<16xi32>
    %gather3A_334 = tpu.dynamic_gather %max3A_321[%gather3A_333] in [0] : vector<16xf32>, vector<16xi32> -> vector<16xf32>
    %max3A_335 = arith.maximumf %max3A_321, %gather3A_334 : vector<16xf32>
    %xor3A_336 = arith.constant 1 : i32
    %xor3A_337 = vector.broadcast %xor3A_336 : i32 to vector<16xi32>
    %xor3A_338 = arith.xori %iota3A_293, %xor3A_337 : vector<16xi32>
    %lt3A_339 = arith.constant 0 : i32
    %lt3A_340 = vector.broadcast %lt3A_339 : i32 to vector<16xi32>
    %lt3A_341 = arith.cmpi slt, %xor3A_338, %lt3A_340 : vector<16xi32>
    %add3A_342 = arith.constant 16 : i32
    %add3A_343 = vector.broadcast %add3A_342 : i32 to vector<16xi32>
    %add3A_344 = arith.addi %xor3A_338, %add3A_343 : vector<16xi32>
    %select_n3A_345 = arith.select %lt3A_341, %add3A_344, %xor3A_338 : vector<16xi1>, vector<16xi32>
    %broadcast_in_dim3A_346 = vector.shape_cast %select_n3A_345 : vector<16xi32> to vector<16x1xi32>
    %gather3A_347 = vector.shape_cast %broadcast_in_dim3A_346 : vector<16x1xi32> to vector<16xi32>
    %gather3A_348 = tpu.dynamic_gather %max3A_335[%gather3A_347] in [0] : vector<16xf32>, vector<16xi32> -> vector<16xf32>
    %max3A_349 = arith.maximumf %max3A_335, %gather3A_348 : vector<16xf32>
    %add3A_350 = arith.addf %scan3A_288#4, %scan3A_288#5 : vector<16xf32>
    %add3A_351 = arith.addf %scan3A_288#6, %scan3A_288#7 : vector<16xf32>
    %add3A_352 = arith.addf %add3A_350, %add3A_351 : vector<16xf32>
    %iota3A_353 = tpu.iota {dimensions = array<i32: 0>} : vector<16xi32>
    %xor3A_354 = arith.constant 8 : i32
    %xor3A_355 = vector.broadcast %xor3A_354 : i32 to vector<16xi32>
    %xor3A_356 = arith.xori %iota3A_353, %xor3A_355 : vector<16xi32>
    %lt3A_357 = arith.constant 0 : i32
    %lt3A_358 = vector.broadcast %lt3A_357 : i32 to vector<16xi32>
    %lt3A_359 = arith.cmpi slt, %xor3A_356, %lt3A_358 : vector<16xi32>
    %add3A_360 = arith.constant 16 : i32
    %add3A_361 = vector.broadcast %add3A_360 : i32 to vector<16xi32>
    %add3A_362 = arith.addi %xor3A_356, %add3A_361 : vector<16xi32>
    %select_n3A_363 = arith.select %lt3A_359, %add3A_362, %xor3A_356 : vector<16xi1>, vector<16xi32>
    %broadcast_in_dim3A_364 = vector.shape_cast %select_n3A_363 : vector<16xi32> to vector<16x1xi32>
    %gather3A_365 = vector.shape_cast %broadcast_in_dim3A_364 : vector<16x1xi32> to vector<16xi32>
    %gather3A_366 = tpu.dynamic_gather %add3A_352[%gather3A_365] in [0] : vector<16xf32>, vector<16xi32> -> vector<16xf32>
    %add3A_367 = arith.addf %add3A_352, %gather3A_366 : vector<16xf32>
    %xor3A_368 = arith.constant 4 : i32
    %xor3A_369 = vector.broadcast %xor3A_368 : i32 to vector<16xi32>
    %xor3A_370 = arith.xori %iota3A_353, %xor3A_369 : vector<16xi32>
    %lt3A_371 = arith.constant 0 : i32
    %lt3A_372 = vector.broadcast %lt3A_371 : i32 to vector<16xi32>
    %lt3A_373 = arith.cmpi slt, %xor3A_370, %lt3A_372 : vector<16xi32>
    %add3A_374 = arith.constant 16 : i32
    %add3A_375 = vector.broadcast %add3A_374 : i32 to vector<16xi32>
    %add3A_376 = arith.addi %xor3A_370, %add3A_375 : vector<16xi32>
    %select_n3A_377 = arith.select %lt3A_373, %add3A_376, %xor3A_370 : vector<16xi1>, vector<16xi32>
    %broadcast_in_dim3A_378 = vector.shape_cast %select_n3A_377 : vector<16xi32> to vector<16x1xi32>
    %gather3A_379 = vector.shape_cast %broadcast_in_dim3A_378 : vector<16x1xi32> to vector<16xi32>
    %gather3A_380 = tpu.dynamic_gather %add3A_367[%gather3A_379] in [0] : vector<16xf32>, vector<16xi32> -> vector<16xf32>
    %add3A_381 = arith.addf %add3A_367, %gather3A_380 : vector<16xf32>
    %xor3A_382 = arith.constant 2 : i32
    %xor3A_383 = vector.broadcast %xor3A_382 : i32 to vector<16xi32>
    %xor3A_384 = arith.xori %iota3A_353, %xor3A_383 : vector<16xi32>
    %lt3A_385 = arith.constant 0 : i32
    %lt3A_386 = vector.broadcast %lt3A_385 : i32 to vector<16xi32>
    %lt3A_387 = arith.cmpi slt, %xor3A_384, %lt3A_386 : vector<16xi32>
    %add3A_388 = arith.constant 16 : i32
    %add3A_389 = vector.broadcast %add3A_388 : i32 to vector<16xi32>
    %add3A_390 = arith.addi %xor3A_384, %add3A_389 : vector<16xi32>
    %select_n3A_391 = arith.select %lt3A_387, %add3A_390, %xor3A_384 : vector<16xi1>, vector<16xi32>
    %broadcast_in_dim3A_392 = vector.shape_cast %select_n3A_391 : vector<16xi32> to vector<16x1xi32>
    %gather3A_393 = vector.shape_cast %broadcast_in_dim3A_392 : vector<16x1xi32> to vector<16xi32>
    %gather3A_394 = tpu.dynamic_gather %add3A_381[%gather3A_393] in [0] : vector<16xf32>, vector<16xi32> -> vector<16xf32>
    %add3A_395 = arith.addf %add3A_381, %gather3A_394 : vector<16xf32>
    %xor3A_396 = arith.constant 1 : i32
    %xor3A_397 = vector.broadcast %xor3A_396 : i32 to vector<16xi32>
    %xor3A_398 = arith.xori %iota3A_353, %xor3A_397 : vector<16xi32>
    %lt3A_399 = arith.constant 0 : i32
    %lt3A_400 = vector.broadcast %lt3A_399 : i32 to vector<16xi32>
    %lt3A_401 = arith.cmpi slt, %xor3A_398, %lt3A_400 : vector<16xi32>
    %add3A_402 = arith.constant 16 : i32
    %add3A_403 = vector.broadcast %add3A_402 : i32 to vector<16xi32>
    %add3A_404 = arith.addi %xor3A_398, %add3A_403 : vector<16xi32>
    %select_n3A_405 = arith.select %lt3A_401, %add3A_404, %xor3A_398 : vector<16xi1>, vector<16xi32>
    %broadcast_in_dim3A_406 = vector.shape_cast %select_n3A_405 : vector<16xi32> to vector<16x1xi32>
    %gather3A_407 = vector.shape_cast %broadcast_in_dim3A_406 : vector<16x1xi32> to vector<16xi32>
    %gather3A_408 = tpu.dynamic_gather %add3A_395[%gather3A_407] in [0] : vector<16xf32>, vector<16xi32> -> vector<16xf32>
    %add3A_409 = arith.addf %add3A_395, %gather3A_408 : vector<16xf32>
    %eq3A_410 = arith.constant 2 : i32
    %eq3A_411 = vector.broadcast %eq3A_410 : i32 to vector<16xi32>
    %eq3A_412 = arith.cmpi eq, %iota3A, %eq3A_411 : vector<16xi32>
    %select_n3A_413 = arith.select %eq3A_412, %max3A_349, %select_n3A_279 : vector<16xi1>, vector<16xf32>
    %eq3A_414 = arith.constant 14 : i32
    %eq3A_415 = vector.broadcast %eq3A_414 : i32 to vector<16xi32>
    %eq3A_416 = arith.cmpi eq, %iota3A, %eq3A_415 : vector<16xi32>
    %select_n3A_417 = arith.select %eq3A_416, %add3A_409, %select_n3A_413 : vector<16xi1>, vector<16xf32>
    %broadcast_in_dim3A_418 = arith.constant 0xFF800000 : f32
    %broadcast_in_dim3A_419 = vector.broadcast %broadcast_in_dim3A_418 : f32 to vector<16xf32>
    %broadcast_in_dim3A_420 = arith.constant 0.000000e+00 : f32
    %broadcast_in_dim3A_421 = vector.broadcast %broadcast_in_dim3A_420 : f32 to vector<16xf32>
    %scan3A_422 = arith.constant 0 : i32
    %scan3A_423 = arith.constant 64 : i32
    %scan3A_424 = arith.addi %scan3A_422, %scan3A_423 : i32
    %scan3A_425 = arith.constant 1 : i32
    %scan3A_426:8 = scf.for %scan3A_1163 = %scan3A_422 to %scan3A_424 step %scan3A_425 iter_args(%scan3A_1164 = %broadcast_in_dim3A_419, %scan3A_1165 = %broadcast_in_dim3A_419, %scan3A_1166 = %broadcast_in_dim3A_419, %scan3A_1167 = %broadcast_in_dim3A_419, %scan3A_1168 = %broadcast_in_dim3A_421, %scan3A_1169 = %broadcast_in_dim3A_421, %scan3A_1170 = %broadcast_in_dim3A_421, %scan3A_1171 = %broadcast_in_dim3A_421) -> (vector<16xf32>, vector<16xf32>, vector<16xf32>, vector<16xf32>, vector<16xf32>, vector<16xf32>, vector<16xf32>, vector<16xf32>)  : i32 {
      %mul3A_1172 = arith.constant 4 : i32
      %mul3A_1173 = arith.muli %scan3A_1163, %mul3A_1172 : i32
      %add3A_1174 = arith.constant 0 : i32
      %add3A_1175 = arith.addi %mul3A_1173, %add3A_1174 : i32
      %mul3A_1176 = arith.constant 16 : i32
      %mul3A_1177 = arith.muli %add3A_1175, %mul3A_1176 : i32
      %get3A = arith.constant 3 : i32
      %get3A_1178 = arith.index_cast %get3A : i32 to index
      %get3A_1179 = arith.index_cast %mul3A_1177 : i32 to index
      %get3A_1180 = tpu.vector_load %arg6[%get3A_1178, %get3A_1179] {strides = array<i32>} : memref<4x4096xf32, #tpu.memory_space<vmem>>, vector<1x16xf32>,
      %get3A_1181 = vector.shape_cast %get3A_1180 : vector<1x16xf32> to vector<16xf32>
      %max3A_1182 = arith.maximumf %scan3A_1164, %get3A_1181 : vector<16xf32>
      %mul3A_1183 = arith.mulf %get3A_1181, %get3A_1181 : vector<16xf32>
      %add3A_1184 = arith.addf %scan3A_1168, %mul3A_1183 : vector<16xf32>
      %mul3A_1185 = arith.constant 4 : i32
      %mul3A_1186 = arith.muli %scan3A_1163, %mul3A_1185 : i32
      %add3A_1187 = arith.constant 1 : i32
      %add3A_1188 = arith.addi %mul3A_1186, %add3A_1187 : i32
      %mul3A_1189 = arith.constant 16 : i32
      %mul3A_1190 = arith.muli %add3A_1188, %mul3A_1189 : i32
      %get3A_1191 = arith.constant 3 : i32
      %get3A_1192 = arith.index_cast %get3A_1191 : i32 to index
      %get3A_1193 = arith.index_cast %mul3A_1190 : i32 to index
      %get3A_1194 = tpu.vector_load %arg6[%get3A_1192, %get3A_1193] {strides = array<i32>} : memref<4x4096xf32, #tpu.memory_space<vmem>>, vector<1x16xf32>,
      %get3A_1195 = vector.shape_cast %get3A_1194 : vector<1x16xf32> to vector<16xf32>
      %max3A_1196 = arith.maximumf %scan3A_1165, %get3A_1195 : vector<16xf32>
      %mul3A_1197 = arith.mulf %get3A_1195, %get3A_1195 : vector<16xf32>
      %add3A_1198 = arith.addf %scan3A_1169, %mul3A_1197 : vector<16xf32>
      %mul3A_1199 = arith.constant 4 : i32
      %mul3A_1200 = arith.muli %scan3A_1163, %mul3A_1199 : i32
      %add3A_1201 = arith.constant 2 : i32
      %add3A_1202 = arith.addi %mul3A_1200, %add3A_1201 : i32
      %mul3A_1203 = arith.constant 16 : i32
      %mul3A_1204 = arith.muli %add3A_1202, %mul3A_1203 : i32
      %get3A_1205 = arith.constant 3 : i32
      %get3A_1206 = arith.index_cast %get3A_1205 : i32 to index
      %get3A_1207 = arith.index_cast %mul3A_1204 : i32 to index
      %get3A_1208 = tpu.vector_load %arg6[%get3A_1206, %get3A_1207] {strides = array<i32>} : memref<4x4096xf32, #tpu.memory_space<vmem>>, vector<1x16xf32>,
      %get3A_1209 = vector.shape_cast %get3A_1208 : vector<1x16xf32> to vector<16xf32>
      %max3A_1210 = arith.maximumf %scan3A_1166, %get3A_1209 : vector<16xf32>
      %mul3A_1211 = arith.mulf %get3A_1209, %get3A_1209 : vector<16xf32>
      %add3A_1212 = arith.addf %scan3A_1170, %mul3A_1211 : vector<16xf32>
      %mul3A_1213 = arith.constant 4 : i32
      %mul3A_1214 = arith.muli %scan3A_1163, %mul3A_1213 : i32
      %add3A_1215 = arith.constant 3 : i32
      %add3A_1216 = arith.addi %mul3A_1214, %add3A_1215 : i32
      %mul3A_1217 = arith.constant 16 : i32
      %mul3A_1218 = arith.muli %add3A_1216, %mul3A_1217 : i32
      %get3A_1219 = arith.constant 3 : i32
      %get3A_1220 = arith.index_cast %get3A_1219 : i32 to index
      %get3A_1221 = arith.index_cast %mul3A_1218 : i32 to index
      %get3A_1222 = tpu.vector_load %arg6[%get3A_1220, %get3A_1221] {strides = array<i32>} : memref<4x4096xf32, #tpu.memory_space<vmem>>, vector<1x16xf32>,
      %get3A_1223 = vector.shape_cast %get3A_1222 : vector<1x16xf32> to vector<16xf32>
      %max3A_1224 = arith.maximumf %scan3A_1167, %get3A_1223 : vector<16xf32>
      %mul3A_1225 = arith.mulf %get3A_1223, %get3A_1223 : vector<16xf32>
      %add3A_1226 = arith.addf %scan3A_1171, %mul3A_1225 : vector<16xf32>
      scf.yield %max3A_1182, %max3A_1196, %max3A_1210, %max3A_1224, %add3A_1184, %add3A_1198, %add3A_1212, %add3A_1226 : vector<16xf32>, vector<16xf32>, vector<16xf32>, vector<16xf32>, vector<16xf32>, vector<16xf32>, vector<16xf32>, vector<16xf32>
    }
    %scan3A_427 = arith.constant 64 : i32
    %max3A_428 = arith.maximumf %scan3A_426#0, %scan3A_426#1 : vector<16xf32>
    %max3A_429 = arith.maximumf %scan3A_426#2, %scan3A_426#3 : vector<16xf32>
    %max3A_430 = arith.maximumf %max3A_428, %max3A_429 : vector<16xf32>
    %iota3A_431 = tpu.iota {dimensions = array<i32: 0>} : vector<16xi32>
    %xor3A_432 = arith.constant 8 : i32
    %xor3A_433 = vector.broadcast %xor3A_432 : i32 to vector<16xi32>
    %xor3A_434 = arith.xori %iota3A_431, %xor3A_433 : vector<16xi32>
    %lt3A_435 = arith.constant 0 : i32
    %lt3A_436 = vector.broadcast %lt3A_435 : i32 to vector<16xi32>
    %lt3A_437 = arith.cmpi slt, %xor3A_434, %lt3A_436 : vector<16xi32>
    %add3A_438 = arith.constant 16 : i32
    %add3A_439 = vector.broadcast %add3A_438 : i32 to vector<16xi32>
    %add3A_440 = arith.addi %xor3A_434, %add3A_439 : vector<16xi32>
    %select_n3A_441 = arith.select %lt3A_437, %add3A_440, %xor3A_434 : vector<16xi1>, vector<16xi32>
    %broadcast_in_dim3A_442 = vector.shape_cast %select_n3A_441 : vector<16xi32> to vector<16x1xi32>
    %gather3A_443 = vector.shape_cast %broadcast_in_dim3A_442 : vector<16x1xi32> to vector<16xi32>
    %gather3A_444 = tpu.dynamic_gather %max3A_430[%gather3A_443] in [0] : vector<16xf32>, vector<16xi32> -> vector<16xf32>
    %max3A_445 = arith.maximumf %max3A_430, %gather3A_444 : vector<16xf32>
    %xor3A_446 = arith.constant 4 : i32
    %xor3A_447 = vector.broadcast %xor3A_446 : i32 to vector<16xi32>
    %xor3A_448 = arith.xori %iota3A_431, %xor3A_447 : vector<16xi32>
    %lt3A_449 = arith.constant 0 : i32
    %lt3A_450 = vector.broadcast %lt3A_449 : i32 to vector<16xi32>
    %lt3A_451 = arith.cmpi slt, %xor3A_448, %lt3A_450 : vector<16xi32>
    %add3A_452 = arith.constant 16 : i32
    %add3A_453 = vector.broadcast %add3A_452 : i32 to vector<16xi32>
    %add3A_454 = arith.addi %xor3A_448, %add3A_453 : vector<16xi32>
    %select_n3A_455 = arith.select %lt3A_451, %add3A_454, %xor3A_448 : vector<16xi1>, vector<16xi32>
    %broadcast_in_dim3A_456 = vector.shape_cast %select_n3A_455 : vector<16xi32> to vector<16x1xi32>
    %gather3A_457 = vector.shape_cast %broadcast_in_dim3A_456 : vector<16x1xi32> to vector<16xi32>
    %gather3A_458 = tpu.dynamic_gather %max3A_445[%gather3A_457] in [0] : vector<16xf32>, vector<16xi32> -> vector<16xf32>
    %max3A_459 = arith.maximumf %max3A_445, %gather3A_458 : vector<16xf32>
    %xor3A_460 = arith.constant 2 : i32
    %xor3A_461 = vector.broadcast %xor3A_460 : i32 to vector<16xi32>
    %xor3A_462 = arith.xori %iota3A_431, %xor3A_461 : vector<16xi32>
    %lt3A_463 = arith.constant 0 : i32
    %lt3A_464 = vector.broadcast %lt3A_463 : i32 to vector<16xi32>
    %lt3A_465 = arith.cmpi slt, %xor3A_462, %lt3A_464 : vector<16xi32>
    %add3A_466 = arith.constant 16 : i32
    %add3A_467 = vector.broadcast %add3A_466 : i32 to vector<16xi32>
    %add3A_468 = arith.addi %xor3A_462, %add3A_467 : vector<16xi32>
    %select_n3A_469 = arith.select %lt3A_465, %add3A_468, %xor3A_462 : vector<16xi1>, vector<16xi32>
    %broadcast_in_dim3A_470 = vector.shape_cast %select_n3A_469 : vector<16xi32> to vector<16x1xi32>
    %gather3A_471 = vector.shape_cast %broadcast_in_dim3A_470 : vector<16x1xi32> to vector<16xi32>
    %gather3A_472 = tpu.dynamic_gather %max3A_459[%gather3A_471] in [0] : vector<16xf32>, vector<16xi32> -> vector<16xf32>
    %max3A_473 = arith.maximumf %max3A_459, %gather3A_472 : vector<16xf32>
    %xor3A_474 = arith.constant 1 : i32
    %xor3A_475 = vector.broadcast %xor3A_474 : i32 to vector<16xi32>
    %xor3A_476 = arith.xori %iota3A_431, %xor3A_475 : vector<16xi32>
    %lt3A_477 = arith.constant 0 : i32
    %lt3A_478 = vector.broadcast %lt3A_477 : i32 to vector<16xi32>
    %lt3A_479 = arith.cmpi slt, %xor3A_476, %lt3A_478 : vector<16xi32>
    %add3A_480 = arith.constant 16 : i32
    %add3A_481 = vector.broadcast %add3A_480 : i32 to vector<16xi32>
    %add3A_482 = arith.addi %xor3A_476, %add3A_481 : vector<16xi32>
    %select_n3A_483 = arith.select %lt3A_479, %add3A_482, %xor3A_476 : vector<16xi1>, vector<16xi32>
    %broadcast_in_dim3A_484 = vector.shape_cast %select_n3A_483 : vector<16xi32> to vector<16x1xi32>
    %gather3A_485 = vector.shape_cast %broadcast_in_dim3A_484 : vector<16x1xi32> to vector<16xi32>
    %gather3A_486 = tpu.dynamic_gather %max3A_473[%gather3A_485] in [0] : vector<16xf32>, vector<16xi32> -> vector<16xf32>
    %max3A_487 = arith.maximumf %max3A_473, %gather3A_486 : vector<16xf32>
    %add3A_488 = arith.addf %scan3A_426#4, %scan3A_426#5 : vector<16xf32>
    %add3A_489 = arith.addf %scan3A_426#6, %scan3A_426#7 : vector<16xf32>
    %add3A_490 = arith.addf %add3A_488, %add3A_489 : vector<16xf32>
    %iota3A_491 = tpu.iota {dimensions = array<i32: 0>} : vector<16xi32>
    %xor3A_492 = arith.constant 8 : i32
    %xor3A_493 = vector.broadcast %xor3A_492 : i32 to vector<16xi32>
    %xor3A_494 = arith.xori %iota3A_491, %xor3A_493 : vector<16xi32>
    %lt3A_495 = arith.constant 0 : i32
    %lt3A_496 = vector.broadcast %lt3A_495 : i32 to vector<16xi32>
    %lt3A_497 = arith.cmpi slt, %xor3A_494, %lt3A_496 : vector<16xi32>
    %add3A_498 = arith.constant 16 : i32
    %add3A_499 = vector.broadcast %add3A_498 : i32 to vector<16xi32>
    %add3A_500 = arith.addi %xor3A_494, %add3A_499 : vector<16xi32>
    %select_n3A_501 = arith.select %lt3A_497, %add3A_500, %xor3A_494 : vector<16xi1>, vector<16xi32>
    %broadcast_in_dim3A_502 = vector.shape_cast %select_n3A_501 : vector<16xi32> to vector<16x1xi32>
    %gather3A_503 = vector.shape_cast %broadcast_in_dim3A_502 : vector<16x1xi32> to vector<16xi32>
    %gather3A_504 = tpu.dynamic_gather %add3A_490[%gather3A_503] in [0] : vector<16xf32>, vector<16xi32> -> vector<16xf32>
    %add3A_505 = arith.addf %add3A_490, %gather3A_504 : vector<16xf32>
    %xor3A_506 = arith.constant 4 : i32
    %xor3A_507 = vector.broadcast %xor3A_506 : i32 to vector<16xi32>
    %xor3A_508 = arith.xori %iota3A_491, %xor3A_507 : vector<16xi32>
    %lt3A_509 = arith.constant 0 : i32
    %lt3A_510 = vector.broadcast %lt3A_509 : i32 to vector<16xi32>
    %lt3A_511 = arith.cmpi slt, %xor3A_508, %lt3A_510 : vector<16xi32>
    %add3A_512 = arith.constant 16 : i32
    %add3A_513 = vector.broadcast %add3A_512 : i32 to vector<16xi32>
    %add3A_514 = arith.addi %xor3A_508, %add3A_513 : vector<16xi32>
    %select_n3A_515 = arith.select %lt3A_511, %add3A_514, %xor3A_508 : vector<16xi1>, vector<16xi32>
    %broadcast_in_dim3A_516 = vector.shape_cast %select_n3A_515 : vector<16xi32> to vector<16x1xi32>
    %gather3A_517 = vector.shape_cast %broadcast_in_dim3A_516 : vector<16x1xi32> to vector<16xi32>
    %gather3A_518 = tpu.dynamic_gather %add3A_505[%gather3A_517] in [0] : vector<16xf32>, vector<16xi32> -> vector<16xf32>
    %add3A_519 = arith.addf %add3A_505, %gather3A_518 : vector<16xf32>
    %xor3A_520 = arith.constant 2 : i32
    %xor3A_521 = vector.broadcast %xor3A_520 : i32 to vector<16xi32>
    %xor3A_522 = arith.xori %iota3A_491, %xor3A_521 : vector<16xi32>
    %lt3A_523 = arith.constant 0 : i32
    %lt3A_524 = vector.broadcast %lt3A_523 : i32 to vector<16xi32>
    %lt3A_525 = arith.cmpi slt, %xor3A_522, %lt3A_524 : vector<16xi32>
    %add3A_526 = arith.constant 16 : i32
    %add3A_527 = vector.broadcast %add3A_526 : i32 to vector<16xi32>
    %add3A_528 = arith.addi %xor3A_522, %add3A_527 : vector<16xi32>
    %select_n3A_529 = arith.select %lt3A_525, %add3A_528, %xor3A_522 : vector<16xi1>, vector<16xi32>
    %broadcast_in_dim3A_530 = vector.shape_cast %select_n3A_529 : vector<16xi32> to vector<16x1xi32>
    %gather3A_531 = vector.shape_cast %broadcast_in_dim3A_530 : vector<16x1xi32> to vector<16xi32>
    %gather3A_532 = tpu.dynamic_gather %add3A_519[%gather3A_531] in [0] : vector<16xf32>, vector<16xi32> -> vector<16xf32>
    %add3A_533 = arith.addf %add3A_519, %gather3A_532 : vector<16xf32>
    %xor3A_534 = arith.constant 1 : i32
    %xor3A_535 = vector.broadcast %xor3A_534 : i32 to vector<16xi32>
    %xor3A_536 = arith.xori %iota3A_491, %xor3A_535 : vector<16xi32>
    %lt3A_537 = arith.constant 0 : i32
    %lt3A_538 = vector.broadcast %lt3A_537 : i32 to vector<16xi32>
    %lt3A_539 = arith.cmpi slt, %xor3A_536, %lt3A_538 : vector<16xi32>
    %add3A_540 = arith.constant 16 : i32
    %add3A_541 = vector.broadcast %add3A_540 : i32 to vector<16xi32>
    %add3A_542 = arith.addi %xor3A_536, %add3A_541 : vector<16xi32>
    %select_n3A_543 = arith.select %lt3A_539, %add3A_542, %xor3A_536 : vector<16xi1>, vector<16xi32>
    %broadcast_in_dim3A_544 = vector.shape_cast %select_n3A_543 : vector<16xi32> to vector<16x1xi32>
    %gather3A_545 = vector.shape_cast %broadcast_in_dim3A_544 : vector<16x1xi32> to vector<16xi32>
    %gather3A_546 = tpu.dynamic_gather %add3A_533[%gather3A_545] in [0] : vector<16xf32>, vector<16xi32> -> vector<16xf32>
    %add3A_547 = arith.addf %add3A_533, %gather3A_546 : vector<16xf32>
    %eq3A_548 = arith.constant 3 : i32
    %eq3A_549 = vector.broadcast %eq3A_548 : i32 to vector<16xi32>
    %eq3A_550 = arith.cmpi eq, %iota3A, %eq3A_549 : vector<16xi32>
    %select_n3A_551 = arith.select %eq3A_550, %max3A_487, %select_n3A_417 : vector<16xi1>, vector<16xf32>
    %eq3A_552 = arith.constant 15 : i32
    %eq3A_553 = vector.broadcast %eq3A_552 : i32 to vector<16xi32>
    %eq3A_554 = arith.cmpi eq, %iota3A, %eq3A_553 : vector<16xi32>
    %select_n3A_555 = arith.select %eq3A_554, %add3A_547, %select_n3A_551 : vector<16xi1>, vector<16xf32>
    %dma_start3A_556 = arith.constant 0 : i32
    %dma_start3A_557 = tpu.memref_slice %arg4[%mul3A_0, %dma_start3A_556] : memref<64x4096xf32, #tpu.memory_space<hbm>> -> memref<4x4096xf32, #tpu.memory_space<hbm>>
    %dma_start3A_558 = arith.constant 0 : i32
    %dma_start3A_559 = tpu.memref_slice %arg4[%mul3A_0, %dma_start3A_558] : memref<64x4096xf32, #tpu.memory_space<hbm>> -> memref<4x4096xf32, #tpu.memory_space<hbm>>
    tpu.enqueue_dma source(%dma_start3A_559 : memref<4x4096xf32, #tpu.memory_space<hbm>>) target(%arg6 : memref<4x4096xf32, #tpu.memory_space<vmem>>) target_semaphore(%arg9 : memref<!tpu.dma_semaphore, #tpu.memory_space<semaphore_mem>>)
    %dma_wait3A_560 = arith.constant 0 : i32
    %dma_wait3A_561 = tpu.memref_slice %arg3[%mul3A_0, %dma_wait3A_560] : memref<64x4096xf32, #tpu.memory_space<hbm>> -> memref<4x4096xf32, #tpu.memory_space<hbm>>
    %dma_wait3A_562 = arith.constant 0 : i32
    %dma_wait3A_563 = tpu.memref_slice %arg3[%mul3A_0, %dma_wait3A_562] : memref<64x4096xf32, #tpu.memory_space<hbm>> -> memref<4x4096xf32, #tpu.memory_space<hbm>>
    tpu.wait_dma2 semaphore(%arg10 : memref<!tpu.dma_semaphore, #tpu.memory_space<semaphore_mem>>) src(%dma_wait3A_563 : memref<4x4096xf32, #tpu.memory_space<hbm>>) dst(%arg7 : memref<4x4096xf32, #tpu.memory_space<vmem>>)
    %broadcast_in_dim3A_564 = arith.constant 0xFF800000 : f32
    %broadcast_in_dim3A_565 = vector.broadcast %broadcast_in_dim3A_564 : f32 to vector<16xf32>
    %broadcast_in_dim3A_566 = arith.constant 0.000000e+00 : f32
    %broadcast_in_dim3A_567 = vector.broadcast %broadcast_in_dim3A_566 : f32 to vector<16xf32>
    %scan3A_568 = arith.constant 0 : i32
    %scan3A_569 = arith.constant 64 : i32
    %scan3A_570 = arith.addi %scan3A_568, %scan3A_569 : i32
    %scan3A_571 = arith.constant 1 : i32
    %scan3A_572:4 = scf.for %scan3A_1163 = %scan3A_568 to %scan3A_570 step %scan3A_571 iter_args(%scan3A_1164 = %broadcast_in_dim3A_565, %scan3A_1165 = %broadcast_in_dim3A_565, %scan3A_1166 = %broadcast_in_dim3A_565, %scan3A_1167 = %broadcast_in_dim3A_565) -> (vector<16xf32>, vector<16xf32>, vector<16xf32>, vector<16xf32>)  : i32 {
      %mul3A_1168 = arith.constant 4 : i32
      %mul3A_1169 = arith.muli %scan3A_1163, %mul3A_1168 : i32
      %add3A_1170 = arith.constant 0 : i32
      %add3A_1171 = arith.addi %mul3A_1169, %add3A_1170 : i32
      %mul3A_1172 = arith.constant 16 : i32
      %mul3A_1173 = arith.muli %add3A_1171, %mul3A_1172 : i32
      %get3A = arith.constant 0 : i32
      %get3A_1174 = arith.index_cast %get3A : i32 to index
      %get3A_1175 = arith.index_cast %mul3A_1173 : i32 to index
      %get3A_1176 = tpu.vector_load %arg7[%get3A_1174, %get3A_1175] {strides = array<i32>} : memref<4x4096xf32, #tpu.memory_space<vmem>>, vector<1x16xf32>,
      %get3A_1177 = vector.shape_cast %get3A_1176 : vector<1x16xf32> to vector<16xf32>
      %max3A_1178 = arith.maximumf %scan3A_1164, %get3A_1177 : vector<16xf32>
      %mul3A_1179 = arith.constant 4 : i32
      %mul3A_1180 = arith.muli %scan3A_1163, %mul3A_1179 : i32
      %add3A_1181 = arith.constant 1 : i32
      %add3A_1182 = arith.addi %mul3A_1180, %add3A_1181 : i32
      %mul3A_1183 = arith.constant 16 : i32
      %mul3A_1184 = arith.muli %add3A_1182, %mul3A_1183 : i32
      %get3A_1185 = arith.constant 0 : i32
      %get3A_1186 = arith.index_cast %get3A_1185 : i32 to index
      %get3A_1187 = arith.index_cast %mul3A_1184 : i32 to index
      %get3A_1188 = tpu.vector_load %arg7[%get3A_1186, %get3A_1187] {strides = array<i32>} : memref<4x4096xf32, #tpu.memory_space<vmem>>, vector<1x16xf32>,
      %get3A_1189 = vector.shape_cast %get3A_1188 : vector<1x16xf32> to vector<16xf32>
      %max3A_1190 = arith.maximumf %scan3A_1165, %get3A_1189 : vector<16xf32>
      %mul3A_1191 = arith.constant 4 : i32
      %mul3A_1192 = arith.muli %scan3A_1163, %mul3A_1191 : i32
      %add3A_1193 = arith.constant 2 : i32
      %add3A_1194 = arith.addi %mul3A_1192, %add3A_1193 : i32
      %mul3A_1195 = arith.constant 16 : i32
      %mul3A_1196 = arith.muli %add3A_1194, %mul3A_1195 : i32
      %get3A_1197 = arith.constant 0 : i32
      %get3A_1198 = arith.index_cast %get3A_1197 : i32 to index
      %get3A_1199 = arith.index_cast %mul3A_1196 : i32 to index
      %get3A_1200 = tpu.vector_load %arg7[%get3A_1198, %get3A_1199] {strides = array<i32>} : memref<4x4096xf32, #tpu.memory_space<vmem>>, vector<1x16xf32>,
      %get3A_1201 = vector.shape_cast %get3A_1200 : vector<1x16xf32> to vector<16xf32>
      %max3A_1202 = arith.maximumf %scan3A_1166, %get3A_1201 : vector<16xf32>
      %mul3A_1203 = arith.constant 4 : i32
      %mul3A_1204 = arith.muli %scan3A_1163, %mul3A_1203 : i32
      %add3A_1205 = arith.constant 3 : i32
      %add3A_1206 = arith.addi %mul3A_1204, %add3A_1205 : i32
      %mul3A_1207 = arith.constant 16 : i32
      %mul3A_1208 = arith.muli %add3A_1206, %mul3A_1207 : i32
      %get3A_1209 = arith.constant 0 : i32
      %get3A_1210 = arith.index_cast %get3A_1209 : i32 to index
      %get3A_1211 = arith.index_cast %mul3A_1208 : i32 to index
      %get3A_1212 = tpu.vector_load %arg7[%get3A_1210, %get3A_1211] {strides = array<i32>} : memref<4x4096xf32, #tpu.memory_space<vmem>>, vector<1x16xf32>,
      %get3A_1213 = vector.shape_cast %get3A_1212 : vector<1x16xf32> to vector<16xf32>
      %max3A_1214 = arith.maximumf %scan3A_1167, %get3A_1213 : vector<16xf32>
      scf.yield %max3A_1178, %max3A_1190, %max3A_1202, %max3A_1214 : vector<16xf32>, vector<16xf32>, vector<16xf32>, vector<16xf32>
    }
    %scan3A_573 = arith.constant 64 : i32
    %max3A_574 = arith.maximumf %scan3A_572#0, %scan3A_572#1 : vector<16xf32>
    %max3A_575 = arith.maximumf %scan3A_572#2, %scan3A_572#3 : vector<16xf32>
    %max3A_576 = arith.maximumf %max3A_574, %max3A_575 : vector<16xf32>
    %iota3A_577 = tpu.iota {dimensions = array<i32: 0>} : vector<16xi32>
    %xor3A_578 = arith.constant 8 : i32
    %xor3A_579 = vector.broadcast %xor3A_578 : i32 to vector<16xi32>
    %xor3A_580 = arith.xori %iota3A_577, %xor3A_579 : vector<16xi32>
    %lt3A_581 = arith.constant 0 : i32
    %lt3A_582 = vector.broadcast %lt3A_581 : i32 to vector<16xi32>
    %lt3A_583 = arith.cmpi slt, %xor3A_580, %lt3A_582 : vector<16xi32>
    %add3A_584 = arith.constant 16 : i32
    %add3A_585 = vector.broadcast %add3A_584 : i32 to vector<16xi32>
    %add3A_586 = arith.addi %xor3A_580, %add3A_585 : vector<16xi32>
    %select_n3A_587 = arith.select %lt3A_583, %add3A_586, %xor3A_580 : vector<16xi1>, vector<16xi32>
    %broadcast_in_dim3A_588 = vector.shape_cast %select_n3A_587 : vector<16xi32> to vector<16x1xi32>
    %gather3A_589 = vector.shape_cast %broadcast_in_dim3A_588 : vector<16x1xi32> to vector<16xi32>
    %gather3A_590 = tpu.dynamic_gather %max3A_576[%gather3A_589] in [0] : vector<16xf32>, vector<16xi32> -> vector<16xf32>
    %max3A_591 = arith.maximumf %max3A_576, %gather3A_590 : vector<16xf32>
    %xor3A_592 = arith.constant 4 : i32
    %xor3A_593 = vector.broadcast %xor3A_592 : i32 to vector<16xi32>
    %xor3A_594 = arith.xori %iota3A_577, %xor3A_593 : vector<16xi32>
    %lt3A_595 = arith.constant 0 : i32
    %lt3A_596 = vector.broadcast %lt3A_595 : i32 to vector<16xi32>
    %lt3A_597 = arith.cmpi slt, %xor3A_594, %lt3A_596 : vector<16xi32>
    %add3A_598 = arith.constant 16 : i32
    %add3A_599 = vector.broadcast %add3A_598 : i32 to vector<16xi32>
    %add3A_600 = arith.addi %xor3A_594, %add3A_599 : vector<16xi32>
    %select_n3A_601 = arith.select %lt3A_597, %add3A_600, %xor3A_594 : vector<16xi1>, vector<16xi32>
    %broadcast_in_dim3A_602 = vector.shape_cast %select_n3A_601 : vector<16xi32> to vector<16x1xi32>
    %gather3A_603 = vector.shape_cast %broadcast_in_dim3A_602 : vector<16x1xi32> to vector<16xi32>
    %gather3A_604 = tpu.dynamic_gather %max3A_591[%gather3A_603] in [0] : vector<16xf32>, vector<16xi32> -> vector<16xf32>
    %max3A_605 = arith.maximumf %max3A_591, %gather3A_604 : vector<16xf32>
    %xor3A_606 = arith.constant 2 : i32
    %xor3A_607 = vector.broadcast %xor3A_606 : i32 to vector<16xi32>
    %xor3A_608 = arith.xori %iota3A_577, %xor3A_607 : vector<16xi32>
    %lt3A_609 = arith.constant 0 : i32
    %lt3A_610 = vector.broadcast %lt3A_609 : i32 to vector<16xi32>
    %lt3A_611 = arith.cmpi slt, %xor3A_608, %lt3A_610 : vector<16xi32>
    %add3A_612 = arith.constant 16 : i32
    %add3A_613 = vector.broadcast %add3A_612 : i32 to vector<16xi32>
    %add3A_614 = arith.addi %xor3A_608, %add3A_613 : vector<16xi32>
    %select_n3A_615 = arith.select %lt3A_611, %add3A_614, %xor3A_608 : vector<16xi1>, vector<16xi32>
    %broadcast_in_dim3A_616 = vector.shape_cast %select_n3A_615 : vector<16xi32> to vector<16x1xi32>
    %gather3A_617 = vector.shape_cast %broadcast_in_dim3A_616 : vector<16x1xi32> to vector<16xi32>
    %gather3A_618 = tpu.dynamic_gather %max3A_605[%gather3A_617] in [0] : vector<16xf32>, vector<16xi32> -> vector<16xf32>
    %max3A_619 = arith.maximumf %max3A_605, %gather3A_618 : vector<16xf32>
    %xor3A_620 = arith.constant 1 : i32
    %xor3A_621 = vector.broadcast %xor3A_620 : i32 to vector<16xi32>
    %xor3A_622 = arith.xori %iota3A_577, %xor3A_621 : vector<16xi32>
    %lt3A_623 = arith.constant 0 : i32
    %lt3A_624 = vector.broadcast %lt3A_623 : i32 to vector<16xi32>
    %lt3A_625 = arith.cmpi slt, %xor3A_622, %lt3A_624 : vector<16xi32>
    %add3A_626 = arith.constant 16 : i32
    %add3A_627 = vector.broadcast %add3A_626 : i32 to vector<16xi32>
    %add3A_628 = arith.addi %xor3A_622, %add3A_627 : vector<16xi32>
    %select_n3A_629 = arith.select %lt3A_625, %add3A_628, %xor3A_622 : vector<16xi1>, vector<16xi32>
    %broadcast_in_dim3A_630 = vector.shape_cast %select_n3A_629 : vector<16xi32> to vector<16x1xi32>
    %gather3A_631 = vector.shape_cast %broadcast_in_dim3A_630 : vector<16x1xi32> to vector<16xi32>
    %gather3A_632 = tpu.dynamic_gather %max3A_619[%gather3A_631] in [0] : vector<16xf32>, vector<16xi32> -> vector<16xf32>
    %max3A_633 = arith.maximumf %max3A_619, %gather3A_632 : vector<16xf32>
    %eq3A_634 = arith.constant 4 : i32
    %eq3A_635 = vector.broadcast %eq3A_634 : i32 to vector<16xi32>
    %eq3A_636 = arith.cmpi eq, %iota3A, %eq3A_635 : vector<16xi32>
    %select_n3A_637 = arith.select %eq3A_636, %max3A_633, %select_n3A_555 : vector<16xi1>, vector<16xf32>
    %broadcast_in_dim3A_638 = arith.constant 0xFF800000 : f32
    %broadcast_in_dim3A_639 = vector.broadcast %broadcast_in_dim3A_638 : f32 to vector<16xf32>
    %broadcast_in_dim3A_640 = arith.constant 0.000000e+00 : f32
    %broadcast_in_dim3A_641 = vector.broadcast %broadcast_in_dim3A_640 : f32 to vector<16xf32>
    %scan3A_642 = arith.constant 0 : i32
    %scan3A_643 = arith.constant 64 : i32
    %scan3A_644 = arith.addi %scan3A_642, %scan3A_643 : i32
    %scan3A_645 = arith.constant 1 : i32
    %scan3A_646:4 = scf.for %scan3A_1163 = %scan3A_642 to %scan3A_644 step %scan3A_645 iter_args(%scan3A_1164 = %broadcast_in_dim3A_639, %scan3A_1165 = %broadcast_in_dim3A_639, %scan3A_1166 = %broadcast_in_dim3A_639, %scan3A_1167 = %broadcast_in_dim3A_639) -> (vector<16xf32>, vector<16xf32>, vector<16xf32>, vector<16xf32>)  : i32 {
      %mul3A_1168 = arith.constant 4 : i32
      %mul3A_1169 = arith.muli %scan3A_1163, %mul3A_1168 : i32
      %add3A_1170 = arith.constant 0 : i32
      %add3A_1171 = arith.addi %mul3A_1169, %add3A_1170 : i32
      %mul3A_1172 = arith.constant 16 : i32
      %mul3A_1173 = arith.muli %add3A_1171, %mul3A_1172 : i32
      %get3A = arith.constant 1 : i32
      %get3A_1174 = arith.index_cast %get3A : i32 to index
      %get3A_1175 = arith.index_cast %mul3A_1173 : i32 to index
      %get3A_1176 = tpu.vector_load %arg7[%get3A_1174, %get3A_1175] {strides = array<i32>} : memref<4x4096xf32, #tpu.memory_space<vmem>>, vector<1x16xf32>,
      %get3A_1177 = vector.shape_cast %get3A_1176 : vector<1x16xf32> to vector<16xf32>
      %max3A_1178 = arith.maximumf %scan3A_1164, %get3A_1177 : vector<16xf32>
      %mul3A_1179 = arith.constant 4 : i32
      %mul3A_1180 = arith.muli %scan3A_1163, %mul3A_1179 : i32
      %add3A_1181 = arith.constant 1 : i32
      %add3A_1182 = arith.addi %mul3A_1180, %add3A_1181 : i32
      %mul3A_1183 = arith.constant 16 : i32
      %mul3A_1184 = arith.muli %add3A_1182, %mul3A_1183 : i32
      %get3A_1185 = arith.constant 1 : i32
      %get3A_1186 = arith.index_cast %get3A_1185 : i32 to index
      %get3A_1187 = arith.index_cast %mul3A_1184 : i32 to index
      %get3A_1188 = tpu.vector_load %arg7[%get3A_1186, %get3A_1187] {strides = array<i32>} : memref<4x4096xf32, #tpu.memory_space<vmem>>, vector<1x16xf32>,
      %get3A_1189 = vector.shape_cast %get3A_1188 : vector<1x16xf32> to vector<16xf32>
      %max3A_1190 = arith.maximumf %scan3A_1165, %get3A_1189 : vector<16xf32>
      %mul3A_1191 = arith.constant 4 : i32
      %mul3A_1192 = arith.muli %scan3A_1163, %mul3A_1191 : i32
      %add3A_1193 = arith.constant 2 : i32
      %add3A_1194 = arith.addi %mul3A_1192, %add3A_1193 : i32
      %mul3A_1195 = arith.constant 16 : i32
      %mul3A_1196 = arith.muli %add3A_1194, %mul3A_1195 : i32
      %get3A_1197 = arith.constant 1 : i32
      %get3A_1198 = arith.index_cast %get3A_1197 : i32 to index
      %get3A_1199 = arith.index_cast %mul3A_1196 : i32 to index
      %get3A_1200 = tpu.vector_load %arg7[%get3A_1198, %get3A_1199] {strides = array<i32>} : memref<4x4096xf32, #tpu.memory_space<vmem>>, vector<1x16xf32>,
      %get3A_1201 = vector.shape_cast %get3A_1200 : vector<1x16xf32> to vector<16xf32>
      %max3A_1202 = arith.maximumf %scan3A_1166, %get3A_1201 : vector<16xf32>
      %mul3A_1203 = arith.constant 4 : i32
      %mul3A_1204 = arith.muli %scan3A_1163, %mul3A_1203 : i32
      %add3A_1205 = arith.constant 3 : i32
      %add3A_1206 = arith.addi %mul3A_1204, %add3A_1205 : i32
      %mul3A_1207 = arith.constant 16 : i32
      %mul3A_1208 = arith.muli %add3A_1206, %mul3A_1207 : i32
      %get3A_1209 = arith.constant 1 : i32
      %get3A_1210 = arith.index_cast %get3A_1209 : i32 to index
      %get3A_1211 = arith.index_cast %mul3A_1208 : i32 to index
      %get3A_1212 = tpu.vector_load %arg7[%get3A_1210, %get3A_1211] {strides = array<i32>} : memref<4x4096xf32, #tpu.memory_space<vmem>>, vector<1x16xf32>,
      %get3A_1213 = vector.shape_cast %get3A_1212 : vector<1x16xf32> to vector<16xf32>
      %max3A_1214 = arith.maximumf %scan3A_1167, %get3A_1213 : vector<16xf32>
      scf.yield %max3A_1178, %max3A_1190, %max3A_1202, %max3A_1214 : vector<16xf32>, vector<16xf32>, vector<16xf32>, vector<16xf32>
    }
    %scan3A_647 = arith.constant 64 : i32
    %max3A_648 = arith.maximumf %scan3A_646#0, %scan3A_646#1 : vector<16xf32>
    %max3A_649 = arith.maximumf %scan3A_646#2, %scan3A_646#3 : vector<16xf32>
    %max3A_650 = arith.maximumf %max3A_648, %max3A_649 : vector<16xf32>
    %iota3A_651 = tpu.iota {dimensions = array<i32: 0>} : vector<16xi32>
    %xor3A_652 = arith.constant 8 : i32
    %xor3A_653 = vector.broadcast %xor3A_652 : i32 to vector<16xi32>
    %xor3A_654 = arith.xori %iota3A_651, %xor3A_653 : vector<16xi32>
    %lt3A_655 = arith.constant 0 : i32
    %lt3A_656 = vector.broadcast %lt3A_655 : i32 to vector<16xi32>
    %lt3A_657 = arith.cmpi slt, %xor3A_654, %lt3A_656 : vector<16xi32>
    %add3A_658 = arith.constant 16 : i32
    %add3A_659 = vector.broadcast %add3A_658 : i32 to vector<16xi32>
    %add3A_660 = arith.addi %xor3A_654, %add3A_659 : vector<16xi32>
    %select_n3A_661 = arith.select %lt3A_657, %add3A_660, %xor3A_654 : vector<16xi1>, vector<16xi32>
    %broadcast_in_dim3A_662 = vector.shape_cast %select_n3A_661 : vector<16xi32> to vector<16x1xi32>
    %gather3A_663 = vector.shape_cast %broadcast_in_dim3A_662 : vector<16x1xi32> to vector<16xi32>
    %gather3A_664 = tpu.dynamic_gather %max3A_650[%gather3A_663] in [0] : vector<16xf32>, vector<16xi32> -> vector<16xf32>
    %max3A_665 = arith.maximumf %max3A_650, %gather3A_664 : vector<16xf32>
    %xor3A_666 = arith.constant 4 : i32
    %xor3A_667 = vector.broadcast %xor3A_666 : i32 to vector<16xi32>
    %xor3A_668 = arith.xori %iota3A_651, %xor3A_667 : vector<16xi32>
    %lt3A_669 = arith.constant 0 : i32
    %lt3A_670 = vector.broadcast %lt3A_669 : i32 to vector<16xi32>
    %lt3A_671 = arith.cmpi slt, %xor3A_668, %lt3A_670 : vector<16xi32>
    %add3A_672 = arith.constant 16 : i32
    %add3A_673 = vector.broadcast %add3A_672 : i32 to vector<16xi32>
    %add3A_674 = arith.addi %xor3A_668, %add3A_673 : vector<16xi32>
    %select_n3A_675 = arith.select %lt3A_671, %add3A_674, %xor3A_668 : vector<16xi1>, vector<16xi32>
    %broadcast_in_dim3A_676 = vector.shape_cast %select_n3A_675 : vector<16xi32> to vector<16x1xi32>
    %gather3A_677 = vector.shape_cast %broadcast_in_dim3A_676 : vector<16x1xi32> to vector<16xi32>
    %gather3A_678 = tpu.dynamic_gather %max3A_665[%gather3A_677] in [0] : vector<16xf32>, vector<16xi32> -> vector<16xf32>
    %max3A_679 = arith.maximumf %max3A_665, %gather3A_678 : vector<16xf32>
    %xor3A_680 = arith.constant 2 : i32
    %xor3A_681 = vector.broadcast %xor3A_680 : i32 to vector<16xi32>
    %xor3A_682 = arith.xori %iota3A_651, %xor3A_681 : vector<16xi32>
    %lt3A_683 = arith.constant 0 : i32
    %lt3A_684 = vector.broadcast %lt3A_683 : i32 to vector<16xi32>
    %lt3A_685 = arith.cmpi slt, %xor3A_682, %lt3A_684 : vector<16xi32>
    %add3A_686 = arith.constant 16 : i32
    %add3A_687 = vector.broadcast %add3A_686 : i32 to vector<16xi32>
    %add3A_688 = arith.addi %xor3A_682, %add3A_687 : vector<16xi32>
    %select_n3A_689 = arith.select %lt3A_685, %add3A_688, %xor3A_682 : vector<16xi1>, vector<16xi32>
    %broadcast_in_dim3A_690 = vector.shape_cast %select_n3A_689 : vector<16xi32> to vector<16x1xi32>
    %gather3A_691 = vector.shape_cast %broadcast_in_dim3A_690 : vector<16x1xi32> to vector<16xi32>
    %gather3A_692 = tpu.dynamic_gather %max3A_679[%gather3A_691] in [0] : vector<16xf32>, vector<16xi32> -> vector<16xf32>
    %max3A_693 = arith.maximumf %max3A_679, %gather3A_692 : vector<16xf32>
    %xor3A_694 = arith.constant 1 : i32
    %xor3A_695 = vector.broadcast %xor3A_694 : i32 to vector<16xi32>
    %xor3A_696 = arith.xori %iota3A_651, %xor3A_695 : vector<16xi32>
    %lt3A_697 = arith.constant 0 : i32
    %lt3A_698 = vector.broadcast %lt3A_697 : i32 to vector<16xi32>
    %lt3A_699 = arith.cmpi slt, %xor3A_696, %lt3A_698 : vector<16xi32>
    %add3A_700 = arith.constant 16 : i32
    %add3A_701 = vector.broadcast %add3A_700 : i32 to vector<16xi32>
    %add3A_702 = arith.addi %xor3A_696, %add3A_701 : vector<16xi32>
    %select_n3A_703 = arith.select %lt3A_699, %add3A_702, %xor3A_696 : vector<16xi1>, vector<16xi32>
    %broadcast_in_dim3A_704 = vector.shape_cast %select_n3A_703 : vector<16xi32> to vector<16x1xi32>
    %gather3A_705 = vector.shape_cast %broadcast_in_dim3A_704 : vector<16x1xi32> to vector<16xi32>
    %gather3A_706 = tpu.dynamic_gather %max3A_693[%gather3A_705] in [0] : vector<16xf32>, vector<16xi32> -> vector<16xf32>
    %max3A_707 = arith.maximumf %max3A_693, %gather3A_706 : vector<16xf32>
    %eq3A_708 = arith.constant 5 : i32
    %eq3A_709 = vector.broadcast %eq3A_708 : i32 to vector<16xi32>
    %eq3A_710 = arith.cmpi eq, %iota3A, %eq3A_709 : vector<16xi32>
    %select_n3A_711 = arith.select %eq3A_710, %max3A_707, %select_n3A_637 : vector<16xi1>, vector<16xf32>
    %broadcast_in_dim3A_712 = arith.constant 0xFF800000 : f32
    %broadcast_in_dim3A_713 = vector.broadcast %broadcast_in_dim3A_712 : f32 to vector<16xf32>
    %broadcast_in_dim3A_714 = arith.constant 0.000000e+00 : f32
    %broadcast_in_dim3A_715 = vector.broadcast %broadcast_in_dim3A_714 : f32 to vector<16xf32>
    %scan3A_716 = arith.constant 0 : i32
    %scan3A_717 = arith.constant 64 : i32
    %scan3A_718 = arith.addi %scan3A_716, %scan3A_717 : i32
    %scan3A_719 = arith.constant 1 : i32
    %scan3A_720:4 = scf.for %scan3A_1163 = %scan3A_716 to %scan3A_718 step %scan3A_719 iter_args(%scan3A_1164 = %broadcast_in_dim3A_713, %scan3A_1165 = %broadcast_in_dim3A_713, %scan3A_1166 = %broadcast_in_dim3A_713, %scan3A_1167 = %broadcast_in_dim3A_713) -> (vector<16xf32>, vector<16xf32>, vector<16xf32>, vector<16xf32>)  : i32 {
      %mul3A_1168 = arith.constant 4 : i32
      %mul3A_1169 = arith.muli %scan3A_1163, %mul3A_1168 : i32
      %add3A_1170 = arith.constant 0 : i32
      %add3A_1171 = arith.addi %mul3A_1169, %add3A_1170 : i32
      %mul3A_1172 = arith.constant 16 : i32
      %mul3A_1173 = arith.muli %add3A_1171, %mul3A_1172 : i32
      %get3A = arith.constant 2 : i32
      %get3A_1174 = arith.index_cast %get3A : i32 to index
      %get3A_1175 = arith.index_cast %mul3A_1173 : i32 to index
      %get3A_1176 = tpu.vector_load %arg7[%get3A_1174, %get3A_1175] {strides = array<i32>} : memref<4x4096xf32, #tpu.memory_space<vmem>>, vector<1x16xf32>,
      %get3A_1177 = vector.shape_cast %get3A_1176 : vector<1x16xf32> to vector<16xf32>
      %max3A_1178 = arith.maximumf %scan3A_1164, %get3A_1177 : vector<16xf32>
      %mul3A_1179 = arith.constant 4 : i32
      %mul3A_1180 = arith.muli %scan3A_1163, %mul3A_1179 : i32
      %add3A_1181 = arith.constant 1 : i32
      %add3A_1182 = arith.addi %mul3A_1180, %add3A_1181 : i32
      %mul3A_1183 = arith.constant 16 : i32
      %mul3A_1184 = arith.muli %add3A_1182, %mul3A_1183 : i32
      %get3A_1185 = arith.constant 2 : i32
      %get3A_1186 = arith.index_cast %get3A_1185 : i32 to index
      %get3A_1187 = arith.index_cast %mul3A_1184 : i32 to index
      %get3A_1188 = tpu.vector_load %arg7[%get3A_1186, %get3A_1187] {strides = array<i32>} : memref<4x4096xf32, #tpu.memory_space<vmem>>, vector<1x16xf32>,
      %get3A_1189 = vector.shape_cast %get3A_1188 : vector<1x16xf32> to vector<16xf32>
      %max3A_1190 = arith.maximumf %scan3A_1165, %get3A_1189 : vector<16xf32>
      %mul3A_1191 = arith.constant 4 : i32
      %mul3A_1192 = arith.muli %scan3A_1163, %mul3A_1191 : i32
      %add3A_1193 = arith.constant 2 : i32
      %add3A_1194 = arith.addi %mul3A_1192, %add3A_1193 : i32
      %mul3A_1195 = arith.constant 16 : i32
      %mul3A_1196 = arith.muli %add3A_1194, %mul3A_1195 : i32
      %get3A_1197 = arith.constant 2 : i32
      %get3A_1198 = arith.index_cast %get3A_1197 : i32 to index
      %get3A_1199 = arith.index_cast %mul3A_1196 : i32 to index
      %get3A_1200 = tpu.vector_load %arg7[%get3A_1198, %get3A_1199] {strides = array<i32>} : memref<4x4096xf32, #tpu.memory_space<vmem>>, vector<1x16xf32>,
      %get3A_1201 = vector.shape_cast %get3A_1200 : vector<1x16xf32> to vector<16xf32>
      %max3A_1202 = arith.maximumf %scan3A_1166, %get3A_1201 : vector<16xf32>
      %mul3A_1203 = arith.constant 4 : i32
      %mul3A_1204 = arith.muli %scan3A_1163, %mul3A_1203 : i32
      %add3A_1205 = arith.constant 3 : i32
      %add3A_1206 = arith.addi %mul3A_1204, %add3A_1205 : i32
      %mul3A_1207 = arith.constant 16 : i32
      %mul3A_1208 = arith.muli %add3A_1206, %mul3A_1207 : i32
      %get3A_1209 = arith.constant 2 : i32
      %get3A_1210 = arith.index_cast %get3A_1209 : i32 to index
      %get3A_1211 = arith.index_cast %mul3A_1208 : i32 to index
      %get3A_1212 = tpu.vector_load %arg7[%get3A_1210, %get3A_1211] {strides = array<i32>} : memref<4x4096xf32, #tpu.memory_space<vmem>>, vector<1x16xf32>,
      %get3A_1213 = vector.shape_cast %get3A_1212 : vector<1x16xf32> to vector<16xf32>
      %max3A_1214 = arith.maximumf %scan3A_1167, %get3A_1213 : vector<16xf32>
      scf.yield %max3A_1178, %max3A_1190, %max3A_1202, %max3A_1214 : vector<16xf32>, vector<16xf32>, vector<16xf32>, vector<16xf32>
    }
    %scan3A_721 = arith.constant 64 : i32
    %max3A_722 = arith.maximumf %scan3A_720#0, %scan3A_720#1 : vector<16xf32>
    %max3A_723 = arith.maximumf %scan3A_720#2, %scan3A_720#3 : vector<16xf32>
    %max3A_724 = arith.maximumf %max3A_722, %max3A_723 : vector<16xf32>
    %iota3A_725 = tpu.iota {dimensions = array<i32: 0>} : vector<16xi32>
    %xor3A_726 = arith.constant 8 : i32
    %xor3A_727 = vector.broadcast %xor3A_726 : i32 to vector<16xi32>
    %xor3A_728 = arith.xori %iota3A_725, %xor3A_727 : vector<16xi32>
    %lt3A_729 = arith.constant 0 : i32
    %lt3A_730 = vector.broadcast %lt3A_729 : i32 to vector<16xi32>
    %lt3A_731 = arith.cmpi slt, %xor3A_728, %lt3A_730 : vector<16xi32>
    %add3A_732 = arith.constant 16 : i32
    %add3A_733 = vector.broadcast %add3A_732 : i32 to vector<16xi32>
    %add3A_734 = arith.addi %xor3A_728, %add3A_733 : vector<16xi32>
    %select_n3A_735 = arith.select %lt3A_731, %add3A_734, %xor3A_728 : vector<16xi1>, vector<16xi32>
    %broadcast_in_dim3A_736 = vector.shape_cast %select_n3A_735 : vector<16xi32> to vector<16x1xi32>
    %gather3A_737 = vector.shape_cast %broadcast_in_dim3A_736 : vector<16x1xi32> to vector<16xi32>
    %gather3A_738 = tpu.dynamic_gather %max3A_724[%gather3A_737] in [0] : vector<16xf32>, vector<16xi32> -> vector<16xf32>
    %max3A_739 = arith.maximumf %max3A_724, %gather3A_738 : vector<16xf32>
    %xor3A_740 = arith.constant 4 : i32
    %xor3A_741 = vector.broadcast %xor3A_740 : i32 to vector<16xi32>
    %xor3A_742 = arith.xori %iota3A_725, %xor3A_741 : vector<16xi32>
    %lt3A_743 = arith.constant 0 : i32
    %lt3A_744 = vector.broadcast %lt3A_743 : i32 to vector<16xi32>
    %lt3A_745 = arith.cmpi slt, %xor3A_742, %lt3A_744 : vector<16xi32>
    %add3A_746 = arith.constant 16 : i32
    %add3A_747 = vector.broadcast %add3A_746 : i32 to vector<16xi32>
    %add3A_748 = arith.addi %xor3A_742, %add3A_747 : vector<16xi32>
    %select_n3A_749 = arith.select %lt3A_745, %add3A_748, %xor3A_742 : vector<16xi1>, vector<16xi32>
    %broadcast_in_dim3A_750 = vector.shape_cast %select_n3A_749 : vector<16xi32> to vector<16x1xi32>
    %gather3A_751 = vector.shape_cast %broadcast_in_dim3A_750 : vector<16x1xi32> to vector<16xi32>
    %gather3A_752 = tpu.dynamic_gather %max3A_739[%gather3A_751] in [0] : vector<16xf32>, vector<16xi32> -> vector<16xf32>
    %max3A_753 = arith.maximumf %max3A_739, %gather3A_752 : vector<16xf32>
    %xor3A_754 = arith.constant 2 : i32
    %xor3A_755 = vector.broadcast %xor3A_754 : i32 to vector<16xi32>
    %xor3A_756 = arith.xori %iota3A_725, %xor3A_755 : vector<16xi32>
    %lt3A_757 = arith.constant 0 : i32
    %lt3A_758 = vector.broadcast %lt3A_757 : i32 to vector<16xi32>
    %lt3A_759 = arith.cmpi slt, %xor3A_756, %lt3A_758 : vector<16xi32>
    %add3A_760 = arith.constant 16 : i32
    %add3A_761 = vector.broadcast %add3A_760 : i32 to vector<16xi32>
    %add3A_762 = arith.addi %xor3A_756, %add3A_761 : vector<16xi32>
    %select_n3A_763 = arith.select %lt3A_759, %add3A_762, %xor3A_756 : vector<16xi1>, vector<16xi32>
    %broadcast_in_dim3A_764 = vector.shape_cast %select_n3A_763 : vector<16xi32> to vector<16x1xi32>
    %gather3A_765 = vector.shape_cast %broadcast_in_dim3A_764 : vector<16x1xi32> to vector<16xi32>
    %gather3A_766 = tpu.dynamic_gather %max3A_753[%gather3A_765] in [0] : vector<16xf32>, vector<16xi32> -> vector<16xf32>
    %max3A_767 = arith.maximumf %max3A_753, %gather3A_766 : vector<16xf32>
    %xor3A_768 = arith.constant 1 : i32
    %xor3A_769 = vector.broadcast %xor3A_768 : i32 to vector<16xi32>
    %xor3A_770 = arith.xori %iota3A_725, %xor3A_769 : vector<16xi32>
    %lt3A_771 = arith.constant 0 : i32
    %lt3A_772 = vector.broadcast %lt3A_771 : i32 to vector<16xi32>
    %lt3A_773 = arith.cmpi slt, %xor3A_770, %lt3A_772 : vector<16xi32>
    %add3A_774 = arith.constant 16 : i32
    %add3A_775 = vector.broadcast %add3A_774 : i32 to vector<16xi32>
    %add3A_776 = arith.addi %xor3A_770, %add3A_775 : vector<16xi32>
    %select_n3A_777 = arith.select %lt3A_773, %add3A_776, %xor3A_770 : vector<16xi1>, vector<16xi32>
    %broadcast_in_dim3A_778 = vector.shape_cast %select_n3A_777 : vector<16xi32> to vector<16x1xi32>
    %gather3A_779 = vector.shape_cast %broadcast_in_dim3A_778 : vector<16x1xi32> to vector<16xi32>
    %gather3A_780 = tpu.dynamic_gather %max3A_767[%gather3A_779] in [0] : vector<16xf32>, vector<16xi32> -> vector<16xf32>
    %max3A_781 = arith.maximumf %max3A_767, %gather3A_780 : vector<16xf32>
    %eq3A_782 = arith.constant 6 : i32
    %eq3A_783 = vector.broadcast %eq3A_782 : i32 to vector<16xi32>
    %eq3A_784 = arith.cmpi eq, %iota3A, %eq3A_783 : vector<16xi32>
    %select_n3A_785 = arith.select %eq3A_784, %max3A_781, %select_n3A_711 : vector<16xi1>, vector<16xf32>
    %broadcast_in_dim3A_786 = arith.constant 0xFF800000 : f32
    %broadcast_in_dim3A_787 = vector.broadcast %broadcast_in_dim3A_786 : f32 to vector<16xf32>
    %broadcast_in_dim3A_788 = arith.constant 0.000000e+00 : f32
    %broadcast_in_dim3A_789 = vector.broadcast %broadcast_in_dim3A_788 : f32 to vector<16xf32>
    %scan3A_790 = arith.constant 0 : i32
    %scan3A_791 = arith.constant 64 : i32
    %scan3A_792 = arith.addi %scan3A_790, %scan3A_791 : i32
    %scan3A_793 = arith.constant 1 : i32
    %scan3A_794:4 = scf.for %scan3A_1163 = %scan3A_790 to %scan3A_792 step %scan3A_793 iter_args(%scan3A_1164 = %broadcast_in_dim3A_787, %scan3A_1165 = %broadcast_in_dim3A_787, %scan3A_1166 = %broadcast_in_dim3A_787, %scan3A_1167 = %broadcast_in_dim3A_787) -> (vector<16xf32>, vector<16xf32>, vector<16xf32>, vector<16xf32>)  : i32 {
      %mul3A_1168 = arith.constant 4 : i32
      %mul3A_1169 = arith.muli %scan3A_1163, %mul3A_1168 : i32
      %add3A_1170 = arith.constant 0 : i32
      %add3A_1171 = arith.addi %mul3A_1169, %add3A_1170 : i32
      %mul3A_1172 = arith.constant 16 : i32
      %mul3A_1173 = arith.muli %add3A_1171, %mul3A_1172 : i32
      %get3A = arith.constant 3 : i32
      %get3A_1174 = arith.index_cast %get3A : i32 to index
      %get3A_1175 = arith.index_cast %mul3A_1173 : i32 to index
      %get3A_1176 = tpu.vector_load %arg7[%get3A_1174, %get3A_1175] {strides = array<i32>} : memref<4x4096xf32, #tpu.memory_space<vmem>>, vector<1x16xf32>,
      %get3A_1177 = vector.shape_cast %get3A_1176 : vector<1x16xf32> to vector<16xf32>
      %max3A_1178 = arith.maximumf %scan3A_1164, %get3A_1177 : vector<16xf32>
      %mul3A_1179 = arith.constant 4 : i32
      %mul3A_1180 = arith.muli %scan3A_1163, %mul3A_1179 : i32
      %add3A_1181 = arith.constant 1 : i32
      %add3A_1182 = arith.addi %mul3A_1180, %add3A_1181 : i32
      %mul3A_1183 = arith.constant 16 : i32
      %mul3A_1184 = arith.muli %add3A_1182, %mul3A_1183 : i32
      %get3A_1185 = arith.constant 3 : i32
      %get3A_1186 = arith.index_cast %get3A_1185 : i32 to index
      %get3A_1187 = arith.index_cast %mul3A_1184 : i32 to index
      %get3A_1188 = tpu.vector_load %arg7[%get3A_1186, %get3A_1187] {strides = array<i32>} : memref<4x4096xf32, #tpu.memory_space<vmem>>, vector<1x16xf32>,
      %get3A_1189 = vector.shape_cast %get3A_1188 : vector<1x16xf32> to vector<16xf32>
      %max3A_1190 = arith.maximumf %scan3A_1165, %get3A_1189 : vector<16xf32>
      %mul3A_1191 = arith.constant 4 : i32
      %mul3A_1192 = arith.muli %scan3A_1163, %mul3A_1191 : i32
      %add3A_1193 = arith.constant 2 : i32
      %add3A_1194 = arith.addi %mul3A_1192, %add3A_1193 : i32
      %mul3A_1195 = arith.constant 16 : i32
      %mul3A_1196 = arith.muli %add3A_1194, %mul3A_1195 : i32
      %get3A_1197 = arith.constant 3 : i32
      %get3A_1198 = arith.index_cast %get3A_1197 : i32 to index
      %get3A_1199 = arith.index_cast %mul3A_1196 : i32 to index
      %get3A_1200 = tpu.vector_load %arg7[%get3A_1198, %get3A_1199] {strides = array<i32>} : memref<4x4096xf32, #tpu.memory_space<vmem>>, vector<1x16xf32>,
      %get3A_1201 = vector.shape_cast %get3A_1200 : vector<1x16xf32> to vector<16xf32>
      %max3A_1202 = arith.maximumf %scan3A_1166, %get3A_1201 : vector<16xf32>
      %mul3A_1203 = arith.constant 4 : i32
      %mul3A_1204 = arith.muli %scan3A_1163, %mul3A_1203 : i32
      %add3A_1205 = arith.constant 3 : i32
      %add3A_1206 = arith.addi %mul3A_1204, %add3A_1205 : i32
      %mul3A_1207 = arith.constant 16 : i32
      %mul3A_1208 = arith.muli %add3A_1206, %mul3A_1207 : i32
      %get3A_1209 = arith.constant 3 : i32
      %get3A_1210 = arith.index_cast %get3A_1209 : i32 to index
      %get3A_1211 = arith.index_cast %mul3A_1208 : i32 to index
      %get3A_1212 = tpu.vector_load %arg7[%get3A_1210, %get3A_1211] {strides = array<i32>} : memref<4x4096xf32, #tpu.memory_space<vmem>>, vector<1x16xf32>,
      %get3A_1213 = vector.shape_cast %get3A_1212 : vector<1x16xf32> to vector<16xf32>
      %max3A_1214 = arith.maximumf %scan3A_1167, %get3A_1213 : vector<16xf32>
      scf.yield %max3A_1178, %max3A_1190, %max3A_1202, %max3A_1214 : vector<16xf32>, vector<16xf32>, vector<16xf32>, vector<16xf32>
    }
    %scan3A_795 = arith.constant 64 : i32
    %max3A_796 = arith.maximumf %scan3A_794#0, %scan3A_794#1 : vector<16xf32>
    %max3A_797 = arith.maximumf %scan3A_794#2, %scan3A_794#3 : vector<16xf32>
    %max3A_798 = arith.maximumf %max3A_796, %max3A_797 : vector<16xf32>
    %iota3A_799 = tpu.iota {dimensions = array<i32: 0>} : vector<16xi32>
    %xor3A_800 = arith.constant 8 : i32
    %xor3A_801 = vector.broadcast %xor3A_800 : i32 to vector<16xi32>
    %xor3A_802 = arith.xori %iota3A_799, %xor3A_801 : vector<16xi32>
    %lt3A_803 = arith.constant 0 : i32
    %lt3A_804 = vector.broadcast %lt3A_803 : i32 to vector<16xi32>
    %lt3A_805 = arith.cmpi slt, %xor3A_802, %lt3A_804 : vector<16xi32>
    %add3A_806 = arith.constant 16 : i32
    %add3A_807 = vector.broadcast %add3A_806 : i32 to vector<16xi32>
    %add3A_808 = arith.addi %xor3A_802, %add3A_807 : vector<16xi32>
    %select_n3A_809 = arith.select %lt3A_805, %add3A_808, %xor3A_802 : vector<16xi1>, vector<16xi32>
    %broadcast_in_dim3A_810 = vector.shape_cast %select_n3A_809 : vector<16xi32> to vector<16x1xi32>
    %gather3A_811 = vector.shape_cast %broadcast_in_dim3A_810 : vector<16x1xi32> to vector<16xi32>
    %gather3A_812 = tpu.dynamic_gather %max3A_798[%gather3A_811] in [0] : vector<16xf32>, vector<16xi32> -> vector<16xf32>
    %max3A_813 = arith.maximumf %max3A_798, %gather3A_812 : vector<16xf32>
    %xor3A_814 = arith.constant 4 : i32
    %xor3A_815 = vector.broadcast %xor3A_814 : i32 to vector<16xi32>
    %xor3A_816 = arith.xori %iota3A_799, %xor3A_815 : vector<16xi32>
    %lt3A_817 = arith.constant 0 : i32
    %lt3A_818 = vector.broadcast %lt3A_817 : i32 to vector<16xi32>
    %lt3A_819 = arith.cmpi slt, %xor3A_816, %lt3A_818 : vector<16xi32>
    %add3A_820 = arith.constant 16 : i32
    %add3A_821 = vector.broadcast %add3A_820 : i32 to vector<16xi32>
    %add3A_822 = arith.addi %xor3A_816, %add3A_821 : vector<16xi32>
    %select_n3A_823 = arith.select %lt3A_819, %add3A_822, %xor3A_816 : vector<16xi1>, vector<16xi32>
    %broadcast_in_dim3A_824 = vector.shape_cast %select_n3A_823 : vector<16xi32> to vector<16x1xi32>
    %gather3A_825 = vector.shape_cast %broadcast_in_dim3A_824 : vector<16x1xi32> to vector<16xi32>
    %gather3A_826 = tpu.dynamic_gather %max3A_813[%gather3A_825] in [0] : vector<16xf32>, vector<16xi32> -> vector<16xf32>
    %max3A_827 = arith.maximumf %max3A_813, %gather3A_826 : vector<16xf32>
    %xor3A_828 = arith.constant 2 : i32
    %xor3A_829 = vector.broadcast %xor3A_828 : i32 to vector<16xi32>
    %xor3A_830 = arith.xori %iota3A_799, %xor3A_829 : vector<16xi32>
    %lt3A_831 = arith.constant 0 : i32
    %lt3A_832 = vector.broadcast %lt3A_831 : i32 to vector<16xi32>
    %lt3A_833 = arith.cmpi slt, %xor3A_830, %lt3A_832 : vector<16xi32>
    %add3A_834 = arith.constant 16 : i32
    %add3A_835 = vector.broadcast %add3A_834 : i32 to vector<16xi32>
    %add3A_836 = arith.addi %xor3A_830, %add3A_835 : vector<16xi32>
    %select_n3A_837 = arith.select %lt3A_833, %add3A_836, %xor3A_830 : vector<16xi1>, vector<16xi32>
    %broadcast_in_dim3A_838 = vector.shape_cast %select_n3A_837 : vector<16xi32> to vector<16x1xi32>
    %gather3A_839 = vector.shape_cast %broadcast_in_dim3A_838 : vector<16x1xi32> to vector<16xi32>
    %gather3A_840 = tpu.dynamic_gather %max3A_827[%gather3A_839] in [0] : vector<16xf32>, vector<16xi32> -> vector<16xf32>
    %max3A_841 = arith.maximumf %max3A_827, %gather3A_840 : vector<16xf32>
    %xor3A_842 = arith.constant 1 : i32
    %xor3A_843 = vector.broadcast %xor3A_842 : i32 to vector<16xi32>
    %xor3A_844 = arith.xori %iota3A_799, %xor3A_843 : vector<16xi32>
    %lt3A_845 = arith.constant 0 : i32
    %lt3A_846 = vector.broadcast %lt3A_845 : i32 to vector<16xi32>
    %lt3A_847 = arith.cmpi slt, %xor3A_844, %lt3A_846 : vector<16xi32>
    %add3A_848 = arith.constant 16 : i32
    %add3A_849 = vector.broadcast %add3A_848 : i32 to vector<16xi32>
    %add3A_850 = arith.addi %xor3A_844, %add3A_849 : vector<16xi32>
    %select_n3A_851 = arith.select %lt3A_847, %add3A_850, %xor3A_844 : vector<16xi1>, vector<16xi32>
    %broadcast_in_dim3A_852 = vector.shape_cast %select_n3A_851 : vector<16xi32> to vector<16x1xi32>
    %gather3A_853 = vector.shape_cast %broadcast_in_dim3A_852 : vector<16x1xi32> to vector<16xi32>
    %gather3A_854 = tpu.dynamic_gather %max3A_841[%gather3A_853] in [0] : vector<16xf32>, vector<16xi32> -> vector<16xf32>
    %max3A_855 = arith.maximumf %max3A_841, %gather3A_854 : vector<16xf32>
    %eq3A_856 = arith.constant 7 : i32
    %eq3A_857 = vector.broadcast %eq3A_856 : i32 to vector<16xi32>
    %eq3A_858 = arith.cmpi eq, %iota3A, %eq3A_857 : vector<16xi32>
    %select_n3A_859 = arith.select %eq3A_858, %max3A_855, %select_n3A_785 : vector<16xi1>, vector<16xf32>
    %dma_wait3A_860 = arith.constant 0 : i32
    %dma_wait3A_861 = tpu.memref_slice %arg4[%mul3A_0, %dma_wait3A_860] : memref<64x4096xf32, #tpu.memory_space<hbm>> -> memref<4x4096xf32, #tpu.memory_space<hbm>>
    %dma_wait3A_862 = arith.constant 0 : i32
    %dma_wait3A_863 = tpu.memref_slice %arg4[%mul3A_0, %dma_wait3A_862] : memref<64x4096xf32, #tpu.memory_space<hbm>> -> memref<4x4096xf32, #tpu.memory_space<hbm>>
    tpu.wait_dma2 semaphore(%arg9 : memref<!tpu.dma_semaphore, #tpu.memory_space<semaphore_mem>>) src(%dma_wait3A_863 : memref<4x4096xf32, #tpu.memory_space<hbm>>) dst(%arg6 : memref<4x4096xf32, #tpu.memory_space<vmem>>)
    %broadcast_in_dim3A_864 = arith.constant 0xFF800000 : f32
    %broadcast_in_dim3A_865 = vector.broadcast %broadcast_in_dim3A_864 : f32 to vector<16xf32>
    %broadcast_in_dim3A_866 = arith.constant 0.000000e+00 : f32
    %broadcast_in_dim3A_867 = vector.broadcast %broadcast_in_dim3A_866 : f32 to vector<16xf32>
    %scan3A_868 = arith.constant 0 : i32
    %scan3A_869 = arith.constant 64 : i32
    %scan3A_870 = arith.addi %scan3A_868, %scan3A_869 : i32
    %scan3A_871 = arith.constant 1 : i32
    %scan3A_872:4 = scf.for %scan3A_1163 = %scan3A_868 to %scan3A_870 step %scan3A_871 iter_args(%scan3A_1164 = %broadcast_in_dim3A_865, %scan3A_1165 = %broadcast_in_dim3A_865, %scan3A_1166 = %broadcast_in_dim3A_865, %scan3A_1167 = %broadcast_in_dim3A_865) -> (vector<16xf32>, vector<16xf32>, vector<16xf32>, vector<16xf32>)  : i32 {
      %mul3A_1168 = arith.constant 4 : i32
      %mul3A_1169 = arith.muli %scan3A_1163, %mul3A_1168 : i32
      %add3A_1170 = arith.constant 0 : i32
      %add3A_1171 = arith.addi %mul3A_1169, %add3A_1170 : i32
      %mul3A_1172 = arith.constant 16 : i32
      %mul3A_1173 = arith.muli %add3A_1171, %mul3A_1172 : i32
      %get3A = arith.constant 0 : i32
      %get3A_1174 = arith.index_cast %get3A : i32 to index
      %get3A_1175 = arith.index_cast %mul3A_1173 : i32 to index
      %get3A_1176 = tpu.vector_load %arg6[%get3A_1174, %get3A_1175] {strides = array<i32>} : memref<4x4096xf32, #tpu.memory_space<vmem>>, vector<1x16xf32>,
      %get3A_1177 = vector.shape_cast %get3A_1176 : vector<1x16xf32> to vector<16xf32>
      %max3A_1178 = arith.maximumf %scan3A_1164, %get3A_1177 : vector<16xf32>
      %mul3A_1179 = arith.constant 4 : i32
      %mul3A_1180 = arith.muli %scan3A_1163, %mul3A_1179 : i32
      %add3A_1181 = arith.constant 1 : i32
      %add3A_1182 = arith.addi %mul3A_1180, %add3A_1181 : i32
      %mul3A_1183 = arith.constant 16 : i32
      %mul3A_1184 = arith.muli %add3A_1182, %mul3A_1183 : i32
      %get3A_1185 = arith.constant 0 : i32
      %get3A_1186 = arith.index_cast %get3A_1185 : i32 to index
      %get3A_1187 = arith.index_cast %mul3A_1184 : i32 to index
      %get3A_1188 = tpu.vector_load %arg6[%get3A_1186, %get3A_1187] {strides = array<i32>} : memref<4x4096xf32, #tpu.memory_space<vmem>>, vector<1x16xf32>,
      %get3A_1189 = vector.shape_cast %get3A_1188 : vector<1x16xf32> to vector<16xf32>
      %max3A_1190 = arith.maximumf %scan3A_1165, %get3A_1189 : vector<16xf32>
      %mul3A_1191 = arith.constant 4 : i32
      %mul3A_1192 = arith.muli %scan3A_1163, %mul3A_1191 : i32
      %add3A_1193 = arith.constant 2 : i32
      %add3A_1194 = arith.addi %mul3A_1192, %add3A_1193 : i32
      %mul3A_1195 = arith.constant 16 : i32
      %mul3A_1196 = arith.muli %add3A_1194, %mul3A_1195 : i32
      %get3A_1197 = arith.constant 0 : i32
      %get3A_1198 = arith.index_cast %get3A_1197 : i32 to index
      %get3A_1199 = arith.index_cast %mul3A_1196 : i32 to index
      %get3A_1200 = tpu.vector_load %arg6[%get3A_1198, %get3A_1199] {strides = array<i32>} : memref<4x4096xf32, #tpu.memory_space<vmem>>, vector<1x16xf32>,
      %get3A_1201 = vector.shape_cast %get3A_1200 : vector<1x16xf32> to vector<16xf32>
      %max3A_1202 = arith.maximumf %scan3A_1166, %get3A_1201 : vector<16xf32>
      %mul3A_1203 = arith.constant 4 : i32
      %mul3A_1204 = arith.muli %scan3A_1163, %mul3A_1203 : i32
      %add3A_1205 = arith.constant 3 : i32
      %add3A_1206 = arith.addi %mul3A_1204, %add3A_1205 : i32
      %mul3A_1207 = arith.constant 16 : i32
      %mul3A_1208 = arith.muli %add3A_1206, %mul3A_1207 : i32
      %get3A_1209 = arith.constant 0 : i32
      %get3A_1210 = arith.index_cast %get3A_1209 : i32 to index
      %get3A_1211 = arith.index_cast %mul3A_1208 : i32 to index
      %get3A_1212 = tpu.vector_load %arg6[%get3A_1210, %get3A_1211] {strides = array<i32>} : memref<4x4096xf32, #tpu.memory_space<vmem>>, vector<1x16xf32>,
      %get3A_1213 = vector.shape_cast %get3A_1212 : vector<1x16xf32> to vector<16xf32>
      %max3A_1214 = arith.maximumf %scan3A_1167, %get3A_1213 : vector<16xf32>
      scf.yield %max3A_1178, %max3A_1190, %max3A_1202, %max3A_1214 : vector<16xf32>, vector<16xf32>, vector<16xf32>, vector<16xf32>
    }
    %scan3A_873 = arith.constant 64 : i32
    %max3A_874 = arith.maximumf %scan3A_872#0, %scan3A_872#1 : vector<16xf32>
    %max3A_875 = arith.maximumf %scan3A_872#2, %scan3A_872#3 : vector<16xf32>
    %max3A_876 = arith.maximumf %max3A_874, %max3A_875 : vector<16xf32>
    %iota3A_877 = tpu.iota {dimensions = array<i32: 0>} : vector<16xi32>
    %xor3A_878 = arith.constant 8 : i32
    %xor3A_879 = vector.broadcast %xor3A_878 : i32 to vector<16xi32>
    %xor3A_880 = arith.xori %iota3A_877, %xor3A_879 : vector<16xi32>
    %lt3A_881 = arith.constant 0 : i32
    %lt3A_882 = vector.broadcast %lt3A_881 : i32 to vector<16xi32>
    %lt3A_883 = arith.cmpi slt, %xor3A_880, %lt3A_882 : vector<16xi32>
    %add3A_884 = arith.constant 16 : i32
    %add3A_885 = vector.broadcast %add3A_884 : i32 to vector<16xi32>
    %add3A_886 = arith.addi %xor3A_880, %add3A_885 : vector<16xi32>
    %select_n3A_887 = arith.select %lt3A_883, %add3A_886, %xor3A_880 : vector<16xi1>, vector<16xi32>
    %broadcast_in_dim3A_888 = vector.shape_cast %select_n3A_887 : vector<16xi32> to vector<16x1xi32>
    %gather3A_889 = vector.shape_cast %broadcast_in_dim3A_888 : vector<16x1xi32> to vector<16xi32>
    %gather3A_890 = tpu.dynamic_gather %max3A_876[%gather3A_889] in [0] : vector<16xf32>, vector<16xi32> -> vector<16xf32>
    %max3A_891 = arith.maximumf %max3A_876, %gather3A_890 : vector<16xf32>
    %xor3A_892 = arith.constant 4 : i32
    %xor3A_893 = vector.broadcast %xor3A_892 : i32 to vector<16xi32>
    %xor3A_894 = arith.xori %iota3A_877, %xor3A_893 : vector<16xi32>
    %lt3A_895 = arith.constant 0 : i32
    %lt3A_896 = vector.broadcast %lt3A_895 : i32 to vector<16xi32>
    %lt3A_897 = arith.cmpi slt, %xor3A_894, %lt3A_896 : vector<16xi32>
    %add3A_898 = arith.constant 16 : i32
    %add3A_899 = vector.broadcast %add3A_898 : i32 to vector<16xi32>
    %add3A_900 = arith.addi %xor3A_894, %add3A_899 : vector<16xi32>
    %select_n3A_901 = arith.select %lt3A_897, %add3A_900, %xor3A_894 : vector<16xi1>, vector<16xi32>
    %broadcast_in_dim3A_902 = vector.shape_cast %select_n3A_901 : vector<16xi32> to vector<16x1xi32>
    %gather3A_903 = vector.shape_cast %broadcast_in_dim3A_902 : vector<16x1xi32> to vector<16xi32>
    %gather3A_904 = tpu.dynamic_gather %max3A_891[%gather3A_903] in [0] : vector<16xf32>, vector<16xi32> -> vector<16xf32>
    %max3A_905 = arith.maximumf %max3A_891, %gather3A_904 : vector<16xf32>
    %xor3A_906 = arith.constant 2 : i32
    %xor3A_907 = vector.broadcast %xor3A_906 : i32 to vector<16xi32>
    %xor3A_908 = arith.xori %iota3A_877, %xor3A_907 : vector<16xi32>
    %lt3A_909 = arith.constant 0 : i32
    %lt3A_910 = vector.broadcast %lt3A_909 : i32 to vector<16xi32>
    %lt3A_911 = arith.cmpi slt, %xor3A_908, %lt3A_910 : vector<16xi32>
    %add3A_912 = arith.constant 16 : i32
    %add3A_913 = vector.broadcast %add3A_912 : i32 to vector<16xi32>
    %add3A_914 = arith.addi %xor3A_908, %add3A_913 : vector<16xi32>
    %select_n3A_915 = arith.select %lt3A_911, %add3A_914, %xor3A_908 : vector<16xi1>, vector<16xi32>
    %broadcast_in_dim3A_916 = vector.shape_cast %select_n3A_915 : vector<16xi32> to vector<16x1xi32>
    %gather3A_917 = vector.shape_cast %broadcast_in_dim3A_916 : vector<16x1xi32> to vector<16xi32>
    %gather3A_918 = tpu.dynamic_gather %max3A_905[%gather3A_917] in [0] : vector<16xf32>, vector<16xi32> -> vector<16xf32>
    %max3A_919 = arith.maximumf %max3A_905, %gather3A_918 : vector<16xf32>
    %xor3A_920 = arith.constant 1 : i32
    %xor3A_921 = vector.broadcast %xor3A_920 : i32 to vector<16xi32>
    %xor3A_922 = arith.xori %iota3A_877, %xor3A_921 : vector<16xi32>
    %lt3A_923 = arith.constant 0 : i32
    %lt3A_924 = vector.broadcast %lt3A_923 : i32 to vector<16xi32>
    %lt3A_925 = arith.cmpi slt, %xor3A_922, %lt3A_924 : vector<16xi32>
    %add3A_926 = arith.constant 16 : i32
    %add3A_927 = vector.broadcast %add3A_926 : i32 to vector<16xi32>
    %add3A_928 = arith.addi %xor3A_922, %add3A_927 : vector<16xi32>
    %select_n3A_929 = arith.select %lt3A_925, %add3A_928, %xor3A_922 : vector<16xi1>, vector<16xi32>
    %broadcast_in_dim3A_930 = vector.shape_cast %select_n3A_929 : vector<16xi32> to vector<16x1xi32>
    %gather3A_931 = vector.shape_cast %broadcast_in_dim3A_930 : vector<16x1xi32> to vector<16xi32>
    %gather3A_932 = tpu.dynamic_gather %max3A_919[%gather3A_931] in [0] : vector<16xf32>, vector<16xi32> -> vector<16xf32>
    %max3A_933 = arith.maximumf %max3A_919, %gather3A_932 : vector<16xf32>
    %eq3A_934 = arith.constant 8 : i32
    %eq3A_935 = vector.broadcast %eq3A_934 : i32 to vector<16xi32>
    %eq3A_936 = arith.cmpi eq, %iota3A, %eq3A_935 : vector<16xi32>
    %select_n3A_937 = arith.select %eq3A_936, %max3A_933, %select_n3A_859 : vector<16xi1>, vector<16xf32>
    %broadcast_in_dim3A_938 = arith.constant 0xFF800000 : f32
    %broadcast_in_dim3A_939 = vector.broadcast %broadcast_in_dim3A_938 : f32 to vector<16xf32>
    %broadcast_in_dim3A_940 = arith.constant 0.000000e+00 : f32
    %broadcast_in_dim3A_941 = vector.broadcast %broadcast_in_dim3A_940 : f32 to vector<16xf32>
    %scan3A_942 = arith.constant 0 : i32
    %scan3A_943 = arith.constant 64 : i32
    %scan3A_944 = arith.addi %scan3A_942, %scan3A_943 : i32
    %scan3A_945 = arith.constant 1 : i32
    %scan3A_946:4 = scf.for %scan3A_1163 = %scan3A_942 to %scan3A_944 step %scan3A_945 iter_args(%scan3A_1164 = %broadcast_in_dim3A_939, %scan3A_1165 = %broadcast_in_dim3A_939, %scan3A_1166 = %broadcast_in_dim3A_939, %scan3A_1167 = %broadcast_in_dim3A_939) -> (vector<16xf32>, vector<16xf32>, vector<16xf32>, vector<16xf32>)  : i32 {
      %mul3A_1168 = arith.constant 4 : i32
      %mul3A_1169 = arith.muli %scan3A_1163, %mul3A_1168 : i32
      %add3A_1170 = arith.constant 0 : i32
      %add3A_1171 = arith.addi %mul3A_1169, %add3A_1170 : i32
      %mul3A_1172 = arith.constant 16 : i32
      %mul3A_1173 = arith.muli %add3A_1171, %mul3A_1172 : i32
      %get3A = arith.constant 1 : i32
      %get3A_1174 = arith.index_cast %get3A : i32 to index
      %get3A_1175 = arith.index_cast %mul3A_1173 : i32 to index
      %get3A_1176 = tpu.vector_load %arg6[%get3A_1174, %get3A_1175] {strides = array<i32>} : memref<4x4096xf32, #tpu.memory_space<vmem>>, vector<1x16xf32>,
      %get3A_1177 = vector.shape_cast %get3A_1176 : vector<1x16xf32> to vector<16xf32>
      %max3A_1178 = arith.maximumf %scan3A_1164, %get3A_1177 : vector<16xf32>
      %mul3A_1179 = arith.constant 4 : i32
      %mul3A_1180 = arith.muli %scan3A_1163, %mul3A_1179 : i32
      %add3A_1181 = arith.constant 1 : i32
      %add3A_1182 = arith.addi %mul3A_1180, %add3A_1181 : i32
      %mul3A_1183 = arith.constant 16 : i32
      %mul3A_1184 = arith.muli %add3A_1182, %mul3A_1183 : i32
      %get3A_1185 = arith.constant 1 : i32
      %get3A_1186 = arith.index_cast %get3A_1185 : i32 to index
      %get3A_1187 = arith.index_cast %mul3A_1184 : i32 to index
      %get3A_1188 = tpu.vector_load %arg6[%get3A_1186, %get3A_1187] {strides = array<i32>} : memref<4x4096xf32, #tpu.memory_space<vmem>>, vector<1x16xf32>,
      %get3A_1189 = vector.shape_cast %get3A_1188 : vector<1x16xf32> to vector<16xf32>
      %max3A_1190 = arith.maximumf %scan3A_1165, %get3A_1189 : vector<16xf32>
      %mul3A_1191 = arith.constant 4 : i32
      %mul3A_1192 = arith.muli %scan3A_1163, %mul3A_1191 : i32
      %add3A_1193 = arith.constant 2 : i32
      %add3A_1194 = arith.addi %mul3A_1192, %add3A_1193 : i32
      %mul3A_1195 = arith.constant 16 : i32
      %mul3A_1196 = arith.muli %add3A_1194, %mul3A_1195 : i32
      %get3A_1197 = arith.constant 1 : i32
      %get3A_1198 = arith.index_cast %get3A_1197 : i32 to index
      %get3A_1199 = arith.index_cast %mul3A_1196 : i32 to index
      %get3A_1200 = tpu.vector_load %arg6[%get3A_1198, %get3A_1199] {strides = array<i32>} : memref<4x4096xf32, #tpu.memory_space<vmem>>, vector<1x16xf32>,
      %get3A_1201 = vector.shape_cast %get3A_1200 : vector<1x16xf32> to vector<16xf32>
      %max3A_1202 = arith.maximumf %scan3A_1166, %get3A_1201 : vector<16xf32>
      %mul3A_1203 = arith.constant 4 : i32
      %mul3A_1204 = arith.muli %scan3A_1163, %mul3A_1203 : i32
      %add3A_1205 = arith.constant 3 : i32
      %add3A_1206 = arith.addi %mul3A_1204, %add3A_1205 : i32
      %mul3A_1207 = arith.constant 16 : i32
      %mul3A_1208 = arith.muli %add3A_1206, %mul3A_1207 : i32
      %get3A_1209 = arith.constant 1 : i32
      %get3A_1210 = arith.index_cast %get3A_1209 : i32 to index
      %get3A_1211 = arith.index_cast %mul3A_1208 : i32 to index
      %get3A_1212 = tpu.vector_load %arg6[%get3A_1210, %get3A_1211] {strides = array<i32>} : memref<4x4096xf32, #tpu.memory_space<vmem>>, vector<1x16xf32>,
      %get3A_1213 = vector.shape_cast %get3A_1212 : vector<1x16xf32> to vector<16xf32>
      %max3A_1214 = arith.maximumf %scan3A_1167, %get3A_1213 : vector<16xf32>
      scf.yield %max3A_1178, %max3A_1190, %max3A_1202, %max3A_1214 : vector<16xf32>, vector<16xf32>, vector<16xf32>, vector<16xf32>
    }
    %scan3A_947 = arith.constant 64 : i32
    %max3A_948 = arith.maximumf %scan3A_946#0, %scan3A_946#1 : vector<16xf32>
    %max3A_949 = arith.maximumf %scan3A_946#2, %scan3A_946#3 : vector<16xf32>
    %max3A_950 = arith.maximumf %max3A_948, %max3A_949 : vector<16xf32>
    %iota3A_951 = tpu.iota {dimensions = array<i32: 0>} : vector<16xi32>
    %xor3A_952 = arith.constant 8 : i32
    %xor3A_953 = vector.broadcast %xor3A_952 : i32 to vector<16xi32>
    %xor3A_954 = arith.xori %iota3A_951, %xor3A_953 : vector<16xi32>
    %lt3A_955 = arith.constant 0 : i32
    %lt3A_956 = vector.broadcast %lt3A_955 : i32 to vector<16xi32>
    %lt3A_957 = arith.cmpi slt, %xor3A_954, %lt3A_956 : vector<16xi32>
    %add3A_958 = arith.constant 16 : i32
    %add3A_959 = vector.broadcast %add3A_958 : i32 to vector<16xi32>
    %add3A_960 = arith.addi %xor3A_954, %add3A_959 : vector<16xi32>
    %select_n3A_961 = arith.select %lt3A_957, %add3A_960, %xor3A_954 : vector<16xi1>, vector<16xi32>
    %broadcast_in_dim3A_962 = vector.shape_cast %select_n3A_961 : vector<16xi32> to vector<16x1xi32>
    %gather3A_963 = vector.shape_cast %broadcast_in_dim3A_962 : vector<16x1xi32> to vector<16xi32>
    %gather3A_964 = tpu.dynamic_gather %max3A_950[%gather3A_963] in [0] : vector<16xf32>, vector<16xi32> -> vector<16xf32>
    %max3A_965 = arith.maximumf %max3A_950, %gather3A_964 : vector<16xf32>
    %xor3A_966 = arith.constant 4 : i32
    %xor3A_967 = vector.broadcast %xor3A_966 : i32 to vector<16xi32>
    %xor3A_968 = arith.xori %iota3A_951, %xor3A_967 : vector<16xi32>
    %lt3A_969 = arith.constant 0 : i32
    %lt3A_970 = vector.broadcast %lt3A_969 : i32 to vector<16xi32>
    %lt3A_971 = arith.cmpi slt, %xor3A_968, %lt3A_970 : vector<16xi32>
    %add3A_972 = arith.constant 16 : i32
    %add3A_973 = vector.broadcast %add3A_972 : i32 to vector<16xi32>
    %add3A_974 = arith.addi %xor3A_968, %add3A_973 : vector<16xi32>
    %select_n3A_975 = arith.select %lt3A_971, %add3A_974, %xor3A_968 : vector<16xi1>, vector<16xi32>
    %broadcast_in_dim3A_976 = vector.shape_cast %select_n3A_975 : vector<16xi32> to vector<16x1xi32>
    %gather3A_977 = vector.shape_cast %broadcast_in_dim3A_976 : vector<16x1xi32> to vector<16xi32>
    %gather3A_978 = tpu.dynamic_gather %max3A_965[%gather3A_977] in [0] : vector<16xf32>, vector<16xi32> -> vector<16xf32>
    %max3A_979 = arith.maximumf %max3A_965, %gather3A_978 : vector<16xf32>
    %xor3A_980 = arith.constant 2 : i32
    %xor3A_981 = vector.broadcast %xor3A_980 : i32 to vector<16xi32>
    %xor3A_982 = arith.xori %iota3A_951, %xor3A_981 : vector<16xi32>
    %lt3A_983 = arith.constant 0 : i32
    %lt3A_984 = vector.broadcast %lt3A_983 : i32 to vector<16xi32>
    %lt3A_985 = arith.cmpi slt, %xor3A_982, %lt3A_984 : vector<16xi32>
    %add3A_986 = arith.constant 16 : i32
    %add3A_987 = vector.broadcast %add3A_986 : i32 to vector<16xi32>
    %add3A_988 = arith.addi %xor3A_982, %add3A_987 : vector<16xi32>
    %select_n3A_989 = arith.select %lt3A_985, %add3A_988, %xor3A_982 : vector<16xi1>, vector<16xi32>
    %broadcast_in_dim3A_990 = vector.shape_cast %select_n3A_989 : vector<16xi32> to vector<16x1xi32>
    %gather3A_991 = vector.shape_cast %broadcast_in_dim3A_990 : vector<16x1xi32> to vector<16xi32>
    %gather3A_992 = tpu.dynamic_gather %max3A_979[%gather3A_991] in [0] : vector<16xf32>, vector<16xi32> -> vector<16xf32>
    %max3A_993 = arith.maximumf %max3A_979, %gather3A_992 : vector<16xf32>
    %xor3A_994 = arith.constant 1 : i32
    %xor3A_995 = vector.broadcast %xor3A_994 : i32 to vector<16xi32>
    %xor3A_996 = arith.xori %iota3A_951, %xor3A_995 : vector<16xi32>
    %lt3A_997 = arith.constant 0 : i32
    %lt3A_998 = vector.broadcast %lt3A_997 : i32 to vector<16xi32>
    %lt3A_999 = arith.cmpi slt, %xor3A_996, %lt3A_998 : vector<16xi32>
    %add3A_1000 = arith.constant 16 : i32
    %add3A_1001 = vector.broadcast %add3A_1000 : i32 to vector<16xi32>
    %add3A_1002 = arith.addi %xor3A_996, %add3A_1001 : vector<16xi32>
    %select_n3A_1003 = arith.select %lt3A_999, %add3A_1002, %xor3A_996 : vector<16xi1>, vector<16xi32>
    %broadcast_in_dim3A_1004 = vector.shape_cast %select_n3A_1003 : vector<16xi32> to vector<16x1xi32>
    %gather3A_1005 = vector.shape_cast %broadcast_in_dim3A_1004 : vector<16x1xi32> to vector<16xi32>
    %gather3A_1006 = tpu.dynamic_gather %max3A_993[%gather3A_1005] in [0] : vector<16xf32>, vector<16xi32> -> vector<16xf32>
    %max3A_1007 = arith.maximumf %max3A_993, %gather3A_1006 : vector<16xf32>
    %eq3A_1008 = arith.constant 9 : i32
    %eq3A_1009 = vector.broadcast %eq3A_1008 : i32 to vector<16xi32>
    %eq3A_1010 = arith.cmpi eq, %iota3A, %eq3A_1009 : vector<16xi32>
    %select_n3A_1011 = arith.select %eq3A_1010, %max3A_1007, %select_n3A_937 : vector<16xi1>, vector<16xf32>
    %broadcast_in_dim3A_1012 = arith.constant 0xFF800000 : f32
    %broadcast_in_dim3A_1013 = vector.broadcast %broadcast_in_dim3A_1012 : f32 to vector<16xf32>
    %broadcast_in_dim3A_1014 = arith.constant 0.000000e+00 : f32
    %broadcast_in_dim3A_1015 = vector.broadcast %broadcast_in_dim3A_1014 : f32 to vector<16xf32>
    %scan3A_1016 = arith.constant 0 : i32
    %scan3A_1017 = arith.constant 64 : i32
    %scan3A_1018 = arith.addi %scan3A_1016, %scan3A_1017 : i32
    %scan3A_1019 = arith.constant 1 : i32
    %scan3A_1020:4 = scf.for %scan3A_1163 = %scan3A_1016 to %scan3A_1018 step %scan3A_1019 iter_args(%scan3A_1164 = %broadcast_in_dim3A_1013, %scan3A_1165 = %broadcast_in_dim3A_1013, %scan3A_1166 = %broadcast_in_dim3A_1013, %scan3A_1167 = %broadcast_in_dim3A_1013) -> (vector<16xf32>, vector<16xf32>, vector<16xf32>, vector<16xf32>)  : i32 {
      %mul3A_1168 = arith.constant 4 : i32
      %mul3A_1169 = arith.muli %scan3A_1163, %mul3A_1168 : i32
      %add3A_1170 = arith.constant 0 : i32
      %add3A_1171 = arith.addi %mul3A_1169, %add3A_1170 : i32
      %mul3A_1172 = arith.constant 16 : i32
      %mul3A_1173 = arith.muli %add3A_1171, %mul3A_1172 : i32
      %get3A = arith.constant 2 : i32
      %get3A_1174 = arith.index_cast %get3A : i32 to index
      %get3A_1175 = arith.index_cast %mul3A_1173 : i32 to index
      %get3A_1176 = tpu.vector_load %arg6[%get3A_1174, %get3A_1175] {strides = array<i32>} : memref<4x4096xf32, #tpu.memory_space<vmem>>, vector<1x16xf32>,
      %get3A_1177 = vector.shape_cast %get3A_1176 : vector<1x16xf32> to vector<16xf32>
      %max3A_1178 = arith.maximumf %scan3A_1164, %get3A_1177 : vector<16xf32>
      %mul3A_1179 = arith.constant 4 : i32
      %mul3A_1180 = arith.muli %scan3A_1163, %mul3A_1179 : i32
      %add3A_1181 = arith.constant 1 : i32
      %add3A_1182 = arith.addi %mul3A_1180, %add3A_1181 : i32
      %mul3A_1183 = arith.constant 16 : i32
      %mul3A_1184 = arith.muli %add3A_1182, %mul3A_1183 : i32
      %get3A_1185 = arith.constant 2 : i32
      %get3A_1186 = arith.index_cast %get3A_1185 : i32 to index
      %get3A_1187 = arith.index_cast %mul3A_1184 : i32 to index
      %get3A_1188 = tpu.vector_load %arg6[%get3A_1186, %get3A_1187] {strides = array<i32>} : memref<4x4096xf32, #tpu.memory_space<vmem>>, vector<1x16xf32>,
      %get3A_1189 = vector.shape_cast %get3A_1188 : vector<1x16xf32> to vector<16xf32>
      %max3A_1190 = arith.maximumf %scan3A_1165, %get3A_1189 : vector<16xf32>
      %mul3A_1191 = arith.constant 4 : i32
      %mul3A_1192 = arith.muli %scan3A_1163, %mul3A_1191 : i32
      %add3A_1193 = arith.constant 2 : i32
      %add3A_1194 = arith.addi %mul3A_1192, %add3A_1193 : i32
      %mul3A_1195 = arith.constant 16 : i32
      %mul3A_1196 = arith.muli %add3A_1194, %mul3A_1195 : i32
      %get3A_1197 = arith.constant 2 : i32
      %get3A_1198 = arith.index_cast %get3A_1197 : i32 to index
      %get3A_1199 = arith.index_cast %mul3A_1196 : i32 to index
      %get3A_1200 = tpu.vector_load %arg6[%get3A_1198, %get3A_1199] {strides = array<i32>} : memref<4x4096xf32, #tpu.memory_space<vmem>>, vector<1x16xf32>,
      %get3A_1201 = vector.shape_cast %get3A_1200 : vector<1x16xf32> to vector<16xf32>
      %max3A_1202 = arith.maximumf %scan3A_1166, %get3A_1201 : vector<16xf32>
      %mul3A_1203 = arith.constant 4 : i32
      %mul3A_1204 = arith.muli %scan3A_1163, %mul3A_1203 : i32
      %add3A_1205 = arith.constant 3 : i32
      %add3A_1206 = arith.addi %mul3A_1204, %add3A_1205 : i32
      %mul3A_1207 = arith.constant 16 : i32
      %mul3A_1208 = arith.muli %add3A_1206, %mul3A_1207 : i32
      %get3A_1209 = arith.constant 2 : i32
      %get3A_1210 = arith.index_cast %get3A_1209 : i32 to index
      %get3A_1211 = arith.index_cast %mul3A_1208 : i32 to index
      %get3A_1212 = tpu.vector_load %arg6[%get3A_1210, %get3A_1211] {strides = array<i32>} : memref<4x4096xf32, #tpu.memory_space<vmem>>, vector<1x16xf32>,
      %get3A_1213 = vector.shape_cast %get3A_1212 : vector<1x16xf32> to vector<16xf32>
      %max3A_1214 = arith.maximumf %scan3A_1167, %get3A_1213 : vector<16xf32>
      scf.yield %max3A_1178, %max3A_1190, %max3A_1202, %max3A_1214 : vector<16xf32>, vector<16xf32>, vector<16xf32>, vector<16xf32>
    }
    %scan3A_1021 = arith.constant 64 : i32
    %max3A_1022 = arith.maximumf %scan3A_1020#0, %scan3A_1020#1 : vector<16xf32>
    %max3A_1023 = arith.maximumf %scan3A_1020#2, %scan3A_1020#3 : vector<16xf32>
    %max3A_1024 = arith.maximumf %max3A_1022, %max3A_1023 : vector<16xf32>
    %iota3A_1025 = tpu.iota {dimensions = array<i32: 0>} : vector<16xi32>
    %xor3A_1026 = arith.constant 8 : i32
    %xor3A_1027 = vector.broadcast %xor3A_1026 : i32 to vector<16xi32>
    %xor3A_1028 = arith.xori %iota3A_1025, %xor3A_1027 : vector<16xi32>
    %lt3A_1029 = arith.constant 0 : i32
    %lt3A_1030 = vector.broadcast %lt3A_1029 : i32 to vector<16xi32>
    %lt3A_1031 = arith.cmpi slt, %xor3A_1028, %lt3A_1030 : vector<16xi32>
    %add3A_1032 = arith.constant 16 : i32
    %add3A_1033 = vector.broadcast %add3A_1032 : i32 to vector<16xi32>
    %add3A_1034 = arith.addi %xor3A_1028, %add3A_1033 : vector<16xi32>
    %select_n3A_1035 = arith.select %lt3A_1031, %add3A_1034, %xor3A_1028 : vector<16xi1>, vector<16xi32>
    %broadcast_in_dim3A_1036 = vector.shape_cast %select_n3A_1035 : vector<16xi32> to vector<16x1xi32>
    %gather3A_1037 = vector.shape_cast %broadcast_in_dim3A_1036 : vector<16x1xi32> to vector<16xi32>
    %gather3A_1038 = tpu.dynamic_gather %max3A_1024[%gather3A_1037] in [0] : vector<16xf32>, vector<16xi32> -> vector<16xf32>
    %max3A_1039 = arith.maximumf %max3A_1024, %gather3A_1038 : vector<16xf32>
    %xor3A_1040 = arith.constant 4 : i32
    %xor3A_1041 = vector.broadcast %xor3A_1040 : i32 to vector<16xi32>
    %xor3A_1042 = arith.xori %iota3A_1025, %xor3A_1041 : vector<16xi32>
    %lt3A_1043 = arith.constant 0 : i32
    %lt3A_1044 = vector.broadcast %lt3A_1043 : i32 to vector<16xi32>
    %lt3A_1045 = arith.cmpi slt, %xor3A_1042, %lt3A_1044 : vector<16xi32>
    %add3A_1046 = arith.constant 16 : i32
    %add3A_1047 = vector.broadcast %add3A_1046 : i32 to vector<16xi32>
    %add3A_1048 = arith.addi %xor3A_1042, %add3A_1047 : vector<16xi32>
    %select_n3A_1049 = arith.select %lt3A_1045, %add3A_1048, %xor3A_1042 : vector<16xi1>, vector<16xi32>
    %broadcast_in_dim3A_1050 = vector.shape_cast %select_n3A_1049 : vector<16xi32> to vector<16x1xi32>
    %gather3A_1051 = vector.shape_cast %broadcast_in_dim3A_1050 : vector<16x1xi32> to vector<16xi32>
    %gather3A_1052 = tpu.dynamic_gather %max3A_1039[%gather3A_1051] in [0] : vector<16xf32>, vector<16xi32> -> vector<16xf32>
    %max3A_1053 = arith.maximumf %max3A_1039, %gather3A_1052 : vector<16xf32>
    %xor3A_1054 = arith.constant 2 : i32
    %xor3A_1055 = vector.broadcast %xor3A_1054 : i32 to vector<16xi32>
    %xor3A_1056 = arith.xori %iota3A_1025, %xor3A_1055 : vector<16xi32>
    %lt3A_1057 = arith.constant 0 : i32
    %lt3A_1058 = vector.broadcast %lt3A_1057 : i32 to vector<16xi32>
    %lt3A_1059 = arith.cmpi slt, %xor3A_1056, %lt3A_1058 : vector<16xi32>
    %add3A_1060 = arith.constant 16 : i32
    %add3A_1061 = vector.broadcast %add3A_1060 : i32 to vector<16xi32>
    %add3A_1062 = arith.addi %xor3A_1056, %add3A_1061 : vector<16xi32>
    %select_n3A_1063 = arith.select %lt3A_1059, %add3A_1062, %xor3A_1056 : vector<16xi1>, vector<16xi32>
    %broadcast_in_dim3A_1064 = vector.shape_cast %select_n3A_1063 : vector<16xi32> to vector<16x1xi32>
    %gather3A_1065 = vector.shape_cast %broadcast_in_dim3A_1064 : vector<16x1xi32> to vector<16xi32>
    %gather3A_1066 = tpu.dynamic_gather %max3A_1053[%gather3A_1065] in [0] : vector<16xf32>, vector<16xi32> -> vector<16xf32>
    %max3A_1067 = arith.maximumf %max3A_1053, %gather3A_1066 : vector<16xf32>
    %xor3A_1068 = arith.constant 1 : i32
    %xor3A_1069 = vector.broadcast %xor3A_1068 : i32 to vector<16xi32>
    %xor3A_1070 = arith.xori %iota3A_1025, %xor3A_1069 : vector<16xi32>
    %lt3A_1071 = arith.constant 0 : i32
    %lt3A_1072 = vector.broadcast %lt3A_1071 : i32 to vector<16xi32>
    %lt3A_1073 = arith.cmpi slt, %xor3A_1070, %lt3A_1072 : vector<16xi32>
    %add3A_1074 = arith.constant 16 : i32
    %add3A_1075 = vector.broadcast %add3A_1074 : i32 to vector<16xi32>
    %add3A_1076 = arith.addi %xor3A_1070, %add3A_1075 : vector<16xi32>
    %select_n3A_1077 = arith.select %lt3A_1073, %add3A_1076, %xor3A_1070 : vector<16xi1>, vector<16xi32>
    %broadcast_in_dim3A_1078 = vector.shape_cast %select_n3A_1077 : vector<16xi32> to vector<16x1xi32>
    %gather3A_1079 = vector.shape_cast %broadcast_in_dim3A_1078 : vector<16x1xi32> to vector<16xi32>
    %gather3A_1080 = tpu.dynamic_gather %max3A_1067[%gather3A_1079] in [0] : vector<16xf32>, vector<16xi32> -> vector<16xf32>
    %max3A_1081 = arith.maximumf %max3A_1067, %gather3A_1080 : vector<16xf32>
    %eq3A_1082 = arith.constant 10 : i32
    %eq3A_1083 = vector.broadcast %eq3A_1082 : i32 to vector<16xi32>
    %eq3A_1084 = arith.cmpi eq, %iota3A, %eq3A_1083 : vector<16xi32>
    %select_n3A_1085 = arith.select %eq3A_1084, %max3A_1081, %select_n3A_1011 : vector<16xi1>, vector<16xf32>
    %broadcast_in_dim3A_1086 = arith.constant 0xFF800000 : f32
    %broadcast_in_dim3A_1087 = vector.broadcast %broadcast_in_dim3A_1086 : f32 to vector<16xf32>
    %broadcast_in_dim3A_1088 = arith.constant 0.000000e+00 : f32
    %broadcast_in_dim3A_1089 = vector.broadcast %broadcast_in_dim3A_1088 : f32 to vector<16xf32>
    %scan3A_1090 = arith.constant 0 : i32
    %scan3A_1091 = arith.constant 64 : i32
    %scan3A_1092 = arith.addi %scan3A_1090, %scan3A_1091 : i32
    %scan3A_1093 = arith.constant 1 : i32
    %scan3A_1094:4 = scf.for %scan3A_1163 = %scan3A_1090 to %scan3A_1092 step %scan3A_1093 iter_args(%scan3A_1164 = %broadcast_in_dim3A_1087, %scan3A_1165 = %broadcast_in_dim3A_1087, %scan3A_1166 = %broadcast_in_dim3A_1087, %scan3A_1167 = %broadcast_in_dim3A_1087) -> (vector<16xf32>, vector<16xf32>, vector<16xf32>, vector<16xf32>)  : i32 {
      %mul3A_1168 = arith.constant 4 : i32
      %mul3A_1169 = arith.muli %scan3A_1163, %mul3A_1168 : i32
      %add3A_1170 = arith.constant 0 : i32
      %add3A_1171 = arith.addi %mul3A_1169, %add3A_1170 : i32
      %mul3A_1172 = arith.constant 16 : i32
      %mul3A_1173 = arith.muli %add3A_1171, %mul3A_1172 : i32
      %get3A = arith.constant 3 : i32
      %get3A_1174 = arith.index_cast %get3A : i32 to index
      %get3A_1175 = arith.index_cast %mul3A_1173 : i32 to index
      %get3A_1176 = tpu.vector_load %arg6[%get3A_1174, %get3A_1175] {strides = array<i32>} : memref<4x4096xf32, #tpu.memory_space<vmem>>, vector<1x16xf32>,
      %get3A_1177 = vector.shape_cast %get3A_1176 : vector<1x16xf32> to vector<16xf32>
      %max3A_1178 = arith.maximumf %scan3A_1164, %get3A_1177 : vector<16xf32>
      %mul3A_1179 = arith.constant 4 : i32
      %mul3A_1180 = arith.muli %scan3A_1163, %mul3A_1179 : i32
      %add3A_1181 = arith.constant 1 : i32
      %add3A_1182 = arith.addi %mul3A_1180, %add3A_1181 : i32
      %mul3A_1183 = arith.constant 16 : i32
      %mul3A_1184 = arith.muli %add3A_1182, %mul3A_1183 : i32
      %get3A_1185 = arith.constant 3 : i32
      %get3A_1186 = arith.index_cast %get3A_1185 : i32 to index
      %get3A_1187 = arith.index_cast %mul3A_1184 : i32 to index
      %get3A_1188 = tpu.vector_load %arg6[%get3A_1186, %get3A_1187] {strides = array<i32>} : memref<4x4096xf32, #tpu.memory_space<vmem>>, vector<1x16xf32>,
      %get3A_1189 = vector.shape_cast %get3A_1188 : vector<1x16xf32> to vector<16xf32>
      %max3A_1190 = arith.maximumf %scan3A_1165, %get3A_1189 : vector<16xf32>
      %mul3A_1191 = arith.constant 4 : i32
      %mul3A_1192 = arith.muli %scan3A_1163, %mul3A_1191 : i32
      %add3A_1193 = arith.constant 2 : i32
      %add3A_1194 = arith.addi %mul3A_1192, %add3A_1193 : i32
      %mul3A_1195 = arith.constant 16 : i32
      %mul3A_1196 = arith.muli %add3A_1194, %mul3A_1195 : i32
      %get3A_1197 = arith.constant 3 : i32
      %get3A_1198 = arith.index_cast %get3A_1197 : i32 to index
      %get3A_1199 = arith.index_cast %mul3A_1196 : i32 to index
      %get3A_1200 = tpu.vector_load %arg6[%get3A_1198, %get3A_1199] {strides = array<i32>} : memref<4x4096xf32, #tpu.memory_space<vmem>>, vector<1x16xf32>,
      %get3A_1201 = vector.shape_cast %get3A_1200 : vector<1x16xf32> to vector<16xf32>
      %max3A_1202 = arith.maximumf %scan3A_1166, %get3A_1201 : vector<16xf32>
      %mul3A_1203 = arith.constant 4 : i32
      %mul3A_1204 = arith.muli %scan3A_1163, %mul3A_1203 : i32
      %add3A_1205 = arith.constant 3 : i32
      %add3A_1206 = arith.addi %mul3A_1204, %add3A_1205 : i32
      %mul3A_1207 = arith.constant 16 : i32
      %mul3A_1208 = arith.muli %add3A_1206, %mul3A_1207 : i32
      %get3A_1209 = arith.constant 3 : i32
      %get3A_1210 = arith.index_cast %get3A_1209 : i32 to index
      %get3A_1211 = arith.index_cast %mul3A_1208 : i32 to index
      %get3A_1212 = tpu.vector_load %arg6[%get3A_1210, %get3A_1211] {strides = array<i32>} : memref<4x4096xf32, #tpu.memory_space<vmem>>, vector<1x16xf32>,
      %get3A_1213 = vector.shape_cast %get3A_1212 : vector<1x16xf32> to vector<16xf32>
      %max3A_1214 = arith.maximumf %scan3A_1167, %get3A_1213 : vector<16xf32>
      scf.yield %max3A_1178, %max3A_1190, %max3A_1202, %max3A_1214 : vector<16xf32>, vector<16xf32>, vector<16xf32>, vector<16xf32>
    }
    %scan3A_1095 = arith.constant 64 : i32
    %max3A_1096 = arith.maximumf %scan3A_1094#0, %scan3A_1094#1 : vector<16xf32>
    %max3A_1097 = arith.maximumf %scan3A_1094#2, %scan3A_1094#3 : vector<16xf32>
    %max3A_1098 = arith.maximumf %max3A_1096, %max3A_1097 : vector<16xf32>
    %iota3A_1099 = tpu.iota {dimensions = array<i32: 0>} : vector<16xi32>
    %xor3A_1100 = arith.constant 8 : i32
    %xor3A_1101 = vector.broadcast %xor3A_1100 : i32 to vector<16xi32>
    %xor3A_1102 = arith.xori %iota3A_1099, %xor3A_1101 : vector<16xi32>
    %lt3A_1103 = arith.constant 0 : i32
    %lt3A_1104 = vector.broadcast %lt3A_1103 : i32 to vector<16xi32>
    %lt3A_1105 = arith.cmpi slt, %xor3A_1102, %lt3A_1104 : vector<16xi32>
    %add3A_1106 = arith.constant 16 : i32
    %add3A_1107 = vector.broadcast %add3A_1106 : i32 to vector<16xi32>
    %add3A_1108 = arith.addi %xor3A_1102, %add3A_1107 : vector<16xi32>
    %select_n3A_1109 = arith.select %lt3A_1105, %add3A_1108, %xor3A_1102 : vector<16xi1>, vector<16xi32>
    %broadcast_in_dim3A_1110 = vector.shape_cast %select_n3A_1109 : vector<16xi32> to vector<16x1xi32>
    %gather3A_1111 = vector.shape_cast %broadcast_in_dim3A_1110 : vector<16x1xi32> to vector<16xi32>
    %gather3A_1112 = tpu.dynamic_gather %max3A_1098[%gather3A_1111] in [0] : vector<16xf32>, vector<16xi32> -> vector<16xf32>
    %max3A_1113 = arith.maximumf %max3A_1098, %gather3A_1112 : vector<16xf32>
    %xor3A_1114 = arith.constant 4 : i32
    %xor3A_1115 = vector.broadcast %xor3A_1114 : i32 to vector<16xi32>
    %xor3A_1116 = arith.xori %iota3A_1099, %xor3A_1115 : vector<16xi32>
    %lt3A_1117 = arith.constant 0 : i32
    %lt3A_1118 = vector.broadcast %lt3A_1117 : i32 to vector<16xi32>
    %lt3A_1119 = arith.cmpi slt, %xor3A_1116, %lt3A_1118 : vector<16xi32>
    %add3A_1120 = arith.constant 16 : i32
    %add3A_1121 = vector.broadcast %add3A_1120 : i32 to vector<16xi32>
    %add3A_1122 = arith.addi %xor3A_1116, %add3A_1121 : vector<16xi32>
    %select_n3A_1123 = arith.select %lt3A_1119, %add3A_1122, %xor3A_1116 : vector<16xi1>, vector<16xi32>
    %broadcast_in_dim3A_1124 = vector.shape_cast %select_n3A_1123 : vector<16xi32> to vector<16x1xi32>
    %gather3A_1125 = vector.shape_cast %broadcast_in_dim3A_1124 : vector<16x1xi32> to vector<16xi32>
    %gather3A_1126 = tpu.dynamic_gather %max3A_1113[%gather3A_1125] in [0] : vector<16xf32>, vector<16xi32> -> vector<16xf32>
    %max3A_1127 = arith.maximumf %max3A_1113, %gather3A_1126 : vector<16xf32>
    %xor3A_1128 = arith.constant 2 : i32
    %xor3A_1129 = vector.broadcast %xor3A_1128 : i32 to vector<16xi32>
    %xor3A_1130 = arith.xori %iota3A_1099, %xor3A_1129 : vector<16xi32>
    %lt3A_1131 = arith.constant 0 : i32
    %lt3A_1132 = vector.broadcast %lt3A_1131 : i32 to vector<16xi32>
    %lt3A_1133 = arith.cmpi slt, %xor3A_1130, %lt3A_1132 : vector<16xi32>
    %add3A_1134 = arith.constant 16 : i32
    %add3A_1135 = vector.broadcast %add3A_1134 : i32 to vector<16xi32>
    %add3A_1136 = arith.addi %xor3A_1130, %add3A_1135 : vector<16xi32>
    %select_n3A_1137 = arith.select %lt3A_1133, %add3A_1136, %xor3A_1130 : vector<16xi1>, vector<16xi32>
    %broadcast_in_dim3A_1138 = vector.shape_cast %select_n3A_1137 : vector<16xi32> to vector<16x1xi32>
    %gather3A_1139 = vector.shape_cast %broadcast_in_dim3A_1138 : vector<16x1xi32> to vector<16xi32>
    %gather3A_1140 = tpu.dynamic_gather %max3A_1127[%gather3A_1139] in [0] : vector<16xf32>, vector<16xi32> -> vector<16xf32>
    %max3A_1141 = arith.maximumf %max3A_1127, %gather3A_1140 : vector<16xf32>
    %xor3A_1142 = arith.constant 1 : i32
    %xor3A_1143 = vector.broadcast %xor3A_1142 : i32 to vector<16xi32>
    %xor3A_1144 = arith.xori %iota3A_1099, %xor3A_1143 : vector<16xi32>
    %lt3A_1145 = arith.constant 0 : i32
    %lt3A_1146 = vector.broadcast %lt3A_1145 : i32 to vector<16xi32>
    %lt3A_1147 = arith.cmpi slt, %xor3A_1144, %lt3A_1146 : vector<16xi32>
    %add3A_1148 = arith.constant 16 : i32
    %add3A_1149 = vector.broadcast %add3A_1148 : i32 to vector<16xi32>
    %add3A_1150 = arith.addi %xor3A_1144, %add3A_1149 : vector<16xi32>
    %select_n3A_1151 = arith.select %lt3A_1147, %add3A_1150, %xor3A_1144 : vector<16xi1>, vector<16xi32>
    %broadcast_in_dim3A_1152 = vector.shape_cast %select_n3A_1151 : vector<16xi32> to vector<16x1xi32>
    %gather3A_1153 = vector.shape_cast %broadcast_in_dim3A_1152 : vector<16x1xi32> to vector<16xi32>
    %gather3A_1154 = tpu.dynamic_gather %max3A_1141[%gather3A_1153] in [0] : vector<16xf32>, vector<16xi32> -> vector<16xf32>
    %max3A_1155 = arith.maximumf %max3A_1141, %gather3A_1154 : vector<16xf32>
    %eq3A_1156 = arith.constant 11 : i32
    %eq3A_1157 = vector.broadcast %eq3A_1156 : i32 to vector<16xi32>
    %eq3A_1158 = arith.cmpi eq, %iota3A, %eq3A_1157 : vector<16xi32>
    %select_n3A_1159 = arith.select %eq3A_1158, %max3A_1155, %select_n3A_1085 : vector<16xi1>, vector<16xf32>
    %swap3A = arith.constant 0 : index
    %swap3A_1160 = tpu.vector_load %arg8[%swap3A] {strides = array<i32>} : memref<16xf32, #tpu.memory_space<vmem>>, vector<16xf32>,
    %swap3A_1161 = vector.shape_cast %swap3A_1160 : vector<16xf32> to vector<16xf32>
    %swap3A_1162 = vector.shape_cast %select_n3A_1159 : vector<16xf32> to vector<16xf32>
    tpu.vector_store %arg8[%swap3A], %swap3A_1162 {strides = array<i32>} : memref<16xf32, #tpu.memory_space<vmem>>, vector<16xf32>,
    "tpu.region"() ({
      %run_scoped3A = tpu.sem_alloc : memref<!tpu.dma_semaphore, #tpu.memory_space<semaphore_mem>>
      %dma_start3A_1163 = arith.constant 0 : i32
      %dma_start3A_1164 = tpu.memref_slice %arg5[%arg1, %dma_start3A_1163] : memref<16x16xf32, #tpu.memory_space<hbm>> -> memref<1x16xf32, #tpu.memory_space<hbm>>
      %dma_start3A_1165 = tpu.memref_squeeze %dma_start3A_1164 : memref<1x16xf32, #tpu.memory_space<hbm>> -> memref<16xf32, #tpu.memory_space<hbm>>
      %dma_start3A_1166 = arith.constant 0 : i32
      %dma_start3A_1167 = tpu.memref_slice %arg5[%arg1, %dma_start3A_1166] : memref<16x16xf32, #tpu.memory_space<hbm>> -> memref<1x16xf32, #tpu.memory_space<hbm>>
      %dma_start3A_1168 = tpu.memref_squeeze %dma_start3A_1167 : memref<1x16xf32, #tpu.memory_space<hbm>> -> memref<16xf32, #tpu.memory_space<hbm>>
      tpu.enqueue_dma source(%arg8 : memref<16xf32, #tpu.memory_space<vmem>>) target(%dma_start3A_1168 : memref<16xf32, #tpu.memory_space<hbm>>) target_semaphore(%run_scoped3A : memref<!tpu.dma_semaphore, #tpu.memory_space<semaphore_mem>>)
      %dma_wait3A_1169 = arith.constant 0 : i32
      %dma_wait3A_1170 = tpu.memref_slice %arg5[%arg1, %dma_wait3A_1169] : memref<16x16xf32, #tpu.memory_space<hbm>> -> memref<1x16xf32, #tpu.memory_space<hbm>>
      %dma_wait3A_1171 = tpu.memref_squeeze %dma_wait3A_1170 : memref<1x16xf32, #tpu.memory_space<hbm>> -> memref<16xf32, #tpu.memory_space<hbm>>
      %dma_wait3A_1172 = arith.constant 0 : i32
      %dma_wait3A_1173 = tpu.memref_slice %arg5[%arg1, %dma_wait3A_1172] : memref<16x16xf32, #tpu.memory_space<hbm>> -> memref<1x16xf32, #tpu.memory_space<hbm>>
      %dma_wait3A_1174 = tpu.memref_squeeze %dma_wait3A_1173 : memref<1x16xf32, #tpu.memory_space<hbm>> -> memref<16xf32, #tpu.memory_space<hbm>>
      tpu.wait_dma2 semaphore(%run_scoped3A : memref<!tpu.dma_semaphore, #tpu.memory_space<semaphore_mem>>) src(%arg8 : memref<16xf32, #tpu.memory_space<vmem>>) dst(%dma_wait3A_1174 : memref<16xf32, #tpu.memory_space<hbm>>)
      tpu.yield
    }) : () -> ()
    return
  }
}

module attributes {stable_mosaic.version = 14 : i64} {
  func.func @_epilogue_kernel(%arg0: memref<16x16xf32, #tpu.memory_space<vmem>>, %arg1: memref<1xf32, #tpu.memory_space<smem>>, %arg2: memref<1xf32, #tpu.memory_space<smem>>, %arg3: memref<1xf32, #tpu.memory_space<smem>>, %arg4: memref<1xf32, #tpu.memory_space<smem>>, %arg5: memref<1xf32, #tpu.memory_space<smem>>) attributes {dimension_semantics = [], scalar_prefetch = 0 : i64, scratch_operands = 0 : i64, tpu.core_type = #tpu.core_type<tc>} {
    %get3A = arith.constant 0 : index
    %get3A_0 = arith.constant 0 : index
    %get3A_1 = vector.load %arg0[%get3A, %get3A_0] : memref<16x16xf32, #tpu.memory_space<vmem>>, vector<16x4xf32>
    %get3A_2 = arith.constant 0 : index
    %get3A_3 = arith.constant 4 : index
    %get3A_4 = vector.load %arg0[%get3A_2, %get3A_3] : memref<16x16xf32, #tpu.memory_space<vmem>>, vector<16x4xf32>
    %get3A_5 = arith.constant 0 : index
    %get3A_6 = arith.constant 8 : index
    %get3A_7 = vector.load %arg0[%get3A_5, %get3A_6] : memref<16x16xf32, #tpu.memory_space<vmem>>, vector<16x4xf32>
    %mul3A = arith.constant 2.500000e+00 : f32
    %mul3A_8 = vector.broadcast %mul3A : f32 to vector<16x4xf32>
    %mul3A_9 = arith.mulf %get3A_7, %mul3A_8 : vector<16x4xf32>
    %get3A_10 = arith.constant 0 : index
    %get3A_11 = arith.constant 12 : index
    %get3A_12 = vector.load %arg0[%get3A_10, %get3A_11] : memref<16x16xf32, #tpu.memory_space<vmem>>, vector<16x4xf32>
    %reduce_max3A = vector.shape_cast %get3A_4 : vector<16x4xf32> to vector<1x16x4xf32>
    %reduce_max3A_13 = arith.constant dense<0xFF800000> : vector<1xf32>
    %reduce_max3A_14 = vector.multi_reduction <maximumf>, %reduce_max3A, %reduce_max3A_13 [1, 2] : vector<1x16x4xf32> to vector<1xf32>
    %reduce_max3A_15 = vector.shape_cast %reduce_max3A_14 : vector<1xf32> to vector<1x1x1xf32>
    %reduce_max3A_16 = vector.extract %reduce_max3A_15[0, 0, 0] : f32 from vector<1x1x1xf32>
    %reduce_min3A = vector.shape_cast %get3A_4 : vector<16x4xf32> to vector<1x16x4xf32>
    %reduce_min3A_17 = arith.constant dense<0x7F800000> : vector<1xf32>
    %reduce_min3A_18 = vector.multi_reduction <minimumf>, %reduce_min3A, %reduce_min3A_17 [1, 2] : vector<1x16x4xf32> to vector<1xf32>
    %reduce_min3A_19 = vector.shape_cast %reduce_min3A_18 : vector<1xf32> to vector<1x1x1xf32>
    %reduce_min3A_20 = vector.extract %reduce_min3A_19[0, 0, 0] : f32 from vector<1x1x1xf32>
    %gt3A = arith.constant 1.000000e+00 : f32
    %gt3A_21 = arith.cmpf ogt, %reduce_max3A_16, %gt3A : f32
    %sub3A = vector.broadcast %reduce_min3A_20 : f32 to vector<16x4xf32>
    %sub3A_22 = arith.subf %get3A_4, %sub3A : vector<16x4xf32>
    %sub3A_23 = arith.subf %reduce_max3A_16, %reduce_min3A_20 : f32
    %div3A = vector.broadcast %sub3A_23 : f32 to vector<16x4xf32>
    %div3A_24 = arith.divf %sub3A_22, %div3A : vector<16x4xf32>
    %select_n3A = arith.select %gt3A_21, %div3A_24, %get3A_4 : vector<16x4xf32>
    %reduce_max3A_25 = vector.shape_cast %mul3A_9 : vector<16x4xf32> to vector<1x16x4xf32>
    %reduce_max3A_26 = arith.constant dense<0xFF800000> : vector<1xf32>
    %reduce_max3A_27 = vector.multi_reduction <maximumf>, %reduce_max3A_25, %reduce_max3A_26 [1, 2] : vector<1x16x4xf32> to vector<1xf32>
    %reduce_max3A_28 = vector.shape_cast %reduce_max3A_27 : vector<1xf32> to vector<1x1x1xf32>
    %reduce_max3A_29 = vector.extract %reduce_max3A_28[0, 0, 0] : f32 from vector<1x1x1xf32>
    %reduce_min3A_30 = vector.shape_cast %mul3A_9 : vector<16x4xf32> to vector<1x16x4xf32>
    %reduce_min3A_31 = arith.constant dense<0x7F800000> : vector<1xf32>
    %reduce_min3A_32 = vector.multi_reduction <minimumf>, %reduce_min3A_30, %reduce_min3A_31 [1, 2] : vector<1x16x4xf32> to vector<1xf32>
    %reduce_min3A_33 = vector.shape_cast %reduce_min3A_32 : vector<1xf32> to vector<1x1x1xf32>
    %reduce_min3A_34 = vector.extract %reduce_min3A_33[0, 0, 0] : f32 from vector<1x1x1xf32>
    %gt3A_35 = arith.constant 1.000000e+00 : f32
    %gt3A_36 = arith.cmpf ogt, %reduce_max3A_29, %gt3A_35 : f32
    %sub3A_37 = vector.broadcast %reduce_min3A_34 : f32 to vector<16x4xf32>
    %sub3A_38 = arith.subf %mul3A_9, %sub3A_37 : vector<16x4xf32>
    %sub3A_39 = arith.subf %reduce_max3A_29, %reduce_min3A_34 : f32
    %div3A_40 = vector.broadcast %sub3A_39 : f32 to vector<16x4xf32>
    %div3A_41 = arith.divf %sub3A_38, %div3A_40 : vector<16x4xf32>
    %select_n3A_42 = arith.select %gt3A_36, %div3A_41, %mul3A_9 : vector<16x4xf32>
    %max3A = arith.maximumf %select_n3A, %select_n3A_42 : vector<16x4xf32>
    %sub3A_43 = arith.subf %max3A, %get3A_1 : vector<16x4xf32>
    %integer_pow3A = arith.mulf %sub3A_43, %sub3A_43 : vector<16x4xf32>
    %reduce_sum3A = vector.shape_cast %integer_pow3A : vector<16x4xf32> to vector<1x16x4xf32>
    %reduce_sum3A_44 = arith.constant dense<0.000000e+00> : vector<1xf32>
    %reduce_sum3A_45 = vector.multi_reduction <add>, %reduce_sum3A, %reduce_sum3A_44 [1, 2] : vector<1x16x4xf32> to vector<1xf32>
    %reduce_sum3A_46 = vector.shape_cast %reduce_sum3A_45 : vector<1xf32> to vector<1x1x1xf32>
    %reduce_sum3A_47 = vector.extract %reduce_sum3A_46[0, 0, 0] : f32 from vector<1x1x1xf32>
    %div3A_48 = arith.constant 6.400000e+01 : f32
    %div3A_49 = arith.divf %reduce_sum3A_47, %div3A_48 : f32
    %sqrt3A = math.sqrt %get3A_12 : vector<16x4xf32>
    %reduce_sum3A_50 = vector.shape_cast %sqrt3A : vector<16x4xf32> to vector<1x16x4xf32>
    %reduce_sum3A_51 = arith.constant dense<0.000000e+00> : vector<1xf32>
    %reduce_sum3A_52 = vector.multi_reduction <add>, %reduce_sum3A_50, %reduce_sum3A_51 [1, 2] : vector<1x16x4xf32> to vector<1xf32>
    %reduce_sum3A_53 = vector.shape_cast %reduce_sum3A_52 : vector<1xf32> to vector<1x1x1xf32>
    %reduce_sum3A_54 = vector.extract %reduce_sum3A_53[0, 0, 0] : f32 from vector<1x1x1xf32>
    %div3A_55 = arith.constant 6.400000e+01 : f32
    %div3A_56 = arith.divf %reduce_sum3A_54, %div3A_55 : f32
    %get3A_57 = arith.constant 0 : index
    %get3A_58 = memref.load %arg1[%get3A_57] : memref<1xf32, #tpu.memory_space<smem>>
    %add3A = arith.addf %div3A_56, %get3A_58 : f32
    %mul3A_59 = arith.constant 0.899999976 : f32
    %mul3A_60 = arith.mulf %mul3A_59, %add3A : f32
    %add3A_61 = arith.addf %mul3A_60, %div3A_49 : f32
    %swap3A = arith.constant 0 : index
    %swap3A_62 = memref.load %arg2[%swap3A] : memref<1xf32, #tpu.memory_space<smem>>
    memref.store %add3A_61, %arg2[%swap3A] : memref<1xf32, #tpu.memory_space<smem>>
    %swap3A_63 = arith.constant 0 : index
    %swap3A_64 = memref.load %arg3[%swap3A_63] : memref<1xf32, #tpu.memory_space<smem>>
    memref.store %div3A_56, %arg3[%swap3A_63] : memref<1xf32, #tpu.memory_space<smem>>
    %swap3A_65 = arith.constant 0 : index
    %swap3A_66 = memref.load %arg4[%swap3A_65] : memref<1xf32, #tpu.memory_space<smem>>
    memref.store %get3A_58, %arg4[%swap3A_65] : memref<1xf32, #tpu.memory_space<smem>>
    %swap3A_67 = arith.constant 0 : index
    %swap3A_68 = memref.load %arg5[%swap3A_67] : memref<1xf32, #tpu.memory_space<smem>>
    memref.store %add3A, %arg5[%swap3A_67] : memref<1xf32, #tpu.memory_space<smem>>
    return
  }
}

module attributes {stable_mosaic.version = 14 : i64} {
  func.func @_mpp_kernel(%arg0: i32, %arg1: memref<2x1024xf32, #tpu.memory_space<vmem>>, %arg2: memref<2x1024xf32, #tpu.memory_space<vmem>>, %arg3: memref<2x512x1024xf32, #tpu.memory_space<vmem>>, %arg4: memref<2x512x1024xf32, #tpu.memory_space<vmem>>, %arg5: memref<1xf32, #tpu.memory_space<smem>>, %arg6: memref<1xf32, #tpu.memory_space<smem>>) attributes {dimension_semantics = [#tpu.dimension_semantics<arbitrary>], iteration_bounds = array<i64: 4>, scalar_prefetch = 0 : i64, scratch_operands = 1 : i64, tpu.core_type = #tpu.core_type<tc>, window_params = [{pipeline_mode = #tpu.pipeline_mode<synchronous>, transform_indices = @transform_0, window_bounds = array<i64: 2, 1024>}, {pipeline_mode = #tpu.pipeline_mode<synchronous>, transform_indices = @transform_1, window_bounds = array<i64: 2, 1024>}, {transform_indices = @transform_2, window_bounds = array<i64: 2, 512, 1024>}, {transform_indices = @transform_3, window_bounds = array<i64: 2, 512, 1024>}, {transform_indices = @transform_4, window_bounds = array<i64: 1>}]} {
    %eq3A = arith.constant 0 : i32
    %eq3A_0 = arith.cmpi eq, %arg0, %eq3A : i32
    %convert_element_type3A = arith.extui %eq3A_0 : i1 to i32
    %cond3A = arith.constant 0 : i32
    %cond3A_1 = arith.cmpi ne, %convert_element_type3A, %cond3A : i32
    scf.if %cond3A_1 {
      %swap3A_103 = arith.constant 0.000000e+00 : f32
      %swap3A_104 = arith.constant 0 : index
      %swap3A_105 = memref.load %arg6[%swap3A_104] : memref<1xf32, #tpu.memory_space<smem>>
      memref.store %swap3A_103, %arg6[%swap3A_104] : memref<1xf32, #tpu.memory_space<smem>>
    } else {
    }
    %get3A = arith.constant 0 : index
    %get3A_2 = arith.constant 0 : index
    %get3A_3 = arith.constant 0 : index
    %get3A_4 = vector.load %arg3[%get3A, %get3A_2, %get3A_3] : memref<2x512x1024xf32, #tpu.memory_space<vmem>>, vector<1x512x1024xf32>
    %get3A_5 = vector.shape_cast %get3A_4 : vector<1x512x1024xf32> to vector<512x1024xf32>
    %get3A_6 = arith.constant 0 : index
    %get3A_7 = arith.constant 0 : index
    %get3A_8 = arith.constant 0 : index
    %get3A_9 = vector.load %arg4[%get3A_6, %get3A_7, %get3A_8] : memref<2x512x1024xf32, #tpu.memory_space<vmem>>, vector<1x512x1024xf32>
    %get3A_10 = vector.shape_cast %get3A_9 : vector<1x512x1024xf32> to vector<512x1024xf32>
    %get3A_11 = arith.constant 0 : index
    %get3A_12 = arith.constant 0 : index
    %get3A_13 = vector.load %arg1[%get3A_11, %get3A_12] : memref<2x1024xf32, #tpu.memory_space<vmem>>, vector<1x1024xf32>
    %get3A_14 = arith.constant 0 : index
    %get3A_15 = arith.constant 0 : index
    %get3A_16 = vector.load %arg2[%get3A_14, %get3A_15] : memref<2x1024xf32, #tpu.memory_space<vmem>>, vector<1x1024xf32>
    %div3A = arith.constant 1.000000e+00 : f32
    %div3A_17 = vector.broadcast %div3A : f32 to vector<1x1024xf32>
    %div3A_18 = arith.divf %div3A_17, %get3A_16 : vector<1x1024xf32>
    %sub3A = vector.broadcast %get3A_13 : vector<1x1024xf32> to vector<512x1024xf32>
    %sub3A_19 = arith.subf %get3A_5, %sub3A : vector<512x1024xf32>
    %sub3A_20 = vector.broadcast %get3A_13 : vector<1x1024xf32> to vector<512x1024xf32>
    %sub3A_21 = arith.subf %get3A_10, %sub3A_20 : vector<512x1024xf32>
    %mul3A = arith.mulf %sub3A_19, %sub3A_19 : vector<512x1024xf32>
    %mul3A_22 = vector.broadcast %div3A_18 : vector<1x1024xf32> to vector<512x1024xf32>
    %mul3A_23 = arith.mulf %mul3A, %mul3A_22 : vector<512x1024xf32>
    %reduce_sum3A = arith.constant dense<0.000000e+00> : vector<512xf32>
    %reduce_sum3A_24 = vector.multi_reduction <add>, %mul3A_23, %reduce_sum3A [1] : vector<512x1024xf32> to vector<512xf32>
    %broadcast_in_dim3A = vector.shape_cast %reduce_sum3A_24 : vector<512xf32> to vector<512x1xf32>
    %sqrt3A = math.sqrt %broadcast_in_dim3A : vector<512x1xf32>
    %mul3A_25 = arith.mulf %sub3A_21, %sub3A_21 : vector<512x1024xf32>
    %mul3A_26 = vector.broadcast %div3A_18 : vector<1x1024xf32> to vector<512x1024xf32>
    %mul3A_27 = arith.mulf %mul3A_25, %mul3A_26 : vector<512x1024xf32>
    %reduce_sum3A_28 = arith.constant dense<0.000000e+00> : vector<512xf32>
    %reduce_sum3A_29 = vector.multi_reduction <add>, %mul3A_27, %reduce_sum3A_28 [1] : vector<512x1024xf32> to vector<512xf32>
    %broadcast_in_dim3A_30 = vector.shape_cast %reduce_sum3A_29 : vector<512xf32> to vector<512x1xf32>
    %sqrt3A_31 = math.sqrt %broadcast_in_dim3A_30 : vector<512x1xf32>
    %sub3A_32 = arith.subf %sqrt3A, %sqrt3A_31 : vector<512x1xf32>
    %add3A = arith.constant 1.000000e+00 : f32
    %add3A_33 = vector.broadcast %add3A : f32 to vector<512x1xf32>
    %add3A_34 = arith.addf %sub3A_32, %add3A_33 : vector<512x1xf32>
    %max3A = arith.constant 0.000000e+00 : f32
    %max3A_35 = vector.broadcast %max3A : f32 to vector<512x1xf32>
    %max3A_36 = arith.maximumf %add3A_34, %max3A_35 : vector<512x1xf32>
    %reduce_sum3A_37 = vector.shape_cast %max3A_36 : vector<512x1xf32> to vector<1x512x1xf32>
    %reduce_sum3A_38 = arith.constant dense<0.000000e+00> : vector<1xf32>
    %reduce_sum3A_39 = vector.multi_reduction <add>, %reduce_sum3A_37, %reduce_sum3A_38 [1, 2] : vector<1x512x1xf32> to vector<1xf32>
    %reduce_sum3A_40 = vector.shape_cast %reduce_sum3A_39 : vector<1xf32> to vector<1x1x1xf32>
    %reduce_sum3A_41 = vector.extract %reduce_sum3A_40[0, 0, 0] : f32 from vector<1x1x1xf32>
    %add3A_42 = arith.constant 0.000000e+00 : f32
    %add3A_43 = arith.addf %add3A_42, %reduce_sum3A_41 : f32
    %get3A_44 = arith.constant 1 : index
    %get3A_45 = arith.constant 0 : index
    %get3A_46 = arith.constant 0 : index
    %get3A_47 = vector.load %arg3[%get3A_44, %get3A_45, %get3A_46] : memref<2x512x1024xf32, #tpu.memory_space<vmem>>, vector<1x512x1024xf32>
    %get3A_48 = vector.shape_cast %get3A_47 : vector<1x512x1024xf32> to vector<512x1024xf32>
    %get3A_49 = arith.constant 1 : index
    %get3A_50 = arith.constant 0 : index
    %get3A_51 = arith.constant 0 : index
    %get3A_52 = vector.load %arg4[%get3A_49, %get3A_50, %get3A_51] : memref<2x512x1024xf32, #tpu.memory_space<vmem>>, vector<1x512x1024xf32>
    %get3A_53 = vector.shape_cast %get3A_52 : vector<1x512x1024xf32> to vector<512x1024xf32>
    %get3A_54 = arith.constant 1 : index
    %get3A_55 = arith.constant 0 : index
    %get3A_56 = vector.load %arg1[%get3A_54, %get3A_55] : memref<2x1024xf32, #tpu.memory_space<vmem>>, vector<1x1024xf32>
    %get3A_57 = arith.constant 1 : index
    %get3A_58 = arith.constant 0 : index
    %get3A_59 = vector.load %arg2[%get3A_57, %get3A_58] : memref<2x1024xf32, #tpu.memory_space<vmem>>, vector<1x1024xf32>
    %div3A_60 = arith.constant 1.000000e+00 : f32
    %div3A_61 = vector.broadcast %div3A_60 : f32 to vector<1x1024xf32>
    %div3A_62 = arith.divf %div3A_61, %get3A_59 : vector<1x1024xf32>
    %sub3A_63 = vector.broadcast %get3A_56 : vector<1x1024xf32> to vector<512x1024xf32>
    %sub3A_64 = arith.subf %get3A_48, %sub3A_63 : vector<512x1024xf32>
    %sub3A_65 = vector.broadcast %get3A_56 : vector<1x1024xf32> to vector<512x1024xf32>
    %sub3A_66 = arith.subf %get3A_53, %sub3A_65 : vector<512x1024xf32>
    %mul3A_67 = arith.mulf %sub3A_64, %sub3A_64 : vector<512x1024xf32>
    %mul3A_68 = vector.broadcast %div3A_62 : vector<1x1024xf32> to vector<512x1024xf32>
    %mul3A_69 = arith.mulf %mul3A_67, %mul3A_68 : vector<512x1024xf32>
    %reduce_sum3A_70 = arith.constant dense<0.000000e+00> : vector<512xf32>
    %reduce_sum3A_71 = vector.multi_reduction <add>, %mul3A_69, %reduce_sum3A_70 [1] : vector<512x1024xf32> to vector<512xf32>
    %broadcast_in_dim3A_72 = vector.shape_cast %reduce_sum3A_71 : vector<512xf32> to vector<512x1xf32>
    %sqrt3A_73 = math.sqrt %broadcast_in_dim3A_72 : vector<512x1xf32>
    %mul3A_74 = arith.mulf %sub3A_66, %sub3A_66 : vector<512x1024xf32>
    %mul3A_75 = vector.broadcast %div3A_62 : vector<1x1024xf32> to vector<512x1024xf32>
    %mul3A_76 = arith.mulf %mul3A_74, %mul3A_75 : vector<512x1024xf32>
    %reduce_sum3A_77 = arith.constant dense<0.000000e+00> : vector<512xf32>
    %reduce_sum3A_78 = vector.multi_reduction <add>, %mul3A_76, %reduce_sum3A_77 [1] : vector<512x1024xf32> to vector<512xf32>
    %broadcast_in_dim3A_79 = vector.shape_cast %reduce_sum3A_78 : vector<512xf32> to vector<512x1xf32>
    %sqrt3A_80 = math.sqrt %broadcast_in_dim3A_79 : vector<512x1xf32>
    %sub3A_81 = arith.subf %sqrt3A_73, %sqrt3A_80 : vector<512x1xf32>
    %add3A_82 = arith.constant 1.000000e+00 : f32
    %add3A_83 = vector.broadcast %add3A_82 : f32 to vector<512x1xf32>
    %add3A_84 = arith.addf %sub3A_81, %add3A_83 : vector<512x1xf32>
    %max3A_85 = arith.constant 0.000000e+00 : f32
    %max3A_86 = vector.broadcast %max3A_85 : f32 to vector<512x1xf32>
    %max3A_87 = arith.maximumf %add3A_84, %max3A_86 : vector<512x1xf32>
    %reduce_sum3A_88 = vector.shape_cast %max3A_87 : vector<512x1xf32> to vector<1x512x1xf32>
    %reduce_sum3A_89 = arith.constant dense<0.000000e+00> : vector<1xf32>
    %reduce_sum3A_90 = vector.multi_reduction <add>, %reduce_sum3A_88, %reduce_sum3A_89 [1, 2] : vector<1x512x1xf32> to vector<1xf32>
    %reduce_sum3A_91 = vector.shape_cast %reduce_sum3A_90 : vector<1xf32> to vector<1x1x1xf32>
    %reduce_sum3A_92 = vector.extract %reduce_sum3A_91[0, 0, 0] : f32 from vector<1x1x1xf32>
    %add3A_93 = arith.addf %add3A_43, %reduce_sum3A_92 : f32
    %get3A_94 = arith.constant 0 : index
    %get3A_95 = memref.load %arg6[%get3A_94] : memref<1xf32, #tpu.memory_space<smem>>
    %add3A_96 = arith.addf %get3A_95, %add3A_93 : f32
    %swap3A = arith.constant 0 : index
    %swap3A_97 = memref.load %arg6[%swap3A] : memref<1xf32, #tpu.memory_space<smem>>
    memref.store %add3A_96, %arg6[%swap3A] : memref<1xf32, #tpu.memory_space<smem>>
    %eq3A_98 = arith.constant 3 : i32
    %eq3A_99 = arith.cmpi eq, %arg0, %eq3A_98 : i32
    %convert_element_type3A_100 = arith.extui %eq3A_99 : i1 to i32
    %cond3A_101 = arith.constant 0 : i32
    %cond3A_102 = arith.cmpi ne, %convert_element_type3A_100, %cond3A_101 : i32
    scf.if %cond3A_102 {
      %get3A_103 = arith.constant 0 : index
      %get3A_104 = memref.load %arg6[%get3A_103] : memref<1xf32, #tpu.memory_space<smem>>
      %div3A_105 = arith.constant 2.048000e+03 : f32
      %div3A_106 = arith.divf %get3A_104, %div3A_105 : f32
      %swap3A_107 = arith.constant 0 : index
      %swap3A_108 = memref.load %arg5[%swap3A_107] : memref<1xf32, #tpu.memory_space<smem>>
      memref.store %div3A_106, %arg5[%swap3A_107] : memref<1xf32, #tpu.memory_space<smem>>
    } else {
    }
    return
  }
  func.func @transform_0(%arg0: i32) -> (i32, i32) {
    %c0_i32 = arith.constant 0 : i32
    %c0_i32_0 = arith.constant 0 : i32
    %c0_i32_1 = arith.constant 0 : i32
    return %c0_i32, %c0_i32_0 : i32, i32
  }
  func.func @transform_1(%arg0: i32) -> (i32, i32) {
    %c0_i32 = arith.constant 0 : i32
    %c0_i32_0 = arith.constant 0 : i32
    %c0_i32_1 = arith.constant 0 : i32
    return %c0_i32, %c0_i32_0 : i32, i32
  }
  func.func @transform_2(%arg0: i32) -> (i32, i32, i32) {
    %c0_i32 = arith.constant 0 : i32
    %c0_i32_0 = arith.constant 0 : i32
    %c0_i32_1 = arith.constant 0 : i32
    return %c0_i32, %arg0, %c0_i32_0 : i32, i32, i32
  }
  func.func @transform_3(%arg0: i32) -> (i32, i32, i32) {
    %c0_i32 = arith.constant 0 : i32
    %c0_i32_0 = arith.constant 0 : i32
    %c0_i32_1 = arith.constant 0 : i32
    return %c0_i32, %arg0, %c0_i32_0 : i32, i32, i32
  }
  func.func @transform_4(%arg0: i32) -> i32 {
    %c0_i32 = arith.constant 0 : i32
    %c0_i32_0 = arith.constant 0 : i32
    return %c0_i32 : i32
  }
}

</mosaic_0001>

<sc_bundles>
// kernel: kernel.5.cloned.1.call-start
scs
__scs_entry_jumppad:
0x0: {  	(pc) =	sbr.rel $0x88, $3  }
0x1: {  	(tag) =	ssettag $0x0;
	lr =	simm.s32 $0x1  }
0x2: {  	[smem:$0x3F9A] =	sst lr;
	_ =	strace $0xD0000000  }
0x3: {  	_ = 	snop  }
0x4: {  	_ = 	snop  }
0x5: {  	_ = 	snop  }
0x6: {  	_ = 	snop  }
0x7: {  	_ = 	snop  }
__scs_overlays_trampoline_lowered:
0x8: {  	[smem:$0x3FA9] =	sst s0  }
0x9: {  	[smem:$0x3FAA] =	sst s1  }
0xa: {  	[smem:$0x3FAB] =	sst s2  }
0xb: {  	[smem:$0x3FAC] =	sst s3  }
0xc: {  	[smem:$0x3FAD] =	sst s4  }
0xd: {  	[smem:$0x3FAE] =	sst s5  }
0xe: {  	[smem:$0x3FAF] =	sst s6  }
0xf: {  	[smem:$0x3FB0] =	sst s7  }
0x10: {  	[smem:$0x3FB1] =	sst s8  }
0x11: {  	[smem:$0x3FB2] =	sst s9;
	s0 =	simm.s32 @!p0 $0x0  }
0x12: {  	s1 =	sld [smem:$0x3F98];
	s0 =	simm.s32 @p0 $0x1  }
0x13: {  	[smem:$0x3FB3] =	sst s0;
	s0 =	simm.s32 @!p1 $0x0  }
0x14: {  	s2 =	sld [smem:$0x3F97];
	s0 =	simm.s32 @p1 $0x1  }
0x15: {  	[smem:$0x3FB4] =	sst s0;
	s0 =	simm.s32 @!p2 $0x0  }
0x16: {  	s3 =	sld [smem:$0x3FDB];
	s0 =	simm.s32 @p2 $0x1  }
0x17: {  	s4 =	simm.s32 $0x1BF5;
	[smem:$0x3FB6] =	sst s0  }
0x18: {  	s0 =	sld [smem:$0x3F99];
	_ =	swait.ge [sflag:s4], $0x0  }
0x19: {  	s7 =	sld [smem:$0x3F9A]  }
0x1a: {  	s8 =	sadd.s32 $0xFFFFE003, lr  }
0x1b: {  	s9 =	sadd.s32 $0xFFFFFEF7, lr;
	s5 =	simm.s32 $0xFFFFFFFF;
	p2 =	slt.u32 s8, $0xFFFFF086  }
0x1c: {  	p1 =	slt.u32 s9, $0xF7A;
	s5 =	simm.s32 @!p2 $0x0  }
0x1d: {  	s5 =	simm.s32 @p1 $0x1;
	p0 =	seq.s32 s7, s2  }
0x1e: {  	s7 =	smul.u32 @!p0 $0xF7A, s2;
	p2 =	seq.s32 @!p0 s5, $0x0  }
0x1f: {  	s9 =	smul.u32 $0xF7A, s1;
	s8 =	simm.s32 @!p0 $0x1BF5;
	p2 =	por !p2, p0  }
0x20: {  	[sflag:s8] =	ssyncset.s32 @!p0 $0xFFFFF086;
	s6 =	sadd.s32 @!p0 s3, s7;
	s7 =	simm.s32 @!p0 $0x108  }
0x21: {  	s3 =	sadd.s32 s3, s9;
	s6 =	sadd.s32 @!p0 $0x88, s6;
	s7 =	simm.s32 @p2 $0x1082  }
0x22: {  	[simem:s7], [sflag:s8] =	dma.local @!p0 [hbm:s6], $0xF7A  }
0x23: {  	s9 =	sor.u32 $0xD0000000, s2;
	s6 =	simm.s32 $0x108;
	_ =	swait.ge @!p0 [sflag:s8], $0x0  }
0x24: {  	s3 =	sadd.s32 $0x88, s3;
	s6 =	simm.s32 @!p1 $0x1082;
	[sflag:s4] =	ssyncset.s32 $0xFFFFF086  }
0x25: {  	[simem:s6], [sflag:s4] =	dma.local [hbm:s3], $0xF7A  }
0x26: {  	[smem:$0x3F9A] =	sst s1;
	(tag) =	ssettag s2;
	_ =	strace s9  }
0x27: {  	s1 =	sld [smem:$0x3FAA]  }
0x28: {  	s2 =	sld [smem:$0x3FAB]  }
0x29: {  	s4 =	sld [smem:$0x3FAD]  }
0x2a: {  	p0 =	seq.s32 s5, $0x0;
	s5 =	sld [smem:$0x3FAE]  }
0x2b: {  	s6 =	sld [smem:$0x3FAF]  }
0x2c: {  	s7 =	sld [smem:$0x3FB0]  }
0x2d: {  	s3 =	simm.s32 $0x108;
	s8 =	sld [smem:$0x3FB1]  }
0x2e: {  	s3 =	simm.s32 @!p0 $0x1082;
	s9 =	sld [smem:$0x3FB2]  }
0x2f: {  	lr =	sadd.s32 s0, s3;
	s0 =	sld [smem:$0x3FA9]  }
0x30: {  	s3 =	sld [smem:$0x3FAC]  }
0x31: {  	[smem:$0x3FB5] =	sst s10  }
0x32: {  	s10 =	sld [smem:$0x3FB3];
	_ =	sdelay $0x3  }
0x33: {  	p0 =	seq.s32 s10, $0x1;
	s10 =	sld [smem:$0x3FB5];
	_ =	sdelay $0x3  }
0x34: {  	[smem:$0x3FB5] =	sst s10  }
0x35: {  	s10 =	sld [smem:$0x3FB4];
	_ =	sdelay $0x3  }
0x36: {  	p1 =	seq.s32 s10, $0x1;
	s10 =	sld [smem:$0x3FB5];
	_ =	sdelay $0x3  }
0x37: {  	[smem:$0x3FB5] =	sst s10  }
0x38: {  	s10 =	sld [smem:$0x3FB6]  }
0x39: {  	_ = 	snop;
	(pc) =	sbr.ind lr, $3  }
0x3a: {  	_ = 	snop  }
0x3b: {  	_ = 	snop  }
0x3c: {  	p2 =	seq.s32 s10, $0x1;
	s10 =	sld [smem:$0x3FB5]  }
0x3d: {  	_ =	shalt  }
0x3e: {  	_ =	shalt  }
0x3f: {  	_ =	shalt  }
0x40: {  	_ =	shalt  }
0x41: {  	_ =	shalt  }
0x42: {  	_ =	shalt  }
0x43: {  	_ =	shalt  }
0x44: {  	_ =	shalt  }
0x45: {  	_ =	shalt  }
0x46: {  	_ =	shalt  }
0x47: {  	_ =	shalt  }
0x48: {  	_ =	shalt  }
0x49: {  	_ =	shalt  }
0x4a: {  	_ =	shalt  }
0x4b: {  	_ =	shalt  }
0x4c: {  	_ =	shalt  }
0x4d: {  	_ =	shalt  }
0x4e: {  	_ =	shalt  }
0x4f: {  	_ =	shalt  }
0x50: {  	_ =	shalt  }
0x51: {  	_ =	shalt  }
0x52: {  	_ =	shalt  }
0x53: {  	_ =	shalt  }
0x54: {  	_ =	shalt  }
0x55: {  	_ =	shalt  }
0x56: {  	_ =	shalt  }
0x57: {  	_ =	shalt  }
0x58: {  	_ =	shalt  }
0x59: {  	_ =	shalt  }
0x5a: {  	_ =	shalt  }
0x5b: {  	_ =	shalt  }
0x5c: {  	_ =	shalt  }
0x5d: {  	_ =	shalt  }
0x5e: {  	_ =	shalt  }
0x5f: {  	_ =	shalt  }
0x60: {  	_ =	shalt  }
0x61: {  	_ =	shalt  }
0x62: {  	_ =	shalt  }
0x63: {  	_ =	shalt  }
0x64: {  	_ =	shalt  }
0x65: {  	_ =	shalt  }
0x66: {  	_ =	shalt  }
0x67: {  	_ =	shalt  }
0x68: {  	_ =	shalt  }
0x69: {  	_ =	shalt  }
0x6a: {  	_ =	shalt  }
0x6b: {  	_ =	shalt  }
0x6c: {  	_ =	shalt  }
0x6d: {  	_ =	shalt  }
0x6e: {  	_ =	shalt  }
0x6f: {  	_ =	shalt  }
0x70: {  	_ =	shalt  }
0x71: {  	_ =	shalt  }
0x72: {  	_ =	shalt  }
0x73: {  	_ =	shalt  }
0x74: {  	_ =	shalt  }
0x75: {  	_ =	shalt  }
0x76: {  	_ =	shalt  }
0x77: {  	_ =	shalt  }
0x78: {  	_ =	shalt  }
0x79: {  	_ =	shalt  }
0x7a: {  	_ =	shalt  }
0x7b: {  	_ =	shalt  }
0x7c: {  	_ =	shalt  }
0x7d: {  	_ =	shalt  }
0x7e: {  	_ =	shalt  }
0x7f: {  	_ =	shalt  }
0x80: {  	_ =	shalt  }
0x81: {  	_ =	shalt  }
0x82: {  	_ =	shalt  }
0x83: {  	_ =	shalt  }
0x84: {  	_ =	shalt  }
0x85: {  	_ =	shalt  }
0x86: {  	_ =	shalt  }
0x87: {  	_ =	shalt  }
.Lfunc_end0:
.L_simem_size_0:
called_computation_lowered:
.L_overlay_start_0:
0x88: {  	s0 =	sld [smem:$0x3FD9]  }
0x89: {  	s1 =	sld [smem:$0x3FFE];
	_ =	sdelay $0x3  }
0x8a: {  	s0 =	sadd.s32 s1, s0  }
0x8b: {  	[smem:$0x3FC1] =	sst s0  }
0x8c: {  	_ = 	snop  }
0x8d: {  	s0 =	sld [smem:$0x3FC9]  }
0x8e: {  	s16 =	sld [smem:$0x3FC8]  }
0x8f: {  	s2 =	sld [smem:$0x3FC7];
	(tm) =	ssettm $0x1  }
0x90: {  	s3 =	sld [smem:$0x3FFB];
	_ =	sdelay $0x3  }
0x91: {  	_ =	strace s3  }
0x92: {  	s3 =	sld [smem:$0x3FFC];
	_ =	sdelay $0x3  }
0x93: {  	_ =	strace s3  }
0x94: {  	s3 =	sld [smem:$0x3FFD];
	_ =	sdelay $0x3  }
0x95: {  	_ =	strace s3  }
0x96: {  	_ =	strace $0x8FFFFFFF  }
0x97: {  	s17 =	sld [smem:$0x3FDB];
	_ =	sdelay $0x1  }
0x98: {  	s4 =	simm.s32 $_scs_section_size  }
0x99: {  	s5 =	simm.s32 $_size__tile_overlayer_lowered;
	s6 =	simm.s32 $_tile_overlayer_lowered  }
0x9a: {  	s20 =	simm.s32 $0x1BFF;
	s19 =	sshll.u32 s6, $0x1;
	s3 =	sadd.s32 s4, s17  }
0x9b: {  	s7 =	simm.s32 $0x0;
	s18 =	sshll.u32 s5, $0x1;
	s5 =	sadd.s32 s19, s3  }
0x9c: {  	[timem:s7], [sflag:s20] =	dma.local [hbm:s5], s18  }
0x9d: {  	_ =	swait.ge [sflag:s20], s18  }
0x9e: {  	s4 =	ssub.s32 $0x0, s18;
	[sflag:s20] =	ssyncset.done $0x0  }
0x9f: {  	[sflag:s20] =	ssyncadd.s32 s4;
	_ =	sdelay $0x1  }
0xa0: {  	s21 =	simm.s32 $0x1B8B  }
0xa1: {  	_ =	swait.ge [sflag:s21], $0x1  }
0xa2: {  	[sflag:s21] =	ssyncset.done $0x0  }
0xa3: {  	s23 =	simm.s32 $0x1B8E;
	s22 =	sld [smem:$0x3FFE];
	[sflag:s21] =	ssyncadd.s32 $0xFFFFFFFF  }
0xa4: {  	s24 =	simm.s32 $execute0_lowered;
	[smem:$0x3FD2] =	sst s23  }
0xa5: {  	s5 =	sshll.u32 s24, $0x1;
	_ =	strace $0x80000046;
	[dreg:$0x1] =	wrdreg $0xFFFFFFFF  }
0xa6: {  	s25 =	simm.s32 $_size_execute0_lowered;
	s3 =	sadd.s32 s3, s5;
	[dreg:$0x0] =	wrdreg $0x0  }
0xa7: {  	s5 =	sshll.u32 s25, $0x1;
	[dreg:$0x2] =	wrdreg s3  }
0xa8: {  	[dreg:$0x3] =	wrdreg s5  }
0xa9: {  	[dreg:$0x4] =	wrdreg $0xC0  }
0xaa: {  	_ =	task [dreg:s7], $0x5FFFF  }
0xab: {  	[dreg:$0x1] =	wrdreg $0xFFFFFFFF  }
0xac: {  	[dreg:$0x0] =	wrdreg $0x60  }
0xad: {  	[dreg:$0x2] =	wrdreg s0  }
0xae: {  	[dreg:$0x3] =	wrdreg s16  }
0xaf: {  	[dreg:$0x4] =	wrdreg s2  }
0xb0: {  	[dreg:$0x5] =	wrdreg s22  }
0xb1: {  	[dreg:$0x6] =	wrdreg $0x9  }
0xb2: {  	_ =	task.clear_ibuf [dreg:s7], $0x7FFFF;
	_ =	strace $0x90000046  }
0xb3: {  	s26 =	simm.s32 $0x9;
	_ =	strace $0x80000048  }
0xb4: {  	_ =	swait.ge [sflag:s26], $0x1  }
0xb5: {  	[sflag:s26] =	ssyncadd.s32 $0xFFFFFFFF  }
0xb6: {  	_ =	strace $0x90000048  }
0xb7: {  	_ =	sfence  }
0xb8: {  	s28 =	sld [smem:$0x0];
	_ =	sdelay $0x1  }
0xb9: {  	s29 =	srdreg.scid  }
0xba: {  	s30 =	sshll.u32 s29, $0xD;
	s31 =	sshrl.u32 s29, $0x2  }
0xbb: {  	s1 =	sand.u32 $0x1, s29;
	s2 =	sand.u32 $0x4000, s30;
	s0 =	sadd.s32 s31, s28  }
0xbc: {  	s1 =	sor.u32 s2, s1;
	s0 =	sshll.u32 s0, $0x11  }
0xbd: {  	s0 =	sor.u32 s0, s1  }
0xbe: {  	s0 =	sadd.s32 $0x8F2B, s0  }
0xbf: {  	[sflag:s0] =	ssyncadd.remote.s32 $0x1  }
0xc0: {  	_ =	sfence.sel $0xFFFF  }
0xc1: {  	[dreg:$0x0] =	wrdreg $0xFFFFFFFF;
	(pc) =	sbr.abs _section_cstart, $3  }
0xc2: {  	[dreg:$0x1] =	wrdreg $0xFFFFFFFF  }
0xc3: {  	_ =	task.clear_ibuf [dreg:s7], $0x2FFFF;
	_ =	strace $0x9FFFFFFF  }
0xc4: {  	(tm) =	ssettm $0x7FFFFFFF  }
0xc5: {  	_ =	shalt  }
tec
execute0_lowered:
.L_overlay_start_1:
0x0: {  	(tag) =	ssettag $0x1  }
0x1: {  	s2 =	rddreg [dreg:$0x0]  }
0x2: {  	s5 =	rddreg [dreg:$0x1]  }
0x3: {  	s3 =	rddreg [dreg:$0x2];
	s1 =	stileid.u32  }
0x4: {  	s7 =	rddreg [dreg:$0x3];
	s4 =	sshll.u32 s1, $0xB;
	s8 =	sshll.u32 s1, $0x6  }
0x5: {  	s0 =	rddreg [dreg:$0x4];
	s6 =	simm.s32 $0x0;
	s4 =	sor.u32 s8, s4  }
0x6: {  	s22 =	simm.s32 $0x200;
	[smem:$0x7FF] =	sst s6;
	s4 =	sand.u32 $0x7040, s4  }
0x7: {  	s9 =	simm.s32 $0x400;
	_ =	strace $0x80000047;
	s2 =	sadd.s32 s2, s4  }
0x8: {  	[tilespmem:s6], [sflag:$0x1] =	stream.strided.gather [hbm4b:s2+s22], $0x4000, s9, s22, $0x38;
	[tilespmem:$0x8080] =	vst v63  }
0x9: {  	s24 =	simm.s32 $0x4000;
	s25 =	simm.s32 $0x1;
	s23 =	sadd.s32 s5, s4  }
0xa: {  	[tilespmem:s24], [sflag:$0x2] =	stream.strided.gather [hbm4b:s23+s22], $0x4000, s9, s22, $0x38;
	[tilespmem:$0x8080] =	vst v63  }
0xb: {  	_ =	swait.ge [sflag:s25], $0x4000  }
0xc: {  	s26 =	sand.u32 $0x40, s6;
	s6 =	sand.u32 $0x3E00, s6;
	[sflag:s25] =	ssyncset.done $0x0  }
0xd: {  	s28 =	sor.u32 s26, s6;
	[sflag:s25] =	ssyncadd.s32 $0xFFFFC000  }
0xe: {  	v1 =	vld [tilespmem:s28+$0x30]  }
0xf: {  	v2 =	vld [tilespmem:s28+$0x0]  }
0x10: {  	v3 =	vld [tilespmem:s28+$0x10]  }
0x11: {  	v10 =	vld [tilespmem:s28+$0x20]  }
0x12: {  	s29 =	simm.s32 $0x40;
	s5 =	simm.s32 $0x100  }
0x13: {  	v6 =	vimm.f32 $-Inf;
	s30 =	sand.u32 $0x40, s29;
	s31 =	sand.u32 $0x3E00, s5  }
0x14: {  	v0 =	vimm.f32 $0.0e+00;
	s6 =	sor.u32 s30, s31;
	v9 =	vmul.f32 v1, v1;
	v12 =	vmul.f32 v2, v2  }
0x15: {  	v7 =	vld [tilespmem:s6+$0x30];
	v4 =	vmax.f32 v6, v1;
	v5 =	vmax.f32 v6, v2;
	v1 =	vmax.f32 v6, v3  }
0x16: {  	v8 =	vld [tilespmem:s6+$0x0];
	v11 =	vmul.f32 v3, v3;
	v6 =	vmax.f32 v6, v10;
	v2 =	vadd.f32 v9, v0  }
0x17: {  	s2 =	sadd.s32 $0xE00, s7;
	s7 =	simm.s32 $0x80;
	v3 =	vadd.f32 v12, v0;
	v9 =	vld [tilespmem:s6+$0x10];
	v12 =	vmul.f32 v10, v10;
	v10 =	vimm.f32 $0.0e+00  }
.LBB2_1:
0x18: {  	s8 =	sand.u32 $0x40, s7;
	v13 =	vld [tilespmem:s6+$0x20];
	s5 =	sadd.s32 $0x100, s5;
	v0 =	vadd.f32 v11, v0;
	p0 =	sne.s32 s7, $0xFC0  }
.Ltmp0:
0x19: {  	s7 =	sadd.s32 $0x40, s7;
	s6 =	sand.u32 $0x3E00, s5;
	v10 =	vadd.f32 v12, v10;
	(pc) =	sbr.rel @p0 .LBB2_1-.Ltmp0, $4  }
0x1a: {  	s6 =	sor.u32 s8, s6;
	v4 =	vmax.f32 v4, v7;
	v12 =	vmul.f32 v7, v7  }
0x1b: {  	v7 =	vld [tilespmem:s6+$0x30];
	v5 =	vmax.f32 v5, v8;
	v14 =	vmul.f32 v8, v8  }
0x1c: {  	v8 =	vld [tilespmem:s6+$0x0];
	v1 =	vmax.f32 v1, v9;
	v11 =	vmul.f32 v9, v9;
	v2 =	vadd.f32 v12, v2  }
0x1d: {  	v9 =	vld [tilespmem:s6+$0x10];
	v3 =	vadd.f32 v14, v3;
	v6 =	vmax.f32 v6, v13;
	v12 =	vmul.f32 v13, v13  }
0x1e: {  	_ = 	snop  }
0x1f: {  	v13 =	vld [tilespmem:s6+$0x20]  }
0x20: {  	v0 =	vadd.f32 v11, v0;
	v11 =	vimm.s32 $0xFEDCBA98;
	v10 =	vadd.f32 v12, v10  }
0x21: {  	v4 =	vmax.f32 v4, v7;
	v7 =	vmul.f32 v7, v7;
	v5 =	vmax.f32 v5, v8  }
0x22: {  	v8 =	vmul.f32 v8, v8;
	v1 =	vmax.f32 v1, v9;
	v9 =	vmul.f32 v9, v9  }
0x23: {  	v2 =	vadd.f32 v7, v2;
	v7 =	vunpack.c.l.s4.s8 v11;
	v11 =	vimm.s32 $0x76543210  }
0x24: {  	v3 =	vadd.f32 v8, v3;
	v6 =	vmax.f32 v6, v13;
	v8 =	vmul.f32 v13, v13  }
0x25: {  	v0 =	vadd.f32 v9, v0;
	v9 =	vunpack.c.l.s4.s8 v11;
	v7 =	vunpack.c.0.s8.s32 v7  }
0x26: {  	v1 =	vmax.f32 v5, v1;
	v4 =	vmax.f32 v6, v4;
	v8 =	vadd.f32 v8, v10  }
0x27: {  	v5 =	vunpack.c.0.s8.s32 v9;
	v6 =	vand.u32 $0xF, v7;
	v7 =	vimm.s32 $0xBA98FEDC  }
0x28: {  	v9 =	vimm.s32 $0x32107654;
	v0 =	vadd.f32 v0, v3;
	v2 =	vadd.f32 v2, v8  }
0x29: {  	v3 =	vcombine.low v6, v5;
	v5 =	vunpack.c.l.s4.s8 v7;
	v6 =	vunpack.c.l.s4.s8 v9  }
0x2a: {  	v1 =	vmax.f32 v1, v4  }
0x2b: {  	v0 =	vadd.f32 v2, v0;
	v4 =	vunpack.c.0.s8.s32 v5;
	v5 =	vunpack.c.0.s8.s32 v6  }
0x2c: {  	v7 =	vimm.s32 $0x54761032;
	v2 =	vperm.xlane v1, v3  }
0x2d: {  	v6 =	vimm.s32 $0xDCFE98BA;
	v3 =	vperm.xlane v0, v3;
	v4 =	vcombine.low v5, v4  }
0x2e: {  	s5 =	simm.s32 $0x0;
	v5 =	vunpack.c.l.s4.s8 v6;
	v6 =	vunpack.c.l.s4.s8 v7  }
0x2f: {  	s30 =	sand.u32 $0x40, s5;
	s5 =	sand.u32 $0x3E00, s5;
	v1 =	vmax.f32 v1, v2;
	v0 =	vadd.f32 v3, v0;
	v2 =	vand.u32 $0xF, v4  }
0x30: {  	s5 =	sor.u32 s30, s5;
	v3 =	vunpack.c.0.s8.s32 v5;
	v4 =	vunpack.c.0.s8.s32 v6;
	v5 =	vimm.s32 $0xEFCDAB89  }
0x31: {  	v10 =	vld [tilespmem:s5+$0x90];
	v6 =	vimm.s32 $0x67452301;
	v7 =	vperm.xlane v0, v2;
	v2 =	vperm.xlane v1, v2  }
0x32: {  	v3 =	vcombine.low v4, v3;
	v4 =	vunpack.c.l.s4.s8 v5;
	v5 =	vunpack.c.l.s4.s8 v6;
	v6 =	vld [tilespmem:s5+$0xB0]  }
0x33: {  	v0 =	vadd.f32 v7, v0;
	v2 =	vmax.f32 v1, v2;
	v7 =	vld [tilespmem:s5+$0x80]  }
0x34: {  	v14 =	vld [tilespmem:s5+$0xA0];
	v3 =	vand.u32 $0xF, v3;
	v4 =	vunpack.c.0.s8.s32 v4;
	v5 =	vunpack.c.0.s8.s32 v5  }
0x35: {  	v16 =	vimm.f32 $-Inf;
	v1 =	vperm.xlane v0, v3;
	v3 =	vperm.xlane v2, v3  }
0x36: {  	s31 =	simm.s32 $0x40;
	v15 =	vmul.f32 v10, v10;
	s5 =	simm.s32 $0x100;
	v4 =	vcombine.low v5, v4;
	v5 =	vimm.f32 $0.0e+00  }
0x37: {  	s6 =	sand.u32 $0x40, s31;
	s7 =	sand.u32 $0x3E00, s5;
	v1 =	vadd.f32 v1, v0;
	v0 =	vmax.f32 v2, v3;
	v8 =	vmax.f32 v16, v6  }
0x38: {  	s6 =	sor.u32 s6, s7;
	v3 =	vand.u32 $0xF, v4;
	v4 =	vmul.f32 v6, v6;
	v13 =	vmul.f32 v7, v7  }
0x39: {  	v11 =	vld [tilespmem:s6+$0xB0];
	v9 =	vmax.f32 v16, v7;
	v7 =	vmax.f32 v16, v10;
	v6 =	vmax.f32 v16, v14  }
0x3a: {  	v12 =	vld [tilespmem:s6+$0x80];
	v16 =	vmul.f32 v14, v14;
	v14 =	vimm.f32 $0.0e+00;
	v2 =	vperm.xlane v0, v3  }
0x3b: {  	s7 =	simm.s32 $0x80;
	v3 =	vperm.xlane v1, v3;
	v10 =	vadd.f32 v4, v5;
	v4 =	vadd.f32 v13, v5;
	v13 =	vld [tilespmem:s6+$0x90]  }
.LBB2_3:
0x3c: {  	s8 =	sand.u32 $0x40, s7;
	v17 =	vld [tilespmem:s6+$0xA0];
	s5 =	sadd.s32 $0x100, s5;
	v5 =	vadd.f32 v15, v5;
	p0 =	sne.s32 s7, $0xFC0  }
.Ltmp1:
0x3d: {  	s7 =	sadd.s32 $0x40, s7;
	s6 =	sand.u32 $0x3E00, s5;
	v14 =	vadd.f32 v16, v14;
	(pc) =	sbr.rel @p0 .LBB2_3-.Ltmp1, $4  }
0x3e: {  	s6 =	sor.u32 s8, s6;
	v8 =	vmax.f32 v8, v11;
	v16 =	vmul.f32 v11, v11  }
0x3f: {  	v11 =	vld [tilespmem:s6+$0xB0];
	v9 =	vmax.f32 v9, v12;
	v18 =	vmul.f32 v12, v12  }
0x40: {  	v12 =	vld [tilespmem:s6+$0x80];
	v7 =	vmax.f32 v7, v13;
	v15 =	vmul.f32 v13, v13;
	v10 =	vadd.f32 v16, v10  }
0x41: {  	v13 =	vld [tilespmem:s6+$0x90];
	v4 =	vadd.f32 v18, v4;
	v6 =	vmax.f32 v6, v17;
	v16 =	vmul.f32 v17, v17  }
0x42: {  	v17 =	vld [tilespmem:s6+$0xA0]  }
0x43: {  	v5 =	vadd.f32 v15, v5  }
0x44: {  	v14 =	vadd.f32 v16, v14;
	v8 =	vmax.f32 v8, v11;
	v11 =	vmul.f32 v11, v11  }
0x45: {  	v16 =	vimm.s32 $0x76543210;
	v9 =	vmax.f32 v9, v12;
	v12 =	vmul.f32 v12, v12  }
0x46: {  	v7 =	vmax.f32 v7, v13;
	v10 =	vadd.f32 v11, v10;
	v11 =	vimm.s32 $0xFEDCBA98  }
0x47: {  	v13 =	vmul.f32 v13, v13;
	v15 =	vmul.f32 v17, v17;
	v11 =	vunpack.c.l.s4.s8 v11  }
0x48: {  	v4 =	vadd.f32 v12, v4;
	v6 =	vmax.f32 v6, v17;
	v12 =	vunpack.c.l.s4.s8 v16  }
0x49: {  	v7 =	vmax.f32 v9, v7;
	v5 =	vadd.f32 v13, v5;
	v11 =	vunpack.c.0.s8.s32 v11  }
0x4a: {  	v6 =	vmax.f32 v6, v8;
	v13 =	vadd.f32 v15, v14;
	v8 =	vunpack.c.0.s8.s32 v12  }
0x4b: {  	v12 =	vimm.s32 $0x32107654;
	v9 =	vand.u32 $0xF, v11;
	v11 =	vimm.s32 $0xBA98FEDC  }
0x4c: {  	v8 =	vcombine.low v9, v8;
	v9 =	vunpack.c.l.s4.s8 v11;
	v11 =	vunpack.c.l.s4.s8 v12  }
0x4d: {  	v6 =	vmax.f32 v7, v6;
	v4 =	vadd.f32 v5, v4;
	v5 =	vadd.f32 v10, v13  }
0x4e: {  	p0 =	por $0x0, $0x0;
	s5 =	simm.s32 $0x1;
	v12 =	vimm.s32 $0x54761032;
	v9 =	vunpack.c.0.s8.s32 v9;
	v10 =	vunpack.c.0.s8.s32 v11  }
0x4f: {  	s5 =	simm.s32 @!p0 $0x0;
	v4 =	vadd.f32 v5, v4;
	v7 =	vperm.xlane v6, v8;
	v11 =	vimm.s32 $0xDCFE98BA  }
0x50: {  	s5 =	sshll.u32 s5, $0x6;
	v5 =	vcombine.low v10, v9;
	v9 =	vunpack.c.l.s4.s8 v11;
	v10 =	vunpack.c.l.s4.s8 v12  }
0x51: {  	s5 =	sadd.s32 $0x0, s5;
	v6 =	vmax.f32 v6, v7;
	v7 =	vperm.xlane v4, v8  }
0x52: {  	s30 =	sor.u32 $0x110, s5;
	v5 =	vand.u32 $0xF, v5;
	v8 =	vunpack.c.0.s8.s32 v9;
	v9 =	vunpack.c.0.s8.s32 v10  }
0x53: {  	s7 =	sor.u32 $0x100, s5;
	v15 =	vld [tilespmem:s30+$0x0];
	v4 =	vadd.f32 v7, v4;
	v10 =	vperm.xlane v6, v5  }
0x54: {  	s29 =	sor.u32 $0x130, s5;
	v13 =	vld [tilespmem:s7+$0x0];
	v7 =	vcombine.low v9, v8;
	v8 =	vimm.s32 $0xEFCDAB89;
	v9 =	vimm.s32 $0x67452301  }
0x55: {  	v11 =	vld [tilespmem:s29+$0x0];
	v5 =	vperm.xlane v4, v5;
	v8 =	vunpack.c.l.s4.s8 v8;
	v9 =	vunpack.c.l.s4.s8 v9  }
0x56: {  	v6 =	vmax.f32 v6, v10;
	v7 =	vand.u32 $0xF, v7  }
0x57: {  	v4 =	vadd.f32 v5, v4;
	v8 =	vunpack.c.0.s8.s32 v8;
	v9 =	vunpack.c.0.s8.s32 v9  }
0x58: {  	p0 =	por !p0, !p0;
	s7 =	simm.s32 $0x1;
	v19 =	vmul.f32 v15, v15;
	v5 =	vperm.xlane v6, v7  }
0x59: {  	s7 =	simm.s32 @!p0 $0x0;
	v7 =	vperm.xlane v4, v7;
	v8 =	vcombine.low v9, v8  }
0x5a: {  	v18 =	vimm.f32 $0.0e+00;
	s5 =	sor.u32 $0x120, s5;
	s31 =	sshll.u32 s7, $0x6;
	v20 =	vmul.f32 v13, v13;
	v17 =	vmul.f32 v11, v11  }
0x5b: {  	s7 =	sadd.s32 $0x100, s31;
	v12 =	vld [tilespmem:s5+$0x0];
	v5 =	vmax.f32 v6, v5;
	v4 =	vadd.f32 v7, v4;
	v6 =	vand.u32 $0xF, v8  }
0x5c: {  	s8 =	sor.u32 $0x130, s7;
	v9 =	vimm.f32 $0.0e+00;
	v8 =	vimm.f32 $-Inf;
	v7 =	vperm.xlane v5, v6  }
0x5d: {  	s6 =	simm.s32 $0x100;
	p0 =	por !p0, !p0;
	s9 =	sor.u32 $0x100, s7;
	v14 =	vld [tilespmem:s8+$0x0];
	v6 =	vperm.xlane v4, v6;
	v10 =	vmax.f32 v8, v11;
	v11 =	vmax.f32 v8, v13  }
0x5e: {  	s5 =	simm.s32 $0x80;
	s8 =	sor.u32 $0x110, s7;
	s7 =	sor.u32 $0x120, s7;
	v16 =	vld [tilespmem:s9+$0x0];
	v13 =	vmax.f32 v8, v15;
	v15 =	vadd.f32 v17, v9;
	v17 =	vimm.f32 $0.0e+00  }
.LBB2_5:
0x5f: {  	s9 =	simm.s32 $0x1  }
0x60: {  	p1 =	sne.s32 s5, $0xFC0;
	s5 =	sadd.s32 $0x40, s5;
	v21 =	vld [tilespmem:s8+$0x0];
	v9 =	vadd.f32 v20, v9;
	v8 =	vmax.f32 v8, v12;
	v20 =	vmul.f32 v12, v12;
	s9 =	simm.s32 @!p0 $0x0  }
.Ltmp2:
0x61: {  	s6 =	sadd.s32 $0x100, s6;
	v17 =	vadd.f32 v19, v17;
	s8 =	sshll.u32 s9, $0x6;
	v12 =	vld [tilespmem:s7+$0x0];
	(pc) =	sbr.rel @p1 .LBB2_5-.Ltmp2, $4  }
0x62: {  	v18 =	vadd.f32 v20, v18;
	s7 =	sadd.s32 s8, s6  }
0x63: {  	v10 =	vmax.f32 v10, v14;
	v22 =	vmul.f32 v14, v14;
	s9 =	sor.u32 $0x100, s7;
	s8 =	sor.u32 $0x110, s7;
	s10 =	sor.u32 $0x130, s7  }
0x64: {  	s7 =	sor.u32 $0x120, s7;
	v11 =	vmax.f32 v11, v16;
	v20 =	vmul.f32 v16, v16;
	v14 =	vld [tilespmem:s10+$0x0]  }
0x65: {  	p0 =	por !p0, !p0;
	v13 =	vmax.f32 v13, v21;
	v19 =	vmul.f32 v21, v21;
	v15 =	vadd.f32 v22, v15;
	v16 =	vld [tilespmem:s9+$0x0]  }
0x66: {  	v21 =	vld [tilespmem:s8+$0x0]  }
0x67: {  	v22 =	vmul.f32 v12, v12;
	v23 =	vld [tilespmem:s7+$0x0]  }
0x68: {  	v9 =	vadd.f32 v20, v9;
	v8 =	vmax.f32 v8, v12;
	v20 =	vimm.s32 $0x76543210  }
0x69: {  	v12 =	vadd.f32 v19, v17;
	v10 =	vmax.f32 v10, v14;
	v14 =	vmul.f32 v14, v14  }
0x6a: {  	v17 =	vadd.f32 v22, v18;
	v11 =	vmax.f32 v11, v16;
	v16 =	vmul.f32 v16, v16  }
0x6b: {  	v13 =	vmax.f32 v13, v21;
	v18 =	vmul.f32 v21, v21;
	v14 =	vadd.f32 v14, v15  }
0x6c: {  	v15 =	vimm.s32 $0xFEDCBA98;
	v19 =	vmul.f32 v23, v23;
	v8 =	vmax.f32 v8, v23  }
0x6d: {  	v15 =	vunpack.c.l.s4.s8 v15;
	v9 =	vadd.f32 v16, v9;
	v16 =	vunpack.c.l.s4.s8 v20  }
0x6e: {  	v11 =	vmax.f32 v11, v13;
	v8 =	vmax.f32 v8, v10;
	v12 =	vadd.f32 v18, v12  }
0x6f: {  	v17 =	vadd.f32 v19, v17;
	v8 =	vmax.f32 v11, v8;
	v15 =	vunpack.c.0.s8.s32 v15  }
0x70: {  	v10 =	vunpack.c.0.s8.s32 v16;
	v16 =	vimm.s32 $0x32107654;
	v9 =	vadd.f32 v12, v9  }
0x71: {  	v11 =	vadd.f32 v14, v17;
	v13 =	vand.u32 $0xF, v15;
	v15 =	vimm.s32 $0xBA98FEDC  }
0x72: {  	v10 =	vcombine.low v13, v10;
	v13 =	vunpack.c.l.s4.s8 v15;
	v15 =	vunpack.c.l.s4.s8 v16  }
0x73: {  	v9 =	vadd.f32 v11, v9  }
0x74: {  	v16 =	vimm.s32 $0x54761032;
	v13 =	vunpack.c.0.s8.s32 v13;
	v14 =	vunpack.c.0.s8.s32 v15  }
0x75: {  	p0 =	por $0x0, $0x0;
	s5 =	simm.s32 $0x1;
	v12 =	vperm.xlane v8, v10;
	v15 =	vimm.s32 $0xDCFE98BA;
	v10 =	vperm.xlane v9, v10  }
0x76: {  	s5 =	simm.s32 @!p0 $0x0;
	v11 =	vcombine.low v14, v13;
	v13 =	vunpack.c.l.s4.s8 v15;
	v14 =	vunpack.c.l.s4.s8 v16  }
0x77: {  	s5 =	sshll.u32 s5, $0x6;
	v8 =	vmax.f32 v8, v12;
	v9 =	vadd.f32 v10, v9  }
0x78: {  	s5 =	sadd.s32 $0x0, s5;
	v11 =	vand.u32 $0xF, v11;
	v12 =	vunpack.c.0.s8.s32 v13;
	v13 =	vunpack.c.0.s8.s32 v14  }
0x79: {  	s29 =	sor.u32 $0x190, s5;
	v14 =	vperm.xlane v8, v11;
	v11 =	vperm.xlane v9, v11  }
0x7a: {  	s6 =	sor.u32 $0x1B0, s5;
	v18 =	vld [tilespmem:s29+$0x0];
	v10 =	vcombine.low v13, v12;
	v12 =	vimm.s32 $0xEFCDAB89;
	v13 =	vimm.s32 $0x67452301  }
0x7b: {  	s28 =	sor.u32 $0x180, s5;
	v15 =	vld [tilespmem:s6+$0x0];
	v12 =	vunpack.c.l.s4.s8 v12;
	v13 =	vunpack.c.l.s4.s8 v13  }
0x7c: {  	v16 =	vld [tilespmem:s28+$0x0];
	v8 =	vmax.f32 v8, v14;
	v11 =	vadd.f32 v11, v9  }
0x7d: {  	v10 =	vand.u32 $0xF, v10;
	v12 =	vunpack.c.0.s8.s32 v12;
	v13 =	vunpack.c.0.s8.s32 v13  }
0x7e: {  	s7 =	simm.s32 $0x1;
	p0 =	por !p0, !p0;
	v9 =	vperm.xlane v8, v10;
	v10 =	vperm.xlane v11, v10  }
0x7f: {  	s7 =	simm.s32 @!p0 $0x0;
	v22 =	vimm.f32 $0.0e+00;
	v12 =	vcombine.low v13, v12  }
0x80: {  	s30 =	sshll.u32 s7, $0x6;
	s5 =	sor.u32 $0x1A0, s5;
	v23 =	vmul.f32 v18, v18;
	v9 =	vmax.f32 v8, v9;
	v8 =	vadd.f32 v10, v11  }
0x81: {  	s7 =	sadd.s32 $0x100, s30;
	v17 =	vld [tilespmem:s5+$0x0];
	v21 =	vmul.f32 v15, v15;
	v24 =	vmul.f32 v16, v16;
	v12 =	vand.u32 $0xF, v12  }
0x82: {  	s9 =	sor.u32 $0x180, s7;
	v11 =	vperm.xlane v9, v12;
	v10 =	vperm.xlane v8, v12;
	v12 =	vimm.f32 $-Inf  }
0x83: {  	p0 =	por !p0, !p0;
	s31 =	sor.u32 $0x1B0, s7;
	s8 =	sor.u32 $0x190, s7;
	v20 =	vld [tilespmem:s9+$0x0];
	v13 =	vimm.f32 $0.0e+00;
	v14 =	vmax.f32 v12, v15;
	v15 =	vmax.f32 v12, v16  }
0x84: {  	s7 =	sor.u32 $0x1A0, s7;
	v19 =	vld [tilespmem:s31+$0x0];
	s5 =	simm.s32 $0x80;
	s6 =	simm.s32 $0x100;
	v16 =	vmax.f32 v12, v18;
	v18 =	vadd.f32 v21, v13;
	v21 =	vimm.f32 $0.0e+00  }
.LBB2_7:
0x85: {  	s9 =	simm.s32 $0x1  }
0x86: {  	p1 =	sne.s32 s5, $0xFC0;
	s5 =	sadd.s32 $0x40, s5;
	v25 =	vld [tilespmem:s8+$0x0];
	v13 =	vadd.f32 v24, v13;
	v12 =	vmax.f32 v12, v17;
	v24 =	vmul.f32 v17, v17;
	s9 =	simm.s32 @!p0 $0x0  }
.Ltmp3:
0x87: {  	s6 =	sadd.s32 $0x100, s6;
	v21 =	vadd.f32 v23, v21;
	s8 =	sshll.u32 s9, $0x6;
	v17 =	vld [tilespmem:s7+$0x0];
	(pc) =	sbr.rel @p1 .LBB2_7-.Ltmp3, $4  }
0x88: {  	v22 =	vadd.f32 v24, v22;
	s7 =	sadd.s32 s8, s6  }
0x89: {  	v14 =	vmax.f32 v14, v19;
	v26 =	vmul.f32 v19, v19;
	s9 =	sor.u32 $0x180, s7;
	s8 =	sor.u32 $0x190, s7;
	s10 =	sor.u32 $0x1B0, s7  }
0x8a: {  	s7 =	sor.u32 $0x1A0, s7;
	v15 =	vmax.f32 v15, v20;
	v24 =	vmul.f32 v20, v20;
	v19 =	vld [tilespmem:s10+$0x0]  }
0x8b: {  	p0 =	por !p0, !p0;
	v16 =	vmax.f32 v16, v25;
	v23 =	vmul.f32 v25, v25;
	v18 =	vadd.f32 v26, v18;
	v20 =	vld [tilespmem:s9+$0x0]  }
0x8c: {  	v25 =	vld [tilespmem:s8+$0x0]  }
0x8d: {  	v26 =	vmul.f32 v17, v17;
	v12 =	vmax.f32 v12, v17;
	v17 =	vld [tilespmem:s7+$0x0]  }
0x8e: {  	v13 =	vadd.f32 v24, v13  }
0x8f: {  	v63 =	vimm.s32 $0xFEDCBA98;
	v21 =	vadd.f32 v23, v21;
	v22 =	vadd.f32 v26, v22  }
0x90: {  	v14 =	vmax.f32 v14, v19;
	v19 =	vmul.f32 v19, v19;
	v15 =	vmax.f32 v15, v20  }
0x91: {  	v20 =	vmul.f32 v20, v20;
	v16 =	vmax.f32 v16, v25;
	v23 =	vmul.f32 v25, v25  }
0x92: {  	v18 =	vadd.f32 v19, v18;
	v19 =	vunpack.c.l.s4.s8 v63;
	v12 =	vmax.f32 v12, v17  }
0x93: {  	v17 =	vmul.f32 v17, v17;
	v13 =	vadd.f32 v20, v13;
	v20 =	vimm.s32 $0x76543210  }
0x94: {  	v15 =	vmax.f32 v15, v16;
	v20 =	vunpack.c.l.s4.s8 v20;
	v19 =	vunpack.c.0.s8.s32 v19  }
0x95: {  	v12 =	vmax.f32 v12, v14;
	v21 =	vadd.f32 v23, v21;
	v17 =	vadd.f32 v17, v22  }
0x96: {  	v14 =	vunpack.c.0.s8.s32 v20;
	v16 =	vand.u32 $0xF, v19;
	v19 =	vimm.s32 $0xBA98FEDC  }
0x97: {  	v20 =	vimm.s32 $0x32107654;
	v13 =	vadd.f32 v21, v13;
	v17 =	vadd.f32 v18, v17  }
0x98: {  	v18 =	vunpack.c.l.s4.s8 v20;
	v14 =	vcombine.low v16, v14;
	v16 =	vunpack.c.l.s4.s8 v19  }
0x99: {  	v12 =	vmax.f32 v15, v12;
	v13 =	vadd.f32 v17, v13  }
0x9a: {  	v19 =	vimm.s32 $0x54761032;
	v17 =	vunpack.c.0.s8.s32 v18;
	v16 =	vunpack.c.0.s8.s32 v16  }
0x9b: {  	v18 =	vimm.s32 $0xDCFE98BA;
	v15 =	vperm.xlane v12, v14;
	v14 =	vperm.xlane v13, v14  }
0x9c: {  	v16 =	vcombine.low v17, v16;
	v17 =	vunpack.c.l.s4.s8 v18;
	v18 =	vunpack.c.l.s4.s8 v19  }
0x9d: {  	v12 =	vmax.f32 v12, v15;
	v13 =	vadd.f32 v14, v13  }
0x9e: {  	v14 =	vand.u32 $0xF, v16;
	v15 =	vunpack.c.0.s8.s32 v17;
	v16 =	vunpack.c.0.s8.s32 v18  }
0x9f: {  	v17 =	vimm.s32 $0xEFCDAB89;
	v18 =	vimm.s32 $0x67452301;
	v19 =	vperm.xlane v13, v14  }
0xa0: {  	s4 =	sadd.s32 s3, s4;
	s5 =	simm.s32 $0x200;
	v15 =	vcombine.low v16, v15;
	v16 =	vunpack.c.l.s4.s8 v17;
	v17 =	vunpack.c.l.s4.s8 v18  }
0xa1: {  	s6 =	simm.s32 $0x400;
	s3 =	simm.s32 $0x0;
	s29 =	simm.s32 $0x2;
	v14 =	vperm.xlane v12, v14;
	v13 =	vadd.f32 v19, v13  }
0xa2: {  	[tilespmem:s3], [sflag:$0x1] =	stream.strided.gather [hbm4b:s4+s5], $0x4000, s6, s5, $0x38;
	v15 =	vand.u32 $0xF, v15;
	v16 =	vunpack.c.0.s8.s32 v16;
	v17 =	vunpack.c.0.s8.s32 v17;
	[tilespmem:$0x8080] =	vst v63  }
0xa3: {  	_ =	swait.ge [sflag:s29], $0x4000;
	v14 =	vmax.f32 v12, v14;
	v12 =	vperm.xlane v13, v15  }
0xa4: {  	s30 =	sand.u32 $0x40, s3;
	s31 =	sand.u32 $0x3E00, s3;
	[sflag:s29] =	ssyncset.done $0x0;
	v15 =	vperm.xlane v14, v15;
	v16 =	vcombine.low v17, v16  }
0xa5: {  	s4 =	sor.u32 s30, s31;
	[sflag:s29] =	ssyncadd.s32 $0xFFFFC000  }
0xa6: {  	v12 =	vadd.f32 v12, v13;
	v13 =	vmax.f32 v14, v15;
	v14 =	vand.u32 $0xF, v16;
	v16 =	vld [tilespmem:s4+$0x4030]  }
0xa7: {  	v21 =	vimm.f32 $-Inf;
	v20 =	vimm.f32 $-Inf;
	v18 =	vld [tilespmem:s4+$0x4000];
	v19 =	vimm.f32 $-Inf  }
0xa8: {  	s5 =	simm.s32 $0x40;
	v22 =	vld [tilespmem:s4+$0x4010];
	v17 =	vimm.f32 $-Inf;
	v15 =	vperm.xlane v13, v14;
	v14 =	vperm.xlane v12, v14  }
.LBB2_9:
0xa9: {  	s6 =	sand.u32 $0x40, s5;
	v23 =	vld [tilespmem:s4+$0x4020];
	s3 =	sadd.s32 $0x100, s3;
	p0 =	sne.s32 s5, $0xFC0  }
.Ltmp4:
0xaa: {  	s5 =	sadd.s32 $0x40, s5;
	s4 =	sand.u32 $0x3E00, s3;
	(pc) =	sbr.rel @p0 .LBB2_9-.Ltmp4, $4  }
0xab: {  	s4 =	sor.u32 s6, s4;
	v17 =	vmax.f32 v17, v16  }
0xac: {  	v16 =	vld [tilespmem:s4+$0x4030];
	v20 =	vmax.f32 v20, v18  }
0xad: {  	v18 =	vld [tilespmem:s4+$0x4000];
	v21 =	vmax.f32 v21, v22  }
0xae: {  	v22 =	vld [tilespmem:s4+$0x4010];
	v19 =	vmax.f32 v19, v23  }
0xaf: {  	v23 =	vld [tilespmem:s4+$0x4020]  }
0xb0: {  	v24 =	vimm.s32 $0xFEDCBA98  }
0xb1: {  	v25 =	vimm.s32 $0x76543210;
	v24 =	vunpack.c.l.s4.s8 v24  }
0xb2: {  	v16 =	vmax.f32 v17, v16;
	v17 =	vunpack.c.l.s4.s8 v25  }
0xb3: {  	v18 =	vmax.f32 v20, v18;
	v20 =	vmax.f32 v21, v22;
	v21 =	vunpack.c.0.s8.s32 v24  }
0xb4: {  	v17 =	vunpack.c.0.s8.s32 v17;
	v19 =	vmax.f32 v19, v23;
	v18 =	vmax.f32 v18, v20  }
0xb5: {  	v20 =	vimm.s32 $0xBA98FEDC;
	v16 =	vmax.f32 v19, v16;
	v19 =	vand.u32 $0xF, v21  }
0xb6: {  	v17 =	vcombine.low v19, v17;
	v19 =	vunpack.c.l.s4.s8 v20;
	v20 =	vimm.s32 $0x32107654  }
0xb7: {  	v16 =	vmax.f32 v18, v16;
	v18 =	vunpack.c.l.s4.s8 v20  }
0xb8: {  	v21 =	vimm.s32 $0x54761032;
	v20 =	vimm.s32 $0xDCFE98BA;
	v17 =	vperm.xlane v16, v17  }
0xb9: {  	v19 =	vunpack.c.0.s8.s32 v19;
	v20 =	vunpack.c.l.s4.s8 v20;
	v18 =	vunpack.c.0.s8.s32 v18  }
0xba: {  	v21 =	vunpack.c.l.s4.s8 v21  }
0xbb: {  	v16 =	vmax.f32 v16, v17;
	v17 =	vcombine.low v18, v19;
	v18 =	vunpack.c.0.s8.s32 v20  }
0xbc: {  	v19 =	vunpack.c.0.s8.s32 v21;
	v20 =	vimm.s32 $0xEFCDAB89;
	v21 =	vimm.s32 $0x67452301  }
0xbd: {  	v20 =	vunpack.c.l.s4.s8 v20;
	v21 =	vunpack.c.l.s4.s8 v21;
	v17 =	vperm.xlane v16, v17  }
0xbe: {  	s3 =	simm.s32 $0x0;
	v18 =	vcombine.low v19, v18  }
0xbf: {  	s31 =	sand.u32 $0x40, s3;
	s5 =	sand.u32 $0x3E00, s3;
	v19 =	vunpack.c.0.s8.s32 v21;
	v16 =	vmax.f32 v16, v17;
	v17 =	vunpack.c.0.s8.s32 v20  }
0xc0: {  	s4 =	sor.u32 s31, s5;
	v18 =	vperm.xlane v16, v18  }
0xc1: {  	v17 =	vcombine.low v19, v17;
	v19 =	vld [tilespmem:s4+$0x40B0]  }
0xc2: {  	v22 =	vimm.f32 $-Inf;
	v23 =	vimm.f32 $-Inf;
	v20 =	vld [tilespmem:s4+$0x4080];
	v16 =	vmax.f32 v16, v18  }
0xc3: {  	s5 =	simm.s32 $0x40;
	v24 =	vld [tilespmem:s4+$0x4090];
	v21 =	vimm.f32 $-Inf;
	v18 =	vimm.f32 $-Inf;
	v17 =	vperm.xlane v16, v17  }
.LBB2_11:
0xc4: {  	s6 =	sand.u32 $0x40, s5;
	v25 =	vld [tilespmem:s4+$0x40A0];
	s3 =	sadd.s32 $0x100, s3;
	p0 =	sne.s32 s5, $0xFC0  }
.Ltmp5:
0xc5: {  	s5 =	sadd.s32 $0x40, s5;
	s4 =	sand.u32 $0x3E00, s3;
	(pc) =	sbr.rel @p0 .LBB2_11-.Ltmp5, $4  }
0xc6: {  	s4 =	sor.u32 s6, s4;
	v18 =	vmax.f32 v18, v19  }
0xc7: {  	v19 =	vld [tilespmem:s4+$0x40B0];
	v22 =	vmax.f32 v22, v20  }
0xc8: {  	v20 =	vld [tilespmem:s4+$0x4080];
	v23 =	vmax.f32 v23, v24  }
0xc9: {  	v24 =	vld [tilespmem:s4+$0x4090];
	v21 =	vmax.f32 v21, v25  }
0xca: {  	v25 =	vld [tilespmem:s4+$0x40A0]  }
0xcb: {  	v26 =	vimm.s32 $0xFEDCBA98  }
0xcc: {  	v27 =	vimm.s32 $0x76543210;
	v26 =	vunpack.c.l.s4.s8 v26  }
0xcd: {  	v18 =	vmax.f32 v18, v19;
	v19 =	vunpack.c.l.s4.s8 v27  }
0xce: {  	v20 =	vmax.f32 v22, v20;
	v22 =	vmax.f32 v23, v24;
	v23 =	vunpack.c.0.s8.s32 v26  }
0xcf: {  	v19 =	vunpack.c.0.s8.s32 v19;
	v21 =	vmax.f32 v21, v25;
	v20 =	vmax.f32 v20, v22  }
0xd0: {  	v22 =	vimm.s32 $0xBA98FEDC;
	v18 =	vmax.f32 v21, v18;
	v21 =	vand.u32 $0xF, v23  }
0xd1: {  	v19 =	vcombine.low v21, v19;
	v21 =	vunpack.c.l.s4.s8 v22;
	v22 =	vimm.s32 $0x32107654  }
0xd2: {  	v18 =	vmax.f32 v20, v18;
	v20 =	vunpack.c.l.s4.s8 v22  }
0xd3: {  	p0 =	por $0x0, $0x0;
	s3 =	simm.s32 $0x1;
	v23 =	vimm.s32 $0x54761032;
	v22 =	vimm.s32 $0xDCFE98BA;
	v19 =	vperm.xlane v18, v19  }
0xd4: {  	s3 =	simm.s32 @!p0 $0x0;
	v21 =	vunpack.c.0.s8.s32 v21;
	v22 =	vunpack.c.l.s4.s8 v22;
	v20 =	vunpack.c.0.s8.s32 v20  }
0xd5: {  	s3 =	sshll.u32 s3, $0x6;
	v23 =	vunpack.c.l.s4.s8 v23  }
0xd6: {  	s3 =	sadd.s32 $0x0, s3;
	v18 =	vmax.f32 v18, v19;
	v19 =	vcombine.low v20, v21;
	v20 =	vunpack.c.0.s8.s32 v22  }
0xd7: {  	s29 =	sor.u32 $0x130, s3;
	v21 =	vunpack.c.0.s8.s32 v23;
	v22 =	vimm.s32 $0xEFCDAB89;
	v23 =	vimm.s32 $0x67452301  }
0xd8: {  	s5 =	sor.u32 $0x100, s3;
	v25 =	vld [tilespmem:s29+$0x4000];
	v22 =	vunpack.c.l.s4.s8 v22;
	v23 =	vunpack.c.l.s4.s8 v23;
	v19 =	vperm.xlane v18, v19  }
0xd9: {  	s4 =	simm.s32 $0x1;
	p0 =	por !p0, !p0;
	s6 =	sor.u32 $0x110, s3;
	v26 =	vld [tilespmem:s5+$0x4000];
	v20 =	vcombine.low v21, v20  }
0xda: {  	s4 =	simm.s32 @!p0 $0x0;
	v27 =	vld [tilespmem:s6+$0x4000];
	v21 =	vunpack.c.0.s8.s32 v23;
	v18 =	vmax.f32 v18, v19;
	v19 =	vunpack.c.0.s8.s32 v22  }
0xdb: {  	s4 =	sshll.u32 s4, $0x6;
	s3 =	sor.u32 $0x120, s3;
	v20 =	vperm.xlane v18, v20  }
0xdc: {  	s30 =	sadd.s32 $0x100, s4;
	v19 =	vcombine.low v21, v19;
	v21 =	vld [tilespmem:s3+$0x4000]  }
0xdd: {  	s31 =	sor.u32 $0x130, s30;
	v18 =	vmax.f32 v18, v20  }
0xde: {  	p0 =	por !p0, !p0;
	s4 =	simm.s32 $0x100;
	s7 =	sor.u32 $0x100, s30;
	v24 =	vld [tilespmem:s31+$0x4000];
	v20 =	vimm.f32 $-Inf;
	v19 =	vperm.xlane v18, v19  }
0xdf: {  	s5 =	sor.u32 $0x110, s30;
	s6 =	sor.u32 $0x120, s30;
	s3 =	simm.s32 $0x80;
	v22 =	vmax.f32 v20, v25;
	v23 =	vmax.f32 v20, v26;
	v26 =	vld [tilespmem:s7+$0x4000];
	v25 =	vmax.f32 v20, v27  }
.LBB2_13:
0xe0: {  	s7 =	simm.s32 $0x1  }
0xe1: {  	p1 =	sne.s32 s3, $0xFC0;
	s3 =	sadd.s32 $0x40, s3;
	v27 =	vld [tilespmem:s5+$0x4000];
	v20 =	vmax.f32 v20, v21;
	s7 =	simm.s32 @!p0 $0x0  }
.Ltmp6:
0xe2: {  	s4 =	sadd.s32 $0x100, s4;
	s5 =	sshll.u32 s7, $0x6;
	v21 =	vld [tilespmem:s6+$0x4000];
	(pc) =	sbr.rel @p1 .LBB2_13-.Ltmp6, $4  }
0xe3: {  	s6 =	sadd.s32 s5, s4  }
0xe4: {  	v22 =	vmax.f32 v22, v24;
	s7 =	sor.u32 $0x100, s6;
	s5 =	sor.u32 $0x110, s6;
	s8 =	sor.u32 $0x130, s6  }
0xe5: {  	s6 =	sor.u32 $0x120, s6;
	v23 =	vmax.f32 v23, v26;
	v24 =	vld [tilespmem:s8+$0x4000]  }
0xe6: {  	p0 =	por !p0, !p0;
	v25 =	vmax.f32 v25, v27;
	v26 =	vld [tilespmem:s7+$0x4000]  }
0xe7: {  	v27 =	vld [tilespmem:s5+$0x4000]  }
0xe8: {  	v28 =	vld [tilespmem:s6+$0x4000]  }
0xe9: {  	v29 =	vimm.s32 $0xFEDCBA98  }
0xea: {  	v30 =	vimm.s32 $0x76543210;
	v29 =	vunpack.c.l.s4.s8 v29  }
0xeb: {  	v20 =	vmax.f32 v20, v21;
	v21 =	vmax.f32 v22, v24;
	v22 =	vunpack.c.l.s4.s8 v30  }
0xec: {  	v23 =	vmax.f32 v23, v26;
	v24 =	vmax.f32 v25, v27;
	v25 =	vunpack.c.0.s8.s32 v29  }
0xed: {  	v20 =	vmax.f32 v20, v28;
	v22 =	vunpack.c.0.s8.s32 v22;
	v23 =	vmax.f32 v23, v24  }
0xee: {  	v20 =	vmax.f32 v20, v21;
	v24 =	vimm.s32 $0xBA98FEDC;
	v21 =	vand.u32 $0xF, v25  }
0xef: {  	v21 =	vcombine.low v21, v22;
	v22 =	vunpack.c.l.s4.s8 v24;
	v24 =	vimm.s32 $0x32107654  }
0xf0: {  	v20 =	vmax.f32 v23, v20;
	v23 =	vunpack.c.l.s4.s8 v24  }
0xf1: {  	p0 =	por $0x0, $0x0;
	s3 =	simm.s32 $0x1;
	v25 =	vimm.s32 $0x54761032;
	v24 =	vimm.s32 $0xDCFE98BA;
	v21 =	vperm.xlane v20, v21  }
0xf2: {  	s3 =	simm.s32 @!p0 $0x0;
	v22 =	vunpack.c.0.s8.s32 v22;
	v24 =	vunpack.c.l.s4.s8 v24;
	v23 =	vunpack.c.0.s8.s32 v23  }
0xf3: {  	s3 =	sshll.u32 s3, $0x6;
	v25 =	vunpack.c.l.s4.s8 v25  }
0xf4: {  	s3 =	sadd.s32 $0x0, s3;
	v20 =	vmax.f32 v20, v21;
	v21 =	vcombine.low v23, v22;
	v22 =	vunpack.c.0.s8.s32 v24  }
0xf5: {  	s4 =	sor.u32 $0x1B0, s3;
	v23 =	vunpack.c.0.s8.s32 v25;
	v24 =	vimm.s32 $0xEFCDAB89;
	v25 =	vimm.s32 $0x67452301  }
0xf6: {  	s28 =	sor.u32 $0x180, s3;
	v27 =	vld [tilespmem:s4+$0x4000];
	v24 =	vunpack.c.l.s4.s8 v24;
	v25 =	vunpack.c.l.s4.s8 v25;
	v21 =	vperm.xlane v20, v21  }
0xf7: {  	p0 =	por !p0, !p0;
	s29 =	sor.u32 $0x190, s3;
	s4 =	simm.s32 $0x1;
	v28 =	vld [tilespmem:s28+$0x4000];
	v22 =	vcombine.low v23, v22  }
0xf8: {  	v29 =	vld [tilespmem:s29+$0x4000];
	s4 =	simm.s32 @!p0 $0x0;
	v23 =	vunpack.c.0.s8.s32 v25;
	v20 =	vmax.f32 v20, v21;
	v21 =	vunpack.c.0.s8.s32 v24  }
0xf9: {  	s3 =	sor.u32 $0x1A0, s3;
	s4 =	sshll.u32 s4, $0x6;
	v22 =	vperm.xlane v20, v22  }
0xfa: {  	s30 =	sadd.s32 $0x100, s4;
	v21 =	vcombine.low v23, v21;
	v23 =	vld [tilespmem:s3+$0x4000]  }
0xfb: {  	s31 =	sor.u32 $0x1B0, s30;
	v20 =	vmax.f32 v20, v22  }
0xfc: {  	p0 =	por !p0, !p0;
	s4 =	simm.s32 $0x100;
	s7 =	sor.u32 $0x180, s30;
	v26 =	vld [tilespmem:s31+$0x4000];
	v22 =	vimm.f32 $-Inf;
	v21 =	vperm.xlane v20, v21  }
0xfd: {  	s5 =	sor.u32 $0x190, s30;
	s6 =	sor.u32 $0x1A0, s30;
	s3 =	simm.s32 $0x80;
	v24 =	vmax.f32 v22, v27;
	v25 =	vmax.f32 v22, v28;
	v28 =	vld [tilespmem:s7+$0x4000];
	v27 =	vmax.f32 v22, v29  }
.LBB2_15:
0xfe: {  	s7 =	simm.s32 $0x1  }
0xff: {  	p1 =	sne.s32 s3, $0xFC0;
	s3 =	sadd.s32 $0x40, s3;
	v29 =	vld [tilespmem:s5+$0x4000];
	v22 =	vmax.f32 v22, v23;
	s7 =	simm.s32 @!p0 $0x0  }
.Ltmp7:
0x100: {  	s4 =	sadd.s32 $0x100, s4;
	s5 =	sshll.u32 s7, $0x6;
	v23 =	vld [tilespmem:s6+$0x4000];
	(pc) =	sbr.rel @p1 .LBB2_15-.Ltmp7, $4  }
0x101: {  	s6 =	sadd.s32 s5, s4  }
0x102: {  	v24 =	vmax.f32 v24, v26;
	s7 =	sor.u32 $0x180, s6;
	s5 =	sor.u32 $0x190, s6;
	s8 =	sor.u32 $0x1B0, s6  }
0x103: {  	s6 =	sor.u32 $0x1A0, s6;
	v25 =	vmax.f32 v25, v28;
	v26 =	vld [tilespmem:s8+$0x4000]  }
0x104: {  	p0 =	por !p0, !p0;
	v27 =	vmax.f32 v27, v29;
	v28 =	vld [tilespmem:s7+$0x4000]  }
0x105: {  	v29 =	vld [tilespmem:s5+$0x4000]  }
0x106: {  	v30 =	vld [tilespmem:s6+$0x4000]  }
0x107: {  	v31 =	vimm.s32 $0xFEDCBA98  }
0x108: {  	v32 =	vimm.s32 $0x76543210;
	v31 =	vunpack.c.l.s4.s8 v31  }
0x109: {  	v22 =	vmax.f32 v22, v23;
	v23 =	vmax.f32 v24, v26;
	v24 =	vunpack.c.l.s4.s8 v32  }
0x10a: {  	v25 =	vmax.f32 v25, v28;
	v26 =	vmax.f32 v27, v29;
	v27 =	vunpack.c.0.s8.s32 v31  }
0x10b: {  	v22 =	vmax.f32 v22, v30;
	v24 =	vunpack.c.0.s8.s32 v24;
	v25 =	vmax.f32 v25, v26  }
0x10c: {  	v22 =	vmax.f32 v22, v23;
	v26 =	vimm.s32 $0xBA98FEDC;
	v23 =	vand.u32 $0xF, v27  }
0x10d: {  	v23 =	vcombine.low v23, v24;
	v24 =	vunpack.c.l.s4.s8 v26;
	v26 =	vimm.s32 $0x32107654  }
0x10e: {  	v22 =	vmax.f32 v25, v22;
	v25 =	vunpack.c.l.s4.s8 v26  }
0x10f: {  	v27 =	vimm.s32 $0x54761032;
	v26 =	vimm.s32 $0xDCFE98BA;
	v23 =	vperm.xlane v22, v23  }
0x110: {  	v24 =	vunpack.c.0.s8.s32 v24;
	v26 =	vunpack.c.l.s4.s8 v26;
	v25 =	vunpack.c.0.s8.s32 v25  }
0x111: {  	v27 =	vunpack.c.l.s4.s8 v27  }
0x112: {  	v22 =	vmax.f32 v22, v23;
	v23 =	vcombine.low v25, v24;
	v24 =	vunpack.c.0.s8.s32 v26  }
0x113: {  	v25 =	vunpack.c.0.s8.s32 v27;
	v26 =	vimm.s32 $0xEFCDAB89;
	v27 =	vimm.s32 $0x67452301  }
0x114: {  	s4 =	simm.s32 $0x1;
	v26 =	vunpack.c.l.s4.s8 v26;
	v27 =	vunpack.c.l.s4.s8 v27;
	v23 =	vperm.xlane v22, v23  }
0x115: {  	s3 =	simm.s32 $0x0;
	_ =	swait.ge [sflag:s4], $0x4000;
	v24 =	vcombine.low v25, v24  }
0x116: {  	s30 =	sand.u32 $0x40, s3;
	s31 =	sand.u32 $0x3E00, s3;
	[sflag:s4] =	ssyncset.done $0x0;
	v25 =	vunpack.c.0.s8.s32 v27;
	v22 =	vmax.f32 v22, v23;
	v23 =	vunpack.c.0.s8.s32 v26  }
0x117: {  	[sflag:s4] =	ssyncadd.s32 $0xFFFFC000;
	s4 =	sor.u32 s30, s31;
	v24 =	vperm.xlane v22, v24  }
0x118: {  	v23 =	vcombine.low v25, v23;
	v25 =	vld [tilespmem:s4+$0x30]  }
0x119: {  	v28 =	vimm.f32 $-Inf;
	v29 =	vimm.f32 $-Inf;
	v26 =	vld [tilespmem:s4+$0x0];
	v22 =	vmax.f32 v22, v24  }
0x11a: {  	s5 =	simm.s32 $0x40;
	v30 =	vld [tilespmem:s4+$0x10];
	v27 =	vimm.f32 $-Inf;
	v24 =	vimm.f32 $-Inf;
	v23 =	vperm.xlane v22, v23  }
.LBB2_17:
0x11b: {  	s6 =	sand.u32 $0x40, s5;
	v31 =	vld [tilespmem:s4+$0x20];
	s3 =	sadd.s32 $0x100, s3;
	p0 =	sne.s32 s5, $0xFC0  }
.Ltmp8:
0x11c: {  	s5 =	sadd.s32 $0x40, s5;
	s4 =	sand.u32 $0x3E00, s3;
	(pc) =	sbr.rel @p0 .LBB2_17-.Ltmp8, $4  }
0x11d: {  	s4 =	sor.u32 s6, s4;
	v24 =	vmax.f32 v24, v25  }
0x11e: {  	v25 =	vld [tilespmem:s4+$0x30];
	v28 =	vmax.f32 v28, v26  }
0x11f: {  	v26 =	vld [tilespmem:s4+$0x0];
	v29 =	vmax.f32 v29, v30  }
0x120: {  	v30 =	vld [tilespmem:s4+$0x10];
	v27 =	vmax.f32 v27, v31  }
0x121: {  	v31 =	vld [tilespmem:s4+$0x20]  }
0x122: {  	v32 =	vimm.s32 $0xFEDCBA98  }
0x123: {  	v33 =	vimm.s32 $0x76543210;
	v32 =	vunpack.c.l.s4.s8 v32  }
0x124: {  	v24 =	vmax.f32 v24, v25;
	v25 =	vunpack.c.l.s4.s8 v33  }
0x125: {  	v26 =	vmax.f32 v28, v26;
	v28 =	vmax.f32 v29, v30;
	v29 =	vunpack.c.0.s8.s32 v32  }
0x126: {  	v25 =	vunpack.c.0.s8.s32 v25;
	v27 =	vmax.f32 v27, v31;
	v26 =	vmax.f32 v26, v28  }
0x127: {  	v28 =	vimm.s32 $0xBA98FEDC;
	v24 =	vmax.f32 v27, v24;
	v27 =	vand.u32 $0xF, v29  }
0x128: {  	v25 =	vcombine.low v27, v25;
	v27 =	vunpack.c.l.s4.s8 v28;
	v28 =	vimm.s32 $0x32107654  }
0x129: {  	v24 =	vmax.f32 v26, v24;
	v26 =	vunpack.c.l.s4.s8 v28  }
0x12a: {  	v29 =	vimm.s32 $0x54761032;
	v28 =	vimm.s32 $0xDCFE98BA;
	v25 =	vperm.xlane v24, v25  }
0x12b: {  	v27 =	vunpack.c.0.s8.s32 v27;
	v28 =	vunpack.c.l.s4.s8 v28;
	v26 =	vunpack.c.0.s8.s32 v26  }
0x12c: {  	v29 =	vunpack.c.l.s4.s8 v29  }
0x12d: {  	v24 =	vmax.f32 v24, v25;
	v25 =	vcombine.low v26, v27;
	v26 =	vunpack.c.0.s8.s32 v28  }
0x12e: {  	v27 =	vunpack.c.0.s8.s32 v29;
	v28 =	vimm.s32 $0xEFCDAB89;
	v29 =	vimm.s32 $0x67452301  }
0x12f: {  	v28 =	vunpack.c.l.s4.s8 v28;
	v29 =	vunpack.c.l.s4.s8 v29;
	v25 =	vperm.xlane v24, v25  }
0x130: {  	s3 =	simm.s32 $0x0;
	v26 =	vcombine.low v27, v26  }
0x131: {  	s31 =	sand.u32 $0x40, s3;
	s5 =	sand.u32 $0x3E00, s3;
	v27 =	vunpack.c.0.s8.s32 v29;
	v24 =	vmax.f32 v24, v25;
	v25 =	vunpack.c.0.s8.s32 v28  }
0x132: {  	s4 =	sor.u32 s31, s5;
	v26 =	vperm.xlane v24, v26  }
0x133: {  	v25 =	vcombine.low v27, v25;
	v27 =	vld [tilespmem:s4+$0xB0]  }
0x134: {  	v30 =	vimm.f32 $-Inf;
	v31 =	vimm.f32 $-Inf;
	v28 =	vld [tilespmem:s4+$0x80];
	v24 =	vmax.f32 v24, v26  }
0x135: {  	s5 =	simm.s32 $0x40;
	v32 =	vld [tilespmem:s4+$0x90];
	v29 =	vimm.f32 $-Inf;
	v26 =	vimm.f32 $-Inf;
	v25 =	vperm.xlane v24, v25  }
.LBB2_19:
0x136: {  	s6 =	sand.u32 $0x40, s5;
	v33 =	vld [tilespmem:s4+$0xA0];
	s3 =	sadd.s32 $0x100, s3;
	p0 =	sne.s32 s5, $0xFC0  }
.Ltmp9:
0x137: {  	s5 =	sadd.s32 $0x40, s5;
	s4 =	sand.u32 $0x3E00, s3;
	(pc) =	sbr.rel @p0 .LBB2_19-.Ltmp9, $4  }
0x138: {  	s4 =	sor.u32 s6, s4;
	v26 =	vmax.f32 v26, v27  }
0x139: {  	v27 =	vld [tilespmem:s4+$0xB0];
	v30 =	vmax.f32 v30, v28  }
0x13a: {  	v28 =	vld [tilespmem:s4+$0x80];
	v31 =	vmax.f32 v31, v32  }
0x13b: {  	v32 =	vld [tilespmem:s4+$0x90];
	v29 =	vmax.f32 v29, v33  }
0x13c: {  	v33 =	vld [tilespmem:s4+$0xA0]  }
0x13d: {  	v34 =	vimm.s32 $0xFEDCBA98  }
0x13e: {  	v35 =	vimm.s32 $0x76543210;
	v34 =	vunpack.c.l.s4.s8 v34  }
0x13f: {  	v26 =	vmax.f32 v26, v27;
	v27 =	vunpack.c.l.s4.s8 v35  }
0x140: {  	v28 =	vmax.f32 v30, v28;
	v30 =	vmax.f32 v31, v32;
	v31 =	vunpack.c.0.s8.s32 v34  }
0x141: {  	v27 =	vunpack.c.0.s8.s32 v27;
	v29 =	vmax.f32 v29, v33;
	v28 =	vmax.f32 v28, v30  }
0x142: {  	v30 =	vimm.s32 $0xBA98FEDC;
	v26 =	vmax.f32 v29, v26;
	v29 =	vand.u32 $0xF, v31  }
0x143: {  	v27 =	vcombine.low v29, v27;
	v29 =	vunpack.c.l.s4.s8 v30;
	v30 =	vimm.s32 $0x32107654  }
0x144: {  	v26 =	vmax.f32 v28, v26;
	v28 =	vunpack.c.l.s4.s8 v30  }
0x145: {  	p0 =	por $0x0, $0x0;
	s3 =	simm.s32 $0x1;
	v31 =	vimm.s32 $0x54761032;
	v30 =	vimm.s32 $0xDCFE98BA;
	v27 =	vperm.xlane v26, v27  }
0x146: {  	s3 =	simm.s32 @!p0 $0x0;
	v29 =	vunpack.c.0.s8.s32 v29;
	v30 =	vunpack.c.l.s4.s8 v30;
	v28 =	vunpack.c.0.s8.s32 v28  }
0x147: {  	s3 =	sshll.u32 s3, $0x6;
	v31 =	vunpack.c.l.s4.s8 v31  }
0x148: {  	s3 =	sadd.s32 $0x0, s3;
	v26 =	vmax.f32 v26, v27;
	v27 =	vcombine.low v28, v29;
	v28 =	vunpack.c.0.s8.s32 v30  }
0x149: {  	s29 =	sor.u32 $0x130, s3;
	v29 =	vunpack.c.0.s8.s32 v31;
	v30 =	vimm.s32 $0xEFCDAB89;
	v31 =	vimm.s32 $0x67452301  }
0x14a: {  	s5 =	sor.u32 $0x100, s3;
	v61 =	vld [tilespmem:s29+$0x0];
	v30 =	vunpack.c.l.s4.s8 v30;
	v31 =	vunpack.c.l.s4.s8 v31;
	v27 =	vperm.xlane v26, v27  }
0x14b: {  	s4 =	simm.s32 $0x1;
	p0 =	por !p0, !p0;
	s6 =	sor.u32 $0x110, s3;
	v62 =	vld [tilespmem:s5+$0x0];
	v28 =	vcombine.low v29, v28  }
0x14c: {  	s4 =	simm.s32 @!p0 $0x0;
	v63 =	vld [tilespmem:s6+$0x0];
	v29 =	vunpack.c.0.s8.s32 v31;
	v26 =	vmax.f32 v26, v27;
	v27 =	vunpack.c.0.s8.s32 v30  }
0x14d: {  	s4 =	sshll.u32 s4, $0x6;
	s3 =	sor.u32 $0x120, s3;
	v28 =	vperm.xlane v26, v28  }
0x14e: {  	s30 =	sadd.s32 $0x100, s4;
	v27 =	vcombine.low v29, v27;
	v29 =	vld [tilespmem:s3+$0x0]  }
0x14f: {  	s31 =	sor.u32 $0x130, s30;
	v26 =	vmax.f32 v26, v28  }
0x150: {  	p0 =	por !p0, !p0;
	s4 =	simm.s32 $0x100;
	s7 =	sor.u32 $0x100, s30;
	v32 =	vld [tilespmem:s31+$0x0];
	v28 =	vimm.f32 $-Inf;
	v27 =	vperm.xlane v26, v27  }
0x151: {  	s5 =	sor.u32 $0x110, s30;
	s6 =	sor.u32 $0x120, s30;
	v34 =	vld [tilespmem:s7+$0x0];
	s3 =	simm.s32 $0x80;
	v30 =	vmax.f32 v28, v61;
	v31 =	vmax.f32 v28, v62;
	v33 =	vmax.f32 v28, v63  }
.LBB2_21:
0x152: {  	s7 =	simm.s32 $0x1  }
0x153: {  	p1 =	sne.s32 s3, $0xFC0;
	s3 =	sadd.s32 $0x40, s3;
	v35 =	vld [tilespmem:s5+$0x0];
	v28 =	vmax.f32 v28, v29;
	s7 =	simm.s32 @!p0 $0x0  }
.Ltmp10:
0x154: {  	s4 =	sadd.s32 $0x100, s4;
	s5 =	sshll.u32 s7, $0x6;
	v29 =	vld [tilespmem:s6+$0x0];
	(pc) =	sbr.rel @p1 .LBB2_21-.Ltmp10, $4  }
0x155: {  	s6 =	sadd.s32 s5, s4  }
0x156: {  	v30 =	vmax.f32 v30, v32;
	s7 =	sor.u32 $0x100, s6;
	s5 =	sor.u32 $0x110, s6;
	s8 =	sor.u32 $0x130, s6  }
0x157: {  	s6 =	sor.u32 $0x120, s6;
	v31 =	vmax.f32 v31, v34;
	v32 =	vld [tilespmem:s8+$0x0]  }
0x158: {  	p0 =	por !p0, !p0;
	v33 =	vmax.f32 v33, v35;
	v34 =	vld [tilespmem:s7+$0x0]  }
0x159: {  	v36 =	vld [tilespmem:s6+$0x0]  }
0x15a: {  	v35 =	vld [tilespmem:s5+$0x0];
	v37 =	vimm.s32 $0xFEDCBA98  }
0x15b: {  	v38 =	vimm.s32 $0x76543210;
	v37 =	vunpack.c.l.s4.s8 v37  }
0x15c: {  	v28 =	vmax.f32 v28, v29;
	v29 =	vmax.f32 v30, v32;
	v30 =	vunpack.c.l.s4.s8 v38  }
0x15d: {  	v55 =	vimm.s32 $0xBA98FEDC;
	v54 =	vunpack.c.0.s8.s32 v37  }
0x15e: {  	v31 =	vmax.f32 v31, v34;
	v28 =	vmax.f32 v28, v36;
	v30 =	vunpack.c.0.s8.s32 v30  }
0x15f: {  	v53 =	vmax.f32 v33, v35;
	v28 =	vmax.f32 v28, v29;
	v29 =	vand.u32 $0xF, v54  }
0x160: {  	v56 =	vimm.s32 $0x32107654;
	v31 =	vmax.f32 v31, v53;
	v29 =	vcombine.low v29, v30  }
0x161: {  	v30 =	vunpack.c.l.s4.s8 v55;
	v28 =	vmax.f32 v31, v28;
	v31 =	vunpack.c.l.s4.s8 v56  }
0x162: {  	v57 =	vimm.s32 $0xDCFE98BA;
	p0 =	por $0x0, $0x0;
	s3 =	simm.s32 $0x1;
	v58 =	vimm.s32 $0x54761032  }
0x163: {  	s3 =	simm.s32 @!p0 $0x0;
	v29 =	vperm.xlane v28, v29;
	v30 =	vunpack.c.0.s8.s32 v30;
	v31 =	vunpack.c.0.s8.s32 v31  }
0x164: {  	s3 =	sshll.u32 s3, $0x6;
	v32 =	vunpack.c.l.s4.s8 v57;
	v33 =	vunpack.c.l.s4.s8 v58  }
0x165: {  	v59 =	vimm.s32 $0xEFCDAB89;
	s3 =	sadd.s32 $0x0, s3;
	v28 =	vmax.f32 v28, v29;
	v29 =	vcombine.low v31, v30  }
0x166: {  	v60 =	vimm.s32 $0x67452301;
	s4 =	sor.u32 $0x1B0, s3;
	v30 =	vunpack.c.0.s8.s32 v32;
	v31 =	vunpack.c.0.s8.s32 v33  }
0x167: {  	s29 =	sor.u32 $0x180, s3;
	v61 =	vld [tilespmem:s4+$0x0];
	v32 =	vunpack.c.l.s4.s8 v59;
	v33 =	vunpack.c.l.s4.s8 v60;
	v29 =	vperm.xlane v28, v29  }
0x168: {  	p0 =	por !p0, !p0;
	s30 =	sor.u32 $0x190, s3;
	s4 =	simm.s32 $0x1;
	v62 =	vld [tilespmem:s29+$0x0];
	v30 =	vcombine.low v31, v30  }
0x169: {  	v63 =	vld [tilespmem:s30+$0x0];
	s4 =	simm.s32 @!p0 $0x0;
	v31 =	vunpack.c.0.s8.s32 v33;
	v28 =	vmax.f32 v28, v29;
	v29 =	vunpack.c.0.s8.s32 v32  }
0x16a: {  	s3 =	sor.u32 $0x1A0, s3;
	s4 =	sshll.u32 s4, $0x6;
	v30 =	vperm.xlane v28, v30  }
0x16b: {  	s7 =	sadd.s32 $0x100, s4;
	v29 =	vcombine.low v31, v29;
	v31 =	vld [tilespmem:s3+$0x0]  }
0x16c: {  	s31 =	sor.u32 $0x1B0, s7;
	v28 =	vmax.f32 v28, v30  }
0x16d: {  	s5 =	simm.s32 $0x80;
	s6 =	simm.s32 $0x100;
	s8 =	sor.u32 $0x180, s7;
	v34 =	vld [tilespmem:s31+$0x0];
	v30 =	vimm.f32 $-Inf;
	v29 =	vperm.xlane v28, v29  }
0x16e: {  	p0 =	por !p0, !p0;
	s4 =	sor.u32 $0x190, s7;
	v36 =	vld [tilespmem:s8+$0x0];
	s3 =	sor.u32 $0x1A0, s7;
	v32 =	vmax.f32 v30, v61;
	v33 =	vmax.f32 v30, v62;
	v35 =	vmax.f32 v30, v63  }
.LBB2_23:
0x16f: {  	s7 =	simm.s32 $0x1  }
0x170: {  	p1 =	sne.s32 s5, $0xFC0;
	s5 =	sadd.s32 $0x40, s5;
	v37 =	vld [tilespmem:s4+$0x0];
	v30 =	vmax.f32 v30, v31;
	s7 =	simm.s32 @!p0 $0x0  }
.Ltmp11:
0x171: {  	s6 =	sadd.s32 $0x100, s6;
	s4 =	sshll.u32 s7, $0x6;
	v31 =	vld [tilespmem:s3+$0x0];
	(pc) =	sbr.rel @p1 .LBB2_23-.Ltmp11, $4  }
0x172: {  	s3 =	sadd.s32 s4, s6  }
0x173: {  	v32 =	vmax.f32 v32, v34;
	s7 =	sor.u32 $0x180, s3;
	s4 =	sor.u32 $0x190, s3;
	s8 =	sor.u32 $0x1B0, s3  }
0x174: {  	s3 =	sor.u32 $0x1A0, s3;
	v33 =	vmax.f32 v33, v36;
	v34 =	vld [tilespmem:s8+$0x0]  }
0x175: {  	p0 =	por !p0, !p0;
	v35 =	vmax.f32 v35, v37;
	v36 =	vld [tilespmem:s7+$0x0]  }
0x176: {  	v1 =	vadd.f32 v3, v1;
	v0 =	vmax.f32 v0, v2;
	vm0 =	vmmov $0x1  }
0x177: {  	v5 =	vmax.f32 v5, v7;
	vm13 =	vcmask $0x3330;
	vm1 =	vcmask $0x300  }
0x178: {  	v6 =	vadd.f32 v6, v4;
	vm2 =	vcmask $0x700;
	v7 =	vmax.f32 v9, v11  }
0x179: {  	vm14 =	vcmask $0x3730;
	v11 =	vadd.f32 v10, v8;
	vm4 =	vcmask $0xB00  }
0x17a: {  	vm5 =	vcmask $0x3B30;
	v15 =	vmax.f32 v13, v15;
	v37 =	vadd.f32 v14, v12  }
0x17b: {  	vm7 =	vcmask $0xF00;
	v38 =	vmax.f32 v30, v31;
	v42 =	vmax.f32 v16, v17  }
0x17c: {  	vm8 =	vcmask $0xF30;
	v43 =	vimm.s32 $0xFEDCBA98;
	v44 =	vimm.s32 $0x76543210  }
0x17d: {  	v45 =	vmax.f32 v18, v19;
	vm9 =	vcmask $0x1330;
	v47 =	vmax.f32 v20, v21  }
0x17e: {  	v48 =	vimm.s32 $0xBA98FEDC;
	v50 =	vimm.s32 $0x32107654;
	vm10 =	vcmask $0x1730  }
0x17f: {  	v52 =	vimm.s32 $0xDCFE98BA;
	v53 =	vimm.s32 $0x54761032;
	v56 =	vimm.s32 $0xEFCDAB89  }
0x180: {  	v57 =	vimm.s32 $0x67452301;
	vm1 =	vmor vm1, vm13;
	v0 =	vsel vm0, v0, v1  }
0x181: {  	v9 =	vld [tilespmem:s4+$0x0];
	v58 =	vmax.f32 v22, v23;
	vm0 =	vmor vm2, vm13;
	v0 =	vsel vm1, v0, v5  }
0x182: {  	v39 =	vld [tilespmem:s3+$0x0];
	vm11 =	vcmask $0x1B30;
	vm15 =	vmor vm2, vm14;
	v0 =	vsel vm0, v0, v6  }
0x183: {  	v3 =	vunpack.c.l.s4.s8 v44;
	v0 =	vsel vm15, v0, v7;
	v7 =	vunpack.c.l.s4.s8 v43  }
0x184: {  	vm6 =	vmor vm4, vm5;
	v49 =	vunpack.c.l.s4.s8 v48;
	v51 =	vunpack.c.l.s4.s8 v50  }
0x185: {  	v40 =	vmax.f32 v32, v34;
	v3 =	vunpack.c.0.s8.s32 v3;
	v46 =	vunpack.c.0.s8.s32 v7  }
0x186: {  	v5 =	vunpack.c.l.s4.s8 v52;
	vm0 =	vmor vm4, vm14;
	v41 =	vmax.f32 v33, v36  }
0x187: {  	v2 =	vmax.f32 v35, v9;
	v1 =	vmax.f32 v38, v39;
	v4 =	vand.u32 $0xF, v46  }
0x188: {  	v2 =	vmax.f32 v41, v2;
	v1 =	vmax.f32 v1, v40;
	v3 =	vcombine.low v4, v3  }
0x189: {  	v1 =	vmax.f32 v2, v1;
	v2 =	vunpack.c.0.s8.s32 v51;
	v4 =	vunpack.c.0.s8.s32 v49  }
0x18a: {  	v6 =	vunpack.c.l.s4.s8 v53;
	v54 =	vunpack.c.0.s8.s32 v5;
	v3 =	vperm.xlane v1, v3  }
0x18b: {  	v5 =	vunpack.c.l.s4.s8 v56;
	v0 =	vsel vm0, v0, v11;
	v2 =	vcombine.low v2, v4  }
0x18c: {  	vm0 =	vmor vm7, vm5;
	v55 =	vunpack.c.0.s8.s32 v6;
	v1 =	vmax.f32 v1, v3  }
0x18d: {  	v6 =	vunpack.c.l.s4.s8 v57;
	v0 =	vsel vm6, v0, v15;
	v2 =	vperm.xlane v1, v2  }
0x18e: {  	v59 =	vunpack.c.0.s8.s32 v5;
	v0 =	vsel vm0, v0, v37;
	v3 =	vcombine.low v55, v54  }
0x18f: {  	v60 =	vunpack.c.0.s8.s32 v6;
	v0 =	vsel vm8, v0, v42;
	v1 =	vmax.f32 v1, v2  }
0x190: {  	v61 =	vmax.f32 v24, v25;
	v0 =	vsel vm9, v0, v45;
	v3 =	vperm.xlane v1, v3  }
0x191: {  	vm12 =	vcmask $0x1F30;
	v0 =	vsel vm10, v0, v47;
	v2 =	vcombine.low v60, v59  }
0x192: {  	v62 =	vmax.f32 v26, v27;
	v0 =	vsel vm11, v0, v58;
	v1 =	vmax.f32 v1, v3  }
0x193: {  	vm13 =	vcmask $0x2330;
	v0 =	vsel vm12, v0, v61;
	v2 =	vperm.xlane v1, v2  }
0x194: {  	v63 =	vmax.f32 v28, v29;
	vm14 =	vcmask $0x2730;
	v0 =	vsel vm13, v0, v62  }
0x195: {  	vm15 =	vcmask $0x2B30;
	v0 =	vsel vm14, v0, v63;
	v1 =	vmax.f32 v1, v2  }
0x196: {  	s28 =	sshll.u32 s1, $0x4;
	s29 =	simm.s32 $0x0;
	v0 =	vsel vm15, v0, v1  }
0x197: {  	s30 =	simm.s32 $0x8000;
	s31 =	simm.s32 $0x3;
	s2 =	sadd.s32 s2, s28;
	[tilespmem:$0x8000] =	vst v0  }
0x198: {  	[hbm4b:s2+s29] =	stream.linear.scatter [tilespmem:s30], [sflag:$0x3], $0x80, $0x38;
	[tilespmem:$0x8080] =	vst v63  }
0x199: {  	_ =	swait.ge [sflag:s31], $0x80  }
0x19a: {  	[sflag:s31] =	ssyncset.done $0x0  }
0x19b: {  	[sflag:s31] =	ssyncadd.s32 $0xFFFFFF80  }
0x19c: {  	_ =	sfence.sel $0x180000  }
0x19d: {  	[bflag:$0x0] =	sbarrier.arrive $0xFFFF  }
0x19e: {  	p0 =	sne.s32 s1, $0x0;
	_ =	strace $0x90000047  }
0x19f: {  	s0 =	sadd.s32 @!p0 $0x100000, s0;
	[bflag:$0x2] =	sbarrier.arrive $0xFFFF  }
0x1a0: {  	[sflag:s0] =	ssyncadd.tile.s32 @!p0 $0x1;
	_ =	shalt  }
.Lfunc_end2:
_tile_overlayer_lowered:
.L_overlay_start_2:
0x1a1: {  	(tag) =	ssettag $0x2  }
0x1a2: {  	s0 =	rddreg [dreg:$0x0];
	s2 =	stileid.u32  }
0x1a3: {  	s1 =	rddreg [dreg:$0x1];
	p0 =	sne.s32 s2, $0x0  }
0x1a4: {  	s3 =	rddreg [dreg:$0x2];
	[bflag:$0x3] =	sbarrier.arrive $0xFFFF;
	s2 =	simm.s32 @!p0 $0x1C03  }
0x1a5: {  	[timem:s3], [sflag:s2] =	dma.local @!p0 [hbm:s0], s1  }
0x1a6: {  	s0 =	simm.s32 @!p0 $0x3  }
0x1a7: {  	_ =	swait.ge @!p0 [sflag:s0], s1  }
0x1a8: {  	s1 =	ssub.s32 @!p0 $0x0, s1;
	[sflag:s0] =	ssyncset.done @!p0 $0x0  }
0x1a9: {  	[sflag:s0] =	ssyncadd.s32 @!p0 s1  }
0x1aa: {  	[bflag:$0x3] =	sbarrier.arrive $0xFFFF  }
0x1ab: {  	_ =	shalt  }

</sc_bundles>
